<compile_context>
chip_gen: v7x
topology: tpu7x:2x2x1
jax: 0.10.2.dev20260603
libtpu: 0.0.44.dev20260713+nightly
codegen_flags: <defaults>
</compile_context>

<pallas_src>
import functools

import jax
import jax.numpy as jnp
from jax import lax
from jax.experimental import pallas as pl
from jax.experimental.pallas import tpu as pltpu
from jax.experimental.pallas import tpu_sc as plsc

NC = 2
NS = 16
NW = NC * NS
CB = 40
CB3 = 40

_LOG1P_C = (
    3.3869654e-08, 9.9999428e-01, -4.9983856e-01, 3.3154863e-01,
    -2.3982616e-01, 1.6582276e-01, -9.3252040e-02, 3.4849711e-02,
    -6.1514708e-03,
)


def _log1p_poly(t):
    y = jnp.full_like(t, _LOG1P_C[-1])
    for c in _LOG1P_C[-2::-1]:
        y = y * t + c
    return y


def _log1p_estrin(t):
    c = _LOG1P_C
    t2 = t * t
    t4 = t2 * t2
    p01 = c[0] + c[1] * t
    p23 = c[2] + c[3] * t
    p45 = c[4] + c[5] * t
    p67 = c[6] + c[7] * t
    q0 = p01 + p23 * t2
    q1 = p45 + p67 * t2
    return q0 + (q1 + c[8] * t4) * t4




def _proj_body(node_ref, ws_ref, bs_ref, wd_ref, bd_ref, hs_ref, hd_ref):
    x = node_ref[...]
    hs_ref[...] = jnp.dot(x, ws_ref[...], preferred_element_type=jnp.float32) + bs_ref[...]
    hd_ref[...] = jnp.dot(x, wd_ref[...], preferred_element_type=jnp.float32) + bd_ref[...]




def _s2_body(epw, nchunk, hsrc, hdst, src, dst, m_out,
             si0, si1, di0, di1, a0, a1, b0, b1, m0, m1,
             semg0, semg1, semw0, semw1, semi0, semi1):
    cid = lax.axis_index("c")
    sid = lax.axis_index("s")
    wid = sid * NC + cid
    SI = (si0, si1)
    DI = (di0, di1)
    A = (a0, a1)
    B = (b0, b1)
    M = (m0, m1)
    SG = (semg0, semg1)
    SW = (semw0, semw1)
    SEMI = (semi0, semi1)

    def launch_i(k, b):
        base = wid * epw + k * CB
        pltpu.async_copy(src.at[pl.ds(base, CB)], SI[b], SEMI[b])
        pltpu.async_copy(dst.at[pl.ds(base, CB)], DI[b], SEMI[b])

    def wait_i(k, b):
        base = wid * epw + k * CB
        pltpu.make_async_copy(src.at[pl.ds(base, CB)], SI[b], SEMI[b]).wait()
        pltpu.make_async_copy(dst.at[pl.ds(base, CB)], DI[b], SEMI[b]).wait()

    def launch_g(k, bn):
        pltpu.async_copy(hsrc.at[SI[bn]], A[bn], SG[bn])
        pltpu.async_copy(hdst.at[DI[bn]], B[bn], SG[bn])

    def wait_g(k, bn):
        pltpu.make_async_copy(hsrc.at[SI[bn]], A[bn], SG[bn]).wait()
        pltpu.make_async_copy(hdst.at[DI[bn]], B[bn], SG[bn]).wait()

    def launch_w(k, b):
        base = wid * epw + k * CB
        pltpu.async_copy(M[b], m_out.at[pl.ds(base, CB)], SW[b])

    def wait_w(k, b):
        base = wid * epw + k * CB
        pltpu.make_async_copy(M[b], m_out.at[pl.ds(base, CB)], SW[b]).wait()

    def compute(k, b):
        av, bv, mv = A[b], B[b], M[b]

        def edge_body(e, c2):
            for cg in range(16):
                sl = pl.ds(cg * 16, 16)
                mv[e, sl] = av[e, sl] + bv[e, sl]
            return c2

        lax.fori_loop(0, CB, edge_body, 0, unroll=False)

    base0 = wid * epw
    pltpu.sync_copy(src.at[pl.ds(base0, CB)], SI[0])
    pltpu.sync_copy(dst.at[pl.ds(base0, CB)], DI[0])
    launch_g(0, 0)
    launch_i(1, 1)
    ng = nchunk // 2

    def body(g, carry):
        for j in range(2):
            k = 2 * g + j
            b = j
            bn = 1 - j

            def adv():
                wait_i(k + 1, bn)
                launch_g(k + 1, bn)

            if j == 0:
                adv()
            else:
                pl.when(g < ng - 1)(adv)

            @pl.when(g > 0)
            def _():
                wait_w(k - 2, b)

            wait_g(k, b)

            @pl.when(g < ng - 1)
            def _():
                launch_i(k + 2, b)

            compute(k, b)
            launch_w(k, b)
        return carry

    lax.fori_loop(0, ng, body, 0, unroll=False)
    wait_w(nchunk - 2, 0)
    wait_w(nchunk - 1, 1)




def _stats_body(mp_ref, ef_ref, we_ref, be_ref, out_ref):
    i = pl.program_id(0)
    c = jnp.dot(ef_ref[...], we_ref[...], preferred_element_type=jnp.float32)
    m = mp_ref[...] + c + be_ref[...]
    s1 = jnp.sum(m, axis=0, keepdims=True)
    s2 = jnp.sum(m * m, axis=0, keepdims=True)
    blk = jnp.concatenate([s1, s2], axis=0)

    @pl.when(i == 0)
    def _():
        out_ref[...] = blk

    @pl.when(i > 0)
    def _():
        out_ref[...] = out_ref[...] + blk


def _act_body(mp_ref, ef_ref, we_ref, be_ref, par_ref, out_ref):
    c = jnp.dot(ef_ref[...], we_ref[...], preferred_element_type=jnp.float32)
    m = mp_ref[...] + c + be_ref[...]
    z = m * par_ref[0:1, :] + par_ref[1:2, :]
    f = z[:, :128]
    s = z[:, 128:]
    sig = 1.0 / (1.0 + jnp.exp(-f))
    sp = jnp.maximum(s, 0.0) + jnp.log1p(jnp.exp(-jnp.abs(s)))
    out_ref[...] = sig * sp




def _s3_body(n_pad, epw, nchunk, act_in, dst, out,
             di0, di1, di2, di3, di4, ac0, ac1, ac2, ac3, ac4,
             h_sh,
             sr0, sr1, sr2, sr3, sr4, ss0, ss1, ss2, ss3, ss4):
    cid = lax.axis_index("c")
    sid = lax.axis_index("s")
    wid = sid * NC + cid
    rows_per_tile = n_pad // NS
    DI = (di0, di1, di2, di3, di4)
    ACT = (ac0, ac1, ac2, ac3, ac4)
    SR = (sr0, sr1, sr2, sr3, sr4)
    SS = (ss0, ss1, ss2, ss3, ss4)

    def zrow(r, c2):
        for g in range(8):
            ac0[r, pl.ds(g * 16, 16)] = jnp.zeros((16,), jnp.float32)
        return c2

    lax.fori_loop(0, CB3, zrow, 0, unroll=False)

    def zcopy(i, c2):
        pltpu.sync_copy(ac0, h_sh.at[pl.ds(sid * rows_per_tile + i * CB3, CB3)])
        return c2

    lax.fori_loop(0, rows_per_tile // CB3, zcopy, 0, unroll=False)
    plsc.subcore_barrier()

    def launch_r(k, b):
        base = wid * epw + k * CB3
        pltpu.async_copy(act_in.at[pl.ds(base, CB3)], ACT[b], SR[b])
        pltpu.async_copy(dst.at[pl.ds(base, CB3)], DI[b], SR[b])

    def wait_r(k, b):
        base = wid * epw + k * CB3
        pltpu.make_async_copy(act_in.at[pl.ds(base, CB3)], ACT[b], SR[b]).wait()
        pltpu.make_async_copy(dst.at[pl.ds(base, CB3)], DI[b], SR[b]).wait()

    def launch_s(k, b):
        pltpu.async_copy(ACT[b], h_sh.at[DI[b]], SS[b], add=True)

    def wait_s(k, b):
        pltpu.make_async_copy(ACT[b], h_sh.at[DI[b]], SS[b]).wait()

    launch_r(0, 0)
    ng = nchunk // 5

    def body(g, carry):
        for j in range(5):
            k = 5 * g + j
            b = j
            bn = (j + 1) % 5

            def drain():
                wait_s(k - 4, bn)

            if j >= 4:
                drain()
            else:
                pl.when(g > 0)(drain)

            def adv():
                launch_r(k + 1, bn)

            if j == 4:
                pl.when(g < ng - 1)(adv)
            else:
                adv()

            wait_r(k, b)
            launch_s(k, b)
        return carry

    lax.fori_loop(0, ng, body, 0, unroll=False)
    for k in range(nchunk - 4, nchunk):
        wait_s(k, k % 5)
    plsc.subcore_barrier()
    r0 = sid * rows_per_tile
    pltpu.sync_copy(h_sh.at[pl.ds(r0, rows_per_tile)],
                    out.at[cid, pl.ds(r0, rows_per_tile)])




def _g4_body(p_ref, node_ref, gn_ref, bn_ref, out_ref):
    h = p_ref[0] + p_ref[1]
    mean = jnp.mean(h, axis=0, keepdims=True)
    var = jnp.mean((h - mean) ** 2, axis=0, keepdims=True)
    hn = gn_ref[...] * (h - mean) * lax.rsqrt(var + 1e-5) + bn_ref[...]
    x = node_ref[...] + hn
    out_ref[...] = jnp.maximum(x, 0.0) + jnp.log1p(jnp.exp(-jnp.abs(x)))




def kernel(node_feats, edge_feats, edge_index, W_src, b_src, W_dst, b_dst,
           W_edge, b_edge, gamma_m, beta_m, gamma_n, beta_n):
    n_nodes, d = node_feats.shape
    n_edges, de = edge_feats.shape
    d2 = 2 * d
    assert n_edges % NW == 0
    epw = n_edges // NW
    assert epw % CB == 0
    nchunk = epw // CB
    assert nchunk % 2 == 0 and nchunk >= 4
    assert epw % CB3 == 0
    nchunk3 = epw // CB3
    assert nchunk3 % 5 == 0 and nchunk3 >= 10
    n_pad = ((n_nodes + NS * 40 - 1) // (NS * 40)) * (NS * 40)
    assert (n_pad // NS) % CB3 == 0

    src = edge_index[0]
    dst = edge_index[1]

    nb = 10
    bn_rows = n_nodes // nb
    h_src, h_dst = pl.pallas_call(
        _proj_body,
        grid=(nb,),
        in_specs=[
            pl.BlockSpec((bn_rows, d), lambda i: (i, 0)),
            pl.BlockSpec((d, d2), lambda i: (0, 0)),
            pl.BlockSpec((1, d2), lambda i: (0, 0)),
            pl.BlockSpec((d, d2), lambda i: (0, 0)),
            pl.BlockSpec((1, d2), lambda i: (0, 0)),
        ],
        out_specs=[
            pl.BlockSpec((bn_rows, d2), lambda i: (i, 0)),
            pl.BlockSpec((bn_rows, d2), lambda i: (i, 0)),
        ],
        out_shape=[
            jax.ShapeDtypeStruct((n_nodes, d2), jnp.float32),
            jax.ShapeDtypeStruct((n_nodes, d2), jnp.float32),
        ],
    )(node_feats, W_src, b_src.reshape(1, d2), W_dst, b_dst.reshape(1, d2))

    mesh = plsc.VectorSubcoreMesh(core_axis_name="c", subcore_axis_name="s")
    s2 = functools.partial(
        pl.kernel,
        out_type=jax.ShapeDtypeStruct((n_edges, d2), jnp.float32),
        mesh=mesh,
        scratch_types=(
            [pltpu.VMEM((CB,), jnp.int32)] * 4
            + [pltpu.VMEM((CB, d2), jnp.float32)] * 6
            + [pltpu.SemaphoreType.DMA] * 6
        ),
    )(functools.partial(_s2_body, epw, nchunk))
    m_arr = s2(h_src, h_dst, src, dst)

    eb = 80
    be_rows = n_edges // eb
    ssum = pl.pallas_call(
        _stats_body,
        grid=(eb,),
        in_specs=[
            pl.BlockSpec((be_rows, d2), lambda i: (i, 0)),
            pl.BlockSpec((be_rows, de), lambda i: (i, 0)),
            pl.BlockSpec((de, d2), lambda i: (0, 0)),
            pl.BlockSpec((1, d2), lambda i: (0, 0)),
        ],
        out_specs=pl.BlockSpec((2, d2), lambda i: (0, 0)),
        out_shape=jax.ShapeDtypeStruct((2, d2), jnp.float32),
    )(m_arr, edge_feats, W_edge, b_edge.reshape(1, d2))

    mean = ssum[0] / n_edges
    var = jnp.maximum(ssum[1] / n_edges - mean * mean, 0.0)
    scale = gamma_m * lax.rsqrt(var + 1e-5)
    shift = beta_m - mean * scale
    params = jnp.stack([scale, shift])

    act = pl.pallas_call(
        _act_body,
        grid=(eb,),
        in_specs=[
            pl.BlockSpec((be_rows, d2), lambda i: (i, 0)),
            pl.BlockSpec((be_rows, de), lambda i: (i, 0)),
            pl.BlockSpec((de, d2), lambda i: (0, 0)),
            pl.BlockSpec((1, d2), lambda i: (0, 0)),
            pl.BlockSpec((2, d2), lambda i: (0, 0)),
        ],
        out_specs=pl.BlockSpec((be_rows, d), lambda i: (i, 0)),
        out_shape=jax.ShapeDtypeStruct((n_edges, d), jnp.float32),
    )(m_arr, edge_feats, W_edge, b_edge.reshape(1, d2), params)

    s3 = functools.partial(
        pl.kernel,
        out_type=jax.ShapeDtypeStruct((NC, n_pad, d), jnp.float32),
        mesh=mesh,
        scratch_types=(
            [pltpu.VMEM((CB3,), jnp.int32)] * 5
            + [pltpu.VMEM((CB3, d), jnp.float32)] * 5
            + [pltpu.VMEM_SHARED((n_pad, d), jnp.float32)]
            + [pltpu.SemaphoreType.DMA] * 10
        ),
    )(functools.partial(_s3_body, n_pad, epw, nchunk3))
    partials = s3(act, dst)

    out = pl.pallas_call(
        _g4_body,
        grid=(1,),
        in_specs=[
            pl.BlockSpec((NC, n_nodes, d), lambda i: (0, 0, 0)),
            pl.BlockSpec((n_nodes, d), lambda i: (0, 0)),
            pl.BlockSpec((1, d), lambda i: (0, 0)),
            pl.BlockSpec((1, d), lambda i: (0, 0)),
        ],
        out_specs=pl.BlockSpec((n_nodes, d), lambda i: (0, 0)),
        out_shape=jax.ShapeDtypeStruct((n_nodes, d), jnp.float32),
    )(partials, node_feats, gamma_n.reshape(1, d), beta_n.reshape(1, d))
    return out

# --- scband reference (transcript-rebuilt; emitter-appended) ---
"""Pipeline reference for scband-cgcnn-3496103379077 (READ-ONLY COPY).

The authoritative reference and input builder live on the scoring server;
editing this copy changes nothing except your own understanding.
"""

import jax, jax.numpy as jnp
import numpy as np

N, E, D, DE = 10000, 320000, 128, 16

def batch_norm(x, gamma, beta, eps=1e-5):
    mean = jnp.mean(x, axis=0)
    var = jnp.var(x, axis=0)
    return gamma * (x - mean) / jnp.sqrt(var + eps) + beta

def setup_inputs(seed: int = 0) -> dict:
    key = jax.random.key(seed)
    ks = jax.random.split(key, 8)
    node_feats = jax.random.normal(ks[0], (N, D), dtype=jnp.float32)
    edge_feats = jax.random.normal(ks[1], (E, DE), dtype=jnp.float32)
    edge_index = jax.random.randint(ks[2], (2, E), 0, N, dtype=jnp.int32)
    W_src = jax.random.normal(ks[3], (D, 2 * D), dtype=jnp.float32) / np.sqrt(D)
    b_src = jnp.zeros((2 * D,), dtype=jnp.float32)
    W_dst = jax.random.normal(ks[4], (D, 2 * D), dtype=jnp.float32) / np.sqrt(D)
    b_dst = jnp.zeros((2 * D,), dtype=jnp.float32)
    W_edge = jax.random.normal(ks[5], (DE, 2 * D), dtype=jnp.float32) / np.sqrt(DE)
    b_edge = jnp.zeros((2 * D,), dtype=jnp.float32)
    gamma_m = jnp.ones((2 * D,), dtype=jnp.float32)
    beta_m = jnp.zeros((2 * D,), dtype=jnp.float32)
    gamma_n = jnp.ones((D,), dtype=jnp.float32)
    beta_n = jnp.zeros((D,), dtype=jnp.float32)
    return {"node_feats": node_feats, "edge_feats": edge_feats, "edge_index": edge_index,
            "W_src": W_src, "b_src": b_src, "W_dst": W_dst, "b_dst": b_dst,
            "W_edge": W_edge, "b_edge": b_edge, "gamma_m": gamma_m, "beta_m": beta_m,
            "gamma_n": gamma_n, "beta_n": beta_n}

def reference(node_feats, edge_feats, edge_index, W_src, b_src, W_dst, b_dst,
              W_edge, b_edge, gamma_m, beta_m, gamma_n, beta_n):
    src = edge_index[0]
    dst = edge_index[1]
    h_src = node_feats @ W_src + b_src
    h_dst = node_feats @ W_dst + b_dst
    # u_add_v: gather per-edge source and destination transformed features
    m = jnp.take(h_src, src, axis=0) + jnp.take(h_dst, dst, axis=0) + (edge_feats @ W_edge + b_edge)
    m = batch_norm(m, gamma_m, beta_m)
    h_f, h_s = jnp.split(m, 2, axis=1)
    m = jax.nn.sigmoid(h_f) * jax.nn.softplus(h_s)
    # copy_e -> sum reduce onto destination nodes (scatter-add / segment_sum)
    h = jax.ops.segment_sum(m, dst, num_segments=N)
    h = batch_norm(h, gamma_n, beta_n)
    out = jax.nn.softplus(node_feats + h)
    return out

if __name__ == "__main__":
    import jax
    _d = setup_inputs()
    print(jax.jit(kernel)(*tuple(_d.values())))

</pallas_src>

<mosaic_0001>
#map = affine_map<(d0, d1) -> (0, 0)>
#map1 = affine_map<(d0, d1) -> (0)>
#map2 = affine_map<(d0, d1) -> (0, 0, 0)>
module attributes {stable_mosaic.version = 14 : i64} {
  func.func @_s3_body(%arg0: i32, %arg1: i32, %arg2: memref<320000x128xf32, #tpu.memory_space<hbm>>, %arg3: memref<320000xi32, #tpu.memory_space<hbm>>, %arg4: memref<2x10240x128xf32, #tpu.memory_space<hbm>>, %arg5: memref<40xi32, #tpu.memory_space<vmem>>, %arg6: memref<40xi32, #tpu.memory_space<vmem>>, %arg7: memref<40xi32, #tpu.memory_space<vmem>>, %arg8: memref<40xi32, #tpu.memory_space<vmem>>, %arg9: memref<40xi32, #tpu.memory_space<vmem>>, %arg10: memref<40x128xf32, #tpu.memory_space<vmem>>, %arg11: memref<40x128xf32, #tpu.memory_space<vmem>>, %arg12: memref<40x128xf32, #tpu.memory_space<vmem>>, %arg13: memref<40x128xf32, #tpu.memory_space<vmem>>, %arg14: memref<40x128xf32, #tpu.memory_space<vmem>>, %arg15: memref<10240x128xf32, #tpu.memory_space<vmem_shared>>, %arg16: memref<!tpu.dma_semaphore, #tpu.memory_space<semaphore_mem>>, %arg17: memref<!tpu.dma_semaphore, #tpu.memory_space<semaphore_mem>>, %arg18: memref<!tpu.dma_semaphore, #tpu.memory_space<semaphore_mem>>, %arg19: memref<!tpu.dma_semaphore, #tpu.memory_space<semaphore_mem>>, %arg20: memref<!tpu.dma_semaphore, #tpu.memory_space<semaphore_mem>>, %arg21: memref<!tpu.dma_semaphore, #tpu.memory_space<semaphore_mem>>, %arg22: memref<!tpu.dma_semaphore, #tpu.memory_space<semaphore_mem>>, %arg23: memref<!tpu.dma_semaphore, #tpu.memory_space<semaphore_mem>>, %arg24: memref<!tpu.dma_semaphore, #tpu.memory_space<semaphore_mem>>, %arg25: memref<!tpu.dma_semaphore, #tpu.memory_space<semaphore_mem>>) attributes {dimension_semantics = [#tpu.dimension_semantics<core_parallel>, #tpu.dimension_semantics<subcore_parallel>], iteration_bounds = array<i64: 2, 16>, scalar_prefetch = 0 : i64, scratch_operands = 21 : i64, tpu.core_type = #tpu.core_type<sc_vector_subcore>, window_params = [{transform_indices = #map}, {transform_indices = #map1}, {transform_indices = #map2}]} {
    %mul3A = arith.constant 2 : i32
    %mul3A_0 = arith.muli %arg1, %mul3A : i32
    %add3A = arith.addi %mul3A_0, %arg0 : i32
    %scan3A = arith.constant 0 : i32
    %scan3A_1 = arith.constant 0 : i32
    %scan3A_2 = arith.constant 40 : i32
    %scan3A_3 = arith.addi %scan3A_1, %scan3A_2 : i32
    %scan3A_4 = arith.constant 1 : i32
    scf.for %scan3A_41 = %scan3A_1 to %scan3A_3 step %scan3A_4  : i32 {
      %broadcast_in_dim3A = arith.constant 0.000000e+00 : f32
      %broadcast_in_dim3A_42 = vector.broadcast %broadcast_in_dim3A : f32 to vector<16xf32>
      %swap3A = arith.index_cast %scan3A_41 : i32 to index
      %swap3A_43 = arith.constant 0 : index
      %swap3A_44 = tpu.vector_load %arg10[%swap3A, %swap3A_43] {strides = array<i32>} : memref<40x128xf32, #tpu.memory_space<vmem>>, vector<1x16xf32>,
      %swap3A_45 = vector.shape_cast %swap3A_44 : vector<1x16xf32> to vector<16xf32>
      %swap3A_46 = vector.shape_cast %broadcast_in_dim3A_42 : vector<16xf32> to vector<1x16xf32>
      tpu.vector_store %arg10[%swap3A, %swap3A_43], %swap3A_46 {strides = array<i32>} : memref<40x128xf32, #tpu.memory_space<vmem>>, vector<1x16xf32>,
      %broadcast_in_dim3A_47 = arith.constant 0.000000e+00 : f32
      %broadcast_in_dim3A_48 = vector.broadcast %broadcast_in_dim3A_47 : f32 to vector<16xf32>
      %swap3A_49 = arith.index_cast %scan3A_41 : i32 to index
      %swap3A_50 = arith.constant 16 : index
      %swap3A_51 = tpu.vector_load %arg10[%swap3A_49, %swap3A_50] {strides = array<i32>} : memref<40x128xf32, #tpu.memory_space<vmem>>, vector<1x16xf32>,
      %swap3A_52 = vector.shape_cast %swap3A_51 : vector<1x16xf32> to vector<16xf32>
      %swap3A_53 = vector.shape_cast %broadcast_in_dim3A_48 : vector<16xf32> to vector<1x16xf32>
      tpu.vector_store %arg10[%swap3A_49, %swap3A_50], %swap3A_53 {strides = array<i32>} : memref<40x128xf32, #tpu.memory_space<vmem>>, vector<1x16xf32>,
      %broadcast_in_dim3A_54 = arith.constant 0.000000e+00 : f32
      %broadcast_in_dim3A_55 = vector.broadcast %broadcast_in_dim3A_54 : f32 to vector<16xf32>
      %swap3A_56 = arith.index_cast %scan3A_41 : i32 to index
      %swap3A_57 = arith.constant 32 : index
      %swap3A_58 = tpu.vector_load %arg10[%swap3A_56, %swap3A_57] {strides = array<i32>} : memref<40x128xf32, #tpu.memory_space<vmem>>, vector<1x16xf32>,
      %swap3A_59 = vector.shape_cast %swap3A_58 : vector<1x16xf32> to vector<16xf32>
      %swap3A_60 = vector.shape_cast %broadcast_in_dim3A_55 : vector<16xf32> to vector<1x16xf32>
      tpu.vector_store %arg10[%swap3A_56, %swap3A_57], %swap3A_60 {strides = array<i32>} : memref<40x128xf32, #tpu.memory_space<vmem>>, vector<1x16xf32>,
      %broadcast_in_dim3A_61 = arith.constant 0.000000e+00 : f32
      %broadcast_in_dim3A_62 = vector.broadcast %broadcast_in_dim3A_61 : f32 to vector<16xf32>
      %swap3A_63 = arith.index_cast %scan3A_41 : i32 to index
      %swap3A_64 = arith.constant 48 : index
      %swap3A_65 = tpu.vector_load %arg10[%swap3A_63, %swap3A_64] {strides = array<i32>} : memref<40x128xf32, #tpu.memory_space<vmem>>, vector<1x16xf32>,
      %swap3A_66 = vector.shape_cast %swap3A_65 : vector<1x16xf32> to vector<16xf32>
      %swap3A_67 = vector.shape_cast %broadcast_in_dim3A_62 : vector<16xf32> to vector<1x16xf32>
      tpu.vector_store %arg10[%swap3A_63, %swap3A_64], %swap3A_67 {strides = array<i32>} : memref<40x128xf32, #tpu.memory_space<vmem>>, vector<1x16xf32>,
      %broadcast_in_dim3A_68 = arith.constant 0.000000e+00 : f32
      %broadcast_in_dim3A_69 = vector.broadcast %broadcast_in_dim3A_68 : f32 to vector<16xf32>
      %swap3A_70 = arith.index_cast %scan3A_41 : i32 to index
      %swap3A_71 = arith.constant 64 : index
      %swap3A_72 = tpu.vector_load %arg10[%swap3A_70, %swap3A_71] {strides = array<i32>} : memref<40x128xf32, #tpu.memory_space<vmem>>, vector<1x16xf32>,
      %swap3A_73 = vector.shape_cast %swap3A_72 : vector<1x16xf32> to vector<16xf32>
      %swap3A_74 = vector.shape_cast %broadcast_in_dim3A_69 : vector<16xf32> to vector<1x16xf32>
      tpu.vector_store %arg10[%swap3A_70, %swap3A_71], %swap3A_74 {strides = array<i32>} : memref<40x128xf32, #tpu.memory_space<vmem>>, vector<1x16xf32>,
      %broadcast_in_dim3A_75 = arith.constant 0.000000e+00 : f32
      %broadcast_in_dim3A_76 = vector.broadcast %broadcast_in_dim3A_75 : f32 to vector<16xf32>
      %swap3A_77 = arith.index_cast %scan3A_41 : i32 to index
      %swap3A_78 = arith.constant 80 : index
      %swap3A_79 = tpu.vector_load %arg10[%swap3A_77, %swap3A_78] {strides = array<i32>} : memref<40x128xf32, #tpu.memory_space<vmem>>, vector<1x16xf32>,
      %swap3A_80 = vector.shape_cast %swap3A_79 : vector<1x16xf32> to vector<16xf32>
      %swap3A_81 = vector.shape_cast %broadcast_in_dim3A_76 : vector<16xf32> to vector<1x16xf32>
      tpu.vector_store %arg10[%swap3A_77, %swap3A_78], %swap3A_81 {strides = array<i32>} : memref<40x128xf32, #tpu.memory_space<vmem>>, vector<1x16xf32>,
      %broadcast_in_dim3A_82 = arith.constant 0.000000e+00 : f32
      %broadcast_in_dim3A_83 = vector.broadcast %broadcast_in_dim3A_82 : f32 to vector<16xf32>
      %swap3A_84 = arith.index_cast %scan3A_41 : i32 to index
      %swap3A_85 = arith.constant 96 : index
      %swap3A_86 = tpu.vector_load %arg10[%swap3A_84, %swap3A_85] {strides = array<i32>} : memref<40x128xf32, #tpu.memory_space<vmem>>, vector<1x16xf32>,
      %swap3A_87 = vector.shape_cast %swap3A_86 : vector<1x16xf32> to vector<16xf32>
      %swap3A_88 = vector.shape_cast %broadcast_in_dim3A_83 : vector<16xf32> to vector<1x16xf32>
      tpu.vector_store %arg10[%swap3A_84, %swap3A_85], %swap3A_88 {strides = array<i32>} : memref<40x128xf32, #tpu.memory_space<vmem>>, vector<1x16xf32>,
      %broadcast_in_dim3A_89 = arith.constant 0.000000e+00 : f32
      %broadcast_in_dim3A_90 = vector.broadcast %broadcast_in_dim3A_89 : f32 to vector<16xf32>
      %swap3A_91 = arith.index_cast %scan3A_41 : i32 to index
      %swap3A_92 = arith.constant 112 : index
      %swap3A_93 = tpu.vector_load %arg10[%swap3A_91, %swap3A_92] {strides = array<i32>} : memref<40x128xf32, #tpu.memory_space<vmem>>, vector<1x16xf32>,
      %swap3A_94 = vector.shape_cast %swap3A_93 : vector<1x16xf32> to vector<16xf32>
      %swap3A_95 = vector.shape_cast %broadcast_in_dim3A_90 : vector<16xf32> to vector<1x16xf32>
      tpu.vector_store %arg10[%swap3A_91, %swap3A_92], %swap3A_95 {strides = array<i32>} : memref<40x128xf32, #tpu.memory_space<vmem>>, vector<1x16xf32>,
    }
    %scan3A_5 = arith.constant 40 : i32
    %scan3A_6 = arith.constant 0 : i32
    %scan3A_7 = arith.constant 0 : i32
    %scan3A_8 = arith.constant 16 : i32
    %scan3A_9 = arith.addi %scan3A_7, %scan3A_8 : i32
    %scan3A_10 = arith.constant 1 : i32
    scf.for %scan3A_41 = %scan3A_7 to %scan3A_9 step %scan3A_10  : i32 {
      %mul3A_42 = arith.constant 640 : i32
      %mul3A_43 = arith.muli %arg1, %mul3A_42 : i32
      %mul3A_44 = arith.constant 40 : i32
      %mul3A_45 = arith.muli %scan3A_41, %mul3A_44 : i32
      %add3A_46 = arith.addi %mul3A_43, %mul3A_45 : i32
      "tpu.region"() ({
        %run_scoped3A = tpu.sem_alloc : memref<!tpu.dma_semaphore, #tpu.memory_space<semaphore_mem>>
        %dma_start3A_47 = arith.constant 0 : i32
        %dma_start3A_48 = tpu.memref_slice %arg15[%add3A_46, %dma_start3A_47] : memref<10240x128xf32, #tpu.memory_space<vmem_shared>> -> memref<40x128xf32, #tpu.memory_space<vmem_shared>>
        %dma_start3A_49 = arith.constant 0 : i32
        %dma_start3A_50 = tpu.memref_slice %arg15[%add3A_46, %dma_start3A_49] : memref<10240x128xf32, #tpu.memory_space<vmem_shared>> -> memref<40x128xf32, #tpu.memory_space<vmem_shared>>
        tpu.enqueue_dma source(%arg10 : memref<40x128xf32, #tpu.memory_space<vmem>>) target(%dma_start3A_50 : memref<40x128xf32, #tpu.memory_space<vmem_shared>>) target_semaphore(%run_scoped3A : memref<!tpu.dma_semaphore, #tpu.memory_space<semaphore_mem>>)
        %dma_wait3A_51 = arith.constant 0 : i32
        %dma_wait3A_52 = tpu.memref_slice %arg15[%add3A_46, %dma_wait3A_51] : memref<10240x128xf32, #tpu.memory_space<vmem_shared>> -> memref<40x128xf32, #tpu.memory_space<vmem_shared>>
        %dma_wait3A_53 = arith.constant 0 : i32
        %dma_wait3A_54 = tpu.memref_slice %arg15[%add3A_46, %dma_wait3A_53] : memref<10240x128xf32, #tpu.memory_space<vmem_shared>> -> memref<40x128xf32, #tpu.memory_space<vmem_shared>>
        tpu.wait_dma2 semaphore(%run_scoped3A : memref<!tpu.dma_semaphore, #tpu.memory_space<semaphore_mem>>) src(%arg10 : memref<40x128xf32, #tpu.memory_space<vmem>>) dst(%dma_wait3A_54 : memref<40x128xf32, #tpu.memory_space<vmem_shared>>)
        tpu.yield
      }) : () -> ()
    }
    %scan3A_11 = arith.constant 16 : i32
    %barrier3A = arith.constant 0 : index
    tpu.barrier barrier_id(%barrier3A)
    %mul3A_12 = arith.constant 10000 : i32
    %mul3A_13 = arith.muli %add3A, %mul3A_12 : i32
    %add3A_14 = arith.constant 0 : i32
    %add3A_15 = arith.addi %mul3A_13, %add3A_14 : i32
    %dma_start3A = arith.constant 0 : i32
    %dma_start3A_16 = tpu.memref_slice %arg2[%add3A_15, %dma_start3A] : memref<320000x128xf32, #tpu.memory_space<hbm>> -> memref<40x128xf32, #tpu.memory_space<hbm>>
    %dma_start3A_17 = arith.constant 0 : i32
    %dma_start3A_18 = tpu.memref_slice %arg2[%add3A_15, %dma_start3A_17] : memref<320000x128xf32, #tpu.memory_space<hbm>> -> memref<40x128xf32, #tpu.memory_space<hbm>>
    tpu.enqueue_dma source(%dma_start3A_18 : memref<40x128xf32, #tpu.memory_space<hbm>>) target(%arg10 : memref<40x128xf32, #tpu.memory_space<vmem>>) target_semaphore(%arg16 : memref<!tpu.dma_semaphore, #tpu.memory_space<semaphore_mem>>)
    %dma_start3A_19 = tpu.memref_slice %arg3[%add3A_15] : memref<320000xi32, #tpu.memory_space<hbm>> -> memref<40xi32, #tpu.memory_space<hbm>>
    %dma_start3A_20 = tpu.memref_slice %arg3[%add3A_15] : memref<320000xi32, #tpu.memory_space<hbm>> -> memref<40xi32, #tpu.memory_space<hbm>>
    tpu.enqueue_dma source(%dma_start3A_20 : memref<40xi32, #tpu.memory_space<hbm>>) target(%arg5 : memref<40xi32, #tpu.memory_space<vmem>>) target_semaphore(%arg16 : memref<!tpu.dma_semaphore, #tpu.memory_space<semaphore_mem>>)
    %scan3A_21 = arith.constant 0 : i32
    %scan3A_22 = arith.constant 0 : i32
    %scan3A_23 = arith.constant 50 : i32
    %scan3A_24 = arith.addi %scan3A_22, %scan3A_23 : i32
    %scan3A_25 = arith.constant 1 : i32
    scf.for %scan3A_41 = %scan3A_22 to %scan3A_24 step %scan3A_25  : i32 {
      %mul3A_42 = arith.constant 5 : i32
      %mul3A_43 = arith.muli %mul3A_42, %scan3A_41 : i32
      %add3A_44 = arith.constant 0 : i32
      %add3A_45 = arith.addi %mul3A_43, %add3A_44 : i32
      %gt3A = arith.constant 0 : i32
      %gt3A_46 = arith.cmpi sgt, %scan3A_41, %gt3A : i32
      %convert_element_type3A = arith.extui %gt3A_46 : i1 to i32
      %cond3A = arith.constant 0 : i32
      %cond3A_47 = arith.cmpi ne, %convert_element_type3A, %cond3A : i32
      scf.if %cond3A_47 {
        %sub3A_209 = arith.constant 4 : i32
        %sub3A_210 = arith.subi %add3A_45, %sub3A_209 : i32
        %dma_wait3A_211 = arith.constant 0 : i32
        %dma_wait3A_212 = arith.constant 0 : i32
        %dma_wait3A_213 = tpu.memref_slice %arg15[%dma_wait3A_211, %dma_wait3A_212] : memref<10240x128xf32, #tpu.memory_space<vmem_shared>> -> memref<10240x128xf32, #tpu.memory_space<vmem_shared>>
        tpu.wait_indirect_dma semaphore(%arg22 : memref<!tpu.dma_semaphore, #tpu.memory_space<semaphore_mem>>) src(%arg11 : memref<40x128xf32, #tpu.memory_space<vmem>>) dst(%dma_wait3A_213 : memref<10240x128xf32, #tpu.memory_space<vmem_shared>>)
      } else {
      }
      %add3A_48 = arith.constant 1 : i32
      %add3A_49 = arith.addi %add3A_45, %add3A_48 : i32
      %mul3A_50 = arith.constant 10000 : i32
      %mul3A_51 = arith.muli %add3A, %mul3A_50 : i32
      %mul3A_52 = arith.constant 40 : i32
      %mul3A_53 = arith.muli %add3A_49, %mul3A_52 : i32
      %add3A_54 = arith.addi %mul3A_51, %mul3A_53 : i32
      %dma_start3A_55 = arith.constant 0 : i32
      %dma_start3A_56 = tpu.memref_slice %arg2[%add3A_54, %dma_start3A_55] : memref<320000x128xf32, #tpu.memory_space<hbm>> -> memref<40x128xf32, #tpu.memory_space<hbm>>
      %dma_start3A_57 = arith.constant 0 : i32
      %dma_start3A_58 = tpu.memref_slice %arg2[%add3A_54, %dma_start3A_57] : memref<320000x128xf32, #tpu.memory_space<hbm>> -> memref<40x128xf32, #tpu.memory_space<hbm>>
      tpu.enqueue_dma source(%dma_start3A_58 : memref<40x128xf32, #tpu.memory_space<hbm>>) target(%arg11 : memref<40x128xf32, #tpu.memory_space<vmem>>) target_semaphore(%arg17 : memref<!tpu.dma_semaphore, #tpu.memory_space<semaphore_mem>>)
      %dma_start3A_59 = tpu.memref_slice %arg3[%add3A_54] : memref<320000xi32, #tpu.memory_space<hbm>> -> memref<40xi32, #tpu.memory_space<hbm>>
      %dma_start3A_60 = tpu.memref_slice %arg3[%add3A_54] : memref<320000xi32, #tpu.memory_space<hbm>> -> memref<40xi32, #tpu.memory_space<hbm>>
      tpu.enqueue_dma source(%dma_start3A_60 : memref<40xi32, #tpu.memory_space<hbm>>) target(%arg6 : memref<40xi32, #tpu.memory_space<vmem>>) target_semaphore(%arg17 : memref<!tpu.dma_semaphore, #tpu.memory_space<semaphore_mem>>)
      %mul3A_61 = arith.constant 10000 : i32
      %mul3A_62 = arith.muli %add3A, %mul3A_61 : i32
      %mul3A_63 = arith.constant 40 : i32
      %mul3A_64 = arith.muli %add3A_45, %mul3A_63 : i32
      %add3A_65 = arith.addi %mul3A_62, %mul3A_64 : i32
      %dma_wait3A_66 = arith.constant 0 : i32
      %dma_wait3A_67 = tpu.memref_slice %arg2[%add3A_65, %dma_wait3A_66] : memref<320000x128xf32, #tpu.memory_space<hbm>> -> memref<40x128xf32, #tpu.memory_space<hbm>>
      %dma_wait3A_68 = arith.constant 0 : i32
      %dma_wait3A_69 = tpu.memref_slice %arg2[%add3A_65, %dma_wait3A_68] : memref<320000x128xf32, #tpu.memory_space<hbm>> -> memref<40x128xf32, #tpu.memory_space<hbm>>
      tpu.wait_dma2 semaphore(%arg16 : memref<!tpu.dma_semaphore, #tpu.memory_space<semaphore_mem>>) src(%dma_wait3A_69 : memref<40x128xf32, #tpu.memory_space<hbm>>) dst(%arg10 : memref<40x128xf32, #tpu.memory_space<vmem>>)
      %dma_wait3A_70 = tpu.memref_slice %arg3[%add3A_65] : memref<320000xi32, #tpu.memory_space<hbm>> -> memref<40xi32, #tpu.memory_space<hbm>>
      %dma_wait3A_71 = tpu.memref_slice %arg3[%add3A_65] : memref<320000xi32, #tpu.memory_space<hbm>> -> memref<40xi32, #tpu.memory_space<hbm>>
      tpu.wait_dma2 semaphore(%arg16 : memref<!tpu.dma_semaphore, #tpu.memory_space<semaphore_mem>>) src(%dma_wait3A_71 : memref<40xi32, #tpu.memory_space<hbm>>) dst(%arg5 : memref<40xi32, #tpu.memory_space<vmem>>)
      %dma_start3A_72 = arith.constant 0 : i32
      %dma_start3A_73 = arith.constant 0 : i32
      %dma_start3A_74 = tpu.memref_slice %arg15[%dma_start3A_72, %dma_start3A_73] : memref<10240x128xf32, #tpu.memory_space<vmem_shared>> -> memref<10240x128xf32, #tpu.memory_space<vmem_shared>>
      tpu.enqueue_indirect_dma source(%arg10 : memref<40x128xf32, #tpu.memory_space<vmem>>) target(%dma_start3A_74 : memref<10240x128xf32, #tpu.memory_space<vmem_shared>>) offsets(%arg5 : memref<40xi32, #tpu.memory_space<vmem>>) semaphore(%arg21 : memref<!tpu.dma_semaphore, #tpu.memory_space<semaphore_mem>>) {add = true}
      %mul3A_75 = arith.constant 5 : i32
      %mul3A_76 = arith.muli %mul3A_75, %scan3A_41 : i32
      %add3A_77 = arith.constant 1 : i32
      %add3A_78 = arith.addi %mul3A_76, %add3A_77 : i32
      %gt3A_79 = arith.constant 0 : i32
      %gt3A_80 = arith.cmpi sgt, %scan3A_41, %gt3A_79 : i32
      %convert_element_type3A_81 = arith.extui %gt3A_80 : i1 to i32
      %cond3A_82 = arith.constant 0 : i32
      %cond3A_83 = arith.cmpi ne, %convert_element_type3A_81, %cond3A_82 : i32
      scf.if %cond3A_83 {
        %sub3A_209 = arith.constant 4 : i32
        %sub3A_210 = arith.subi %add3A_78, %sub3A_209 : i32
        %dma_wait3A_211 = arith.constant 0 : i32
        %dma_wait3A_212 = arith.constant 0 : i32
        %dma_wait3A_213 = tpu.memref_slice %arg15[%dma_wait3A_211, %dma_wait3A_212] : memref<10240x128xf32, #tpu.memory_space<vmem_shared>> -> memref<10240x128xf32, #tpu.memory_space<vmem_shared>>
        tpu.wait_indirect_dma semaphore(%arg23 : memref<!tpu.dma_semaphore, #tpu.memory_space<semaphore_mem>>) src(%arg12 : memref<40x128xf32, #tpu.memory_space<vmem>>) dst(%dma_wait3A_213 : memref<10240x128xf32, #tpu.memory_space<vmem_shared>>)
      } else {
      }
      %add3A_84 = arith.constant 1 : i32
      %add3A_85 = arith.addi %add3A_78, %add3A_84 : i32
      %mul3A_86 = arith.constant 10000 : i32
      %mul3A_87 = arith.muli %add3A, %mul3A_86 : i32
      %mul3A_88 = arith.constant 40 : i32
      %mul3A_89 = arith.muli %add3A_85, %mul3A_88 : i32
      %add3A_90 = arith.addi %mul3A_87, %mul3A_89 : i32
      %dma_start3A_91 = arith.constant 0 : i32
      %dma_start3A_92 = tpu.memref_slice %arg2[%add3A_90, %dma_start3A_91] : memref<320000x128xf32, #tpu.memory_space<hbm>> -> memref<40x128xf32, #tpu.memory_space<hbm>>
      %dma_start3A_93 = arith.constant 0 : i32
      %dma_start3A_94 = tpu.memref_slice %arg2[%add3A_90, %dma_start3A_93] : memref<320000x128xf32, #tpu.memory_space<hbm>> -> memref<40x128xf32, #tpu.memory_space<hbm>>
      tpu.enqueue_dma source(%dma_start3A_94 : memref<40x128xf32, #tpu.memory_space<hbm>>) target(%arg12 : memref<40x128xf32, #tpu.memory_space<vmem>>) target_semaphore(%arg18 : memref<!tpu.dma_semaphore, #tpu.memory_space<semaphore_mem>>)
      %dma_start3A_95 = tpu.memref_slice %arg3[%add3A_90] : memref<320000xi32, #tpu.memory_space<hbm>> -> memref<40xi32, #tpu.memory_space<hbm>>
      %dma_start3A_96 = tpu.memref_slice %arg3[%add3A_90] : memref<320000xi32, #tpu.memory_space<hbm>> -> memref<40xi32, #tpu.memory_space<hbm>>
      tpu.enqueue_dma source(%dma_start3A_96 : memref<40xi32, #tpu.memory_space<hbm>>) target(%arg7 : memref<40xi32, #tpu.memory_space<vmem>>) target_semaphore(%arg18 : memref<!tpu.dma_semaphore, #tpu.memory_space<semaphore_mem>>)
      %mul3A_97 = arith.constant 10000 : i32
      %mul3A_98 = arith.muli %add3A, %mul3A_97 : i32
      %mul3A_99 = arith.constant 40 : i32
      %mul3A_100 = arith.muli %add3A_78, %mul3A_99 : i32
      %add3A_101 = arith.addi %mul3A_98, %mul3A_100 : i32
      %dma_wait3A_102 = arith.constant 0 : i32
      %dma_wait3A_103 = tpu.memref_slice %arg2[%add3A_101, %dma_wait3A_102] : memref<320000x128xf32, #tpu.memory_space<hbm>> -> memref<40x128xf32, #tpu.memory_space<hbm>>
      %dma_wait3A_104 = arith.constant 0 : i32
      %dma_wait3A_105 = tpu.memref_slice %arg2[%add3A_101, %dma_wait3A_104] : memref<320000x128xf32, #tpu.memory_space<hbm>> -> memref<40x128xf32, #tpu.memory_space<hbm>>
      tpu.wait_dma2 semaphore(%arg17 : memref<!tpu.dma_semaphore, #tpu.memory_space<semaphore_mem>>) src(%dma_wait3A_105 : memref<40x128xf32, #tpu.memory_space<hbm>>) dst(%arg11 : memref<40x128xf32, #tpu.memory_space<vmem>>)
      %dma_wait3A_106 = tpu.memref_slice %arg3[%add3A_101] : memref<320000xi32, #tpu.memory_space<hbm>> -> memref<40xi32, #tpu.memory_space<hbm>>
      %dma_wait3A_107 = tpu.memref_slice %arg3[%add3A_101] : memref<320000xi32, #tpu.memory_space<hbm>> -> memref<40xi32, #tpu.memory_space<hbm>>
      tpu.wait_dma2 semaphore(%arg17 : memref<!tpu.dma_semaphore, #tpu.memory_space<semaphore_mem>>) src(%dma_wait3A_107 : memref<40xi32, #tpu.memory_space<hbm>>) dst(%arg6 : memref<40xi32, #tpu.memory_space<vmem>>)
      %dma_start3A_108 = arith.constant 0 : i32
      %dma_start3A_109 = arith.constant 0 : i32
      %dma_start3A_110 = tpu.memref_slice %arg15[%dma_start3A_108, %dma_start3A_109] : memref<10240x128xf32, #tpu.memory_space<vmem_shared>> -> memref<10240x128xf32, #tpu.memory_space<vmem_shared>>
      tpu.enqueue_indirect_dma source(%arg11 : memref<40x128xf32, #tpu.memory_space<vmem>>) target(%dma_start3A_110 : memref<10240x128xf32, #tpu.memory_space<vmem_shared>>) offsets(%arg6 : memref<40xi32, #tpu.memory_space<vmem>>) semaphore(%arg22 : memref<!tpu.dma_semaphore, #tpu.memory_space<semaphore_mem>>) {add = true}
      %mul3A_111 = arith.constant 5 : i32
      %mul3A_112 = arith.muli %mul3A_111, %scan3A_41 : i32
      %add3A_113 = arith.constant 2 : i32
      %add3A_114 = arith.addi %mul3A_112, %add3A_113 : i32
      %gt3A_115 = arith.constant 0 : i32
      %gt3A_116 = arith.cmpi sgt, %scan3A_41, %gt3A_115 : i32
      %convert_element_type3A_117 = arith.extui %gt3A_116 : i1 to i32
      %cond3A_118 = arith.constant 0 : i32
      %cond3A_119 = arith.cmpi ne, %convert_element_type3A_117, %cond3A_118 : i32
      scf.if %cond3A_119 {
        %sub3A_209 = arith.constant 4 : i32
        %sub3A_210 = arith.subi %add3A_114, %sub3A_209 : i32
        %dma_wait3A_211 = arith.constant 0 : i32
        %dma_wait3A_212 = arith.constant 0 : i32
        %dma_wait3A_213 = tpu.memref_slice %arg15[%dma_wait3A_211, %dma_wait3A_212] : memref<10240x128xf32, #tpu.memory_space<vmem_shared>> -> memref<10240x128xf32, #tpu.memory_space<vmem_shared>>
        tpu.wait_indirect_dma semaphore(%arg24 : memref<!tpu.dma_semaphore, #tpu.memory_space<semaphore_mem>>) src(%arg13 : memref<40x128xf32, #tpu.memory_space<vmem>>) dst(%dma_wait3A_213 : memref<10240x128xf32, #tpu.memory_space<vmem_shared>>)
      } else {
      }
      %add3A_120 = arith.constant 1 : i32
      %add3A_121 = arith.addi %add3A_114, %add3A_120 : i32
      %mul3A_122 = arith.constant 10000 : i32
      %mul3A_123 = arith.muli %add3A, %mul3A_122 : i32
      %mul3A_124 = arith.constant 40 : i32
      %mul3A_125 = arith.muli %add3A_121, %mul3A_124 : i32
      %add3A_126 = arith.addi %mul3A_123, %mul3A_125 : i32
      %dma_start3A_127 = arith.constant 0 : i32
      %dma_start3A_128 = tpu.memref_slice %arg2[%add3A_126, %dma_start3A_127] : memref<320000x128xf32, #tpu.memory_space<hbm>> -> memref<40x128xf32, #tpu.memory_space<hbm>>
      %dma_start3A_129 = arith.constant 0 : i32
      %dma_start3A_130 = tpu.memref_slice %arg2[%add3A_126, %dma_start3A_129] : memref<320000x128xf32, #tpu.memory_space<hbm>> -> memref<40x128xf32, #tpu.memory_space<hbm>>
      tpu.enqueue_dma source(%dma_start3A_130 : memref<40x128xf32, #tpu.memory_space<hbm>>) target(%arg13 : memref<40x128xf32, #tpu.memory_space<vmem>>) target_semaphore(%arg19 : memref<!tpu.dma_semaphore, #tpu.memory_space<semaphore_mem>>)
      %dma_start3A_131 = tpu.memref_slice %arg3[%add3A_126] : memref<320000xi32, #tpu.memory_space<hbm>> -> memref<40xi32, #tpu.memory_space<hbm>>
      %dma_start3A_132 = tpu.memref_slice %arg3[%add3A_126] : memref<320000xi32, #tpu.memory_space<hbm>> -> memref<40xi32, #tpu.memory_space<hbm>>
      tpu.enqueue_dma source(%dma_start3A_132 : memref<40xi32, #tpu.memory_space<hbm>>) target(%arg8 : memref<40xi32, #tpu.memory_space<vmem>>) target_semaphore(%arg19 : memref<!tpu.dma_semaphore, #tpu.memory_space<semaphore_mem>>)
      %mul3A_133 = arith.constant 10000 : i32
      %mul3A_134 = arith.muli %add3A, %mul3A_133 : i32
      %mul3A_135 = arith.constant 40 : i32
      %mul3A_136 = arith.muli %add3A_114, %mul3A_135 : i32
      %add3A_137 = arith.addi %mul3A_134, %mul3A_136 : i32
      %dma_wait3A_138 = arith.constant 0 : i32
      %dma_wait3A_139 = tpu.memref_slice %arg2[%add3A_137, %dma_wait3A_138] : memref<320000x128xf32, #tpu.memory_space<hbm>> -> memref<40x128xf32, #tpu.memory_space<hbm>>
      %dma_wait3A_140 = arith.constant 0 : i32
      %dma_wait3A_141 = tpu.memref_slice %arg2[%add3A_137, %dma_wait3A_140] : memref<320000x128xf32, #tpu.memory_space<hbm>> -> memref<40x128xf32, #tpu.memory_space<hbm>>
      tpu.wait_dma2 semaphore(%arg18 : memref<!tpu.dma_semaphore, #tpu.memory_space<semaphore_mem>>) src(%dma_wait3A_141 : memref<40x128xf32, #tpu.memory_space<hbm>>) dst(%arg12 : memref<40x128xf32, #tpu.memory_space<vmem>>)
      %dma_wait3A_142 = tpu.memref_slice %arg3[%add3A_137] : memref<320000xi32, #tpu.memory_space<hbm>> -> memref<40xi32, #tpu.memory_space<hbm>>
      %dma_wait3A_143 = tpu.memref_slice %arg3[%add3A_137] : memref<320000xi32, #tpu.memory_space<hbm>> -> memref<40xi32, #tpu.memory_space<hbm>>
      tpu.wait_dma2 semaphore(%arg18 : memref<!tpu.dma_semaphore, #tpu.memory_space<semaphore_mem>>) src(%dma_wait3A_143 : memref<40xi32, #tpu.memory_space<hbm>>) dst(%arg7 : memref<40xi32, #tpu.memory_space<vmem>>)
      %dma_start3A_144 = arith.constant 0 : i32
      %dma_start3A_145 = arith.constant 0 : i32
      %dma_start3A_146 = tpu.memref_slice %arg15[%dma_start3A_144, %dma_start3A_145] : memref<10240x128xf32, #tpu.memory_space<vmem_shared>> -> memref<10240x128xf32, #tpu.memory_space<vmem_shared>>
      tpu.enqueue_indirect_dma source(%arg12 : memref<40x128xf32, #tpu.memory_space<vmem>>) target(%dma_start3A_146 : memref<10240x128xf32, #tpu.memory_space<vmem_shared>>) offsets(%arg7 : memref<40xi32, #tpu.memory_space<vmem>>) semaphore(%arg23 : memref<!tpu.dma_semaphore, #tpu.memory_space<semaphore_mem>>) {add = true}
      %mul3A_147 = arith.constant 5 : i32
      %mul3A_148 = arith.muli %mul3A_147, %scan3A_41 : i32
      %add3A_149 = arith.constant 3 : i32
      %add3A_150 = arith.addi %mul3A_148, %add3A_149 : i32
      %gt3A_151 = arith.constant 0 : i32
      %gt3A_152 = arith.cmpi sgt, %scan3A_41, %gt3A_151 : i32
      %convert_element_type3A_153 = arith.extui %gt3A_152 : i1 to i32
      %cond3A_154 = arith.constant 0 : i32
      %cond3A_155 = arith.cmpi ne, %convert_element_type3A_153, %cond3A_154 : i32
      scf.if %cond3A_155 {
        %sub3A_209 = arith.constant 4 : i32
        %sub3A_210 = arith.subi %add3A_150, %sub3A_209 : i32
        %dma_wait3A_211 = arith.constant 0 : i32
        %dma_wait3A_212 = arith.constant 0 : i32
        %dma_wait3A_213 = tpu.memref_slice %arg15[%dma_wait3A_211, %dma_wait3A_212] : memref<10240x128xf32, #tpu.memory_space<vmem_shared>> -> memref<10240x128xf32, #tpu.memory_space<vmem_shared>>
        tpu.wait_indirect_dma semaphore(%arg25 : memref<!tpu.dma_semaphore, #tpu.memory_space<semaphore_mem>>) src(%arg14 : memref<40x128xf32, #tpu.memory_space<vmem>>) dst(%dma_wait3A_213 : memref<10240x128xf32, #tpu.memory_space<vmem_shared>>)
      } else {
      }
      %add3A_156 = arith.constant 1 : i32
      %add3A_157 = arith.addi %add3A_150, %add3A_156 : i32
      %mul3A_158 = arith.constant 10000 : i32
      %mul3A_159 = arith.muli %add3A, %mul3A_158 : i32
      %mul3A_160 = arith.constant 40 : i32
      %mul3A_161 = arith.muli %add3A_157, %mul3A_160 : i32
      %add3A_162 = arith.addi %mul3A_159, %mul3A_161 : i32
      %dma_start3A_163 = arith.constant 0 : i32
      %dma_start3A_164 = tpu.memref_slice %arg2[%add3A_162, %dma_start3A_163] : memref<320000x128xf32, #tpu.memory_space<hbm>> -> memref<40x128xf32, #tpu.memory_space<hbm>>
      %dma_start3A_165 = arith.constant 0 : i32
      %dma_start3A_166 = tpu.memref_slice %arg2[%add3A_162, %dma_start3A_165] : memref<320000x128xf32, #tpu.memory_space<hbm>> -> memref<40x128xf32, #tpu.memory_space<hbm>>
      tpu.enqueue_dma source(%dma_start3A_166 : memref<40x128xf32, #tpu.memory_space<hbm>>) target(%arg14 : memref<40x128xf32, #tpu.memory_space<vmem>>) target_semaphore(%arg20 : memref<!tpu.dma_semaphore, #tpu.memory_space<semaphore_mem>>)
      %dma_start3A_167 = tpu.memref_slice %arg3[%add3A_162] : memref<320000xi32, #tpu.memory_space<hbm>> -> memref<40xi32, #tpu.memory_space<hbm>>
      %dma_start3A_168 = tpu.memref_slice %arg3[%add3A_162] : memref<320000xi32, #tpu.memory_space<hbm>> -> memref<40xi32, #tpu.memory_space<hbm>>
      tpu.enqueue_dma source(%dma_start3A_168 : memref<40xi32, #tpu.memory_space<hbm>>) target(%arg9 : memref<40xi32, #tpu.memory_space<vmem>>) target_semaphore(%arg20 : memref<!tpu.dma_semaphore, #tpu.memory_space<semaphore_mem>>)
      %mul3A_169 = arith.constant 10000 : i32
      %mul3A_170 = arith.muli %add3A, %mul3A_169 : i32
      %mul3A_171 = arith.constant 40 : i32
      %mul3A_172 = arith.muli %add3A_150, %mul3A_171 : i32
      %add3A_173 = arith.addi %mul3A_170, %mul3A_172 : i32
      %dma_wait3A_174 = arith.constant 0 : i32
      %dma_wait3A_175 = tpu.memref_slice %arg2[%add3A_173, %dma_wait3A_174] : memref<320000x128xf32, #tpu.memory_space<hbm>> -> memref<40x128xf32, #tpu.memory_space<hbm>>
      %dma_wait3A_176 = arith.constant 0 : i32
      %dma_wait3A_177 = tpu.memref_slice %arg2[%add3A_173, %dma_wait3A_176] : memref<320000x128xf32, #tpu.memory_space<hbm>> -> memref<40x128xf32, #tpu.memory_space<hbm>>
      tpu.wait_dma2 semaphore(%arg19 : memref<!tpu.dma_semaphore, #tpu.memory_space<semaphore_mem>>) src(%dma_wait3A_177 : memref<40x128xf32, #tpu.memory_space<hbm>>) dst(%arg13 : memref<40x128xf32, #tpu.memory_space<vmem>>)
      %dma_wait3A_178 = tpu.memref_slice %arg3[%add3A_173] : memref<320000xi32, #tpu.memory_space<hbm>> -> memref<40xi32, #tpu.memory_space<hbm>>
      %dma_wait3A_179 = tpu.memref_slice %arg3[%add3A_173] : memref<320000xi32, #tpu.memory_space<hbm>> -> memref<40xi32, #tpu.memory_space<hbm>>
      tpu.wait_dma2 semaphore(%arg19 : memref<!tpu.dma_semaphore, #tpu.memory_space<semaphore_mem>>) src(%dma_wait3A_179 : memref<40xi32, #tpu.memory_space<hbm>>) dst(%arg8 : memref<40xi32, #tpu.memory_space<vmem>>)
      %dma_start3A_180 = arith.constant 0 : i32
      %dma_start3A_181 = arith.constant 0 : i32
      %dma_start3A_182 = tpu.memref_slice %arg15[%dma_start3A_180, %dma_start3A_181] : memref<10240x128xf32, #tpu.memory_space<vmem_shared>> -> memref<10240x128xf32, #tpu.memory_space<vmem_shared>>
      tpu.enqueue_indirect_dma source(%arg13 : memref<40x128xf32, #tpu.memory_space<vmem>>) target(%dma_start3A_182 : memref<10240x128xf32, #tpu.memory_space<vmem_shared>>) offsets(%arg8 : memref<40xi32, #tpu.memory_space<vmem>>) semaphore(%arg24 : memref<!tpu.dma_semaphore, #tpu.memory_space<semaphore_mem>>) {add = true}
      %mul3A_183 = arith.constant 5 : i32
      %mul3A_184 = arith.muli %mul3A_183, %scan3A_41 : i32
      %add3A_185 = arith.constant 4 : i32
      %add3A_186 = arith.addi %mul3A_184, %add3A_185 : i32
      %sub3A = arith.constant 4 : i32
      %sub3A_187 = arith.subi %add3A_186, %sub3A : i32
      %dma_wait3A_188 = arith.constant 0 : i32
      %dma_wait3A_189 = arith.constant 0 : i32
      %dma_wait3A_190 = tpu.memref_slice %arg15[%dma_wait3A_188, %dma_wait3A_189] : memref<10240x128xf32, #tpu.memory_space<vmem_shared>> -> memref<10240x128xf32, #tpu.memory_space<vmem_shared>>
      tpu.wait_indirect_dma semaphore(%arg21 : memref<!tpu.dma_semaphore, #tpu.memory_space<semaphore_mem>>) src(%arg10 : memref<40x128xf32, #tpu.memory_space<vmem>>) dst(%dma_wait3A_190 : memref<10240x128xf32, #tpu.memory_space<vmem_shared>>)
      %lt3A = arith.constant 49 : i32
      %lt3A_191 = arith.cmpi slt, %scan3A_41, %lt3A : i32
      %convert_element_type3A_192 = arith.extui %lt3A_191 : i1 to i32
      %cond3A_193 = arith.constant 0 : i32
      %cond3A_194 = arith.cmpi ne, %convert_element_type3A_192, %cond3A_193 : i32
      scf.if %cond3A_194 {
        %add3A_209 = arith.constant 1 : i32
        %add3A_210 = arith.addi %add3A_186, %add3A_209 : i32
        %mul3A_211 = arith.constant 10000 : i32
        %mul3A_212 = arith.muli %add3A, %mul3A_211 : i32
        %mul3A_213 = arith.constant 40 : i32
        %mul3A_214 = arith.muli %add3A_210, %mul3A_213 : i32
        %add3A_215 = arith.addi %mul3A_212, %mul3A_214 : i32
        %dma_start3A_216 = arith.constant 0 : i32
        %dma_start3A_217 = tpu.memref_slice %arg2[%add3A_215, %dma_start3A_216] : memref<320000x128xf32, #tpu.memory_space<hbm>> -> memref<40x128xf32, #tpu.memory_space<hbm>>
        %dma_start3A_218 = arith.constant 0 : i32
        %dma_start3A_219 = tpu.memref_slice %arg2[%add3A_215, %dma_start3A_218] : memref<320000x128xf32, #tpu.memory_space<hbm>> -> memref<40x128xf32, #tpu.memory_space<hbm>>
        tpu.enqueue_dma source(%dma_start3A_219 : memref<40x128xf32, #tpu.memory_space<hbm>>) target(%arg10 : memref<40x128xf32, #tpu.memory_space<vmem>>) target_semaphore(%arg16 : memref<!tpu.dma_semaphore, #tpu.memory_space<semaphore_mem>>)
        %dma_start3A_220 = tpu.memref_slice %arg3[%add3A_215] : memref<320000xi32, #tpu.memory_space<hbm>> -> memref<40xi32, #tpu.memory_space<hbm>>
        %dma_start3A_221 = tpu.memref_slice %arg3[%add3A_215] : memref<320000xi32, #tpu.memory_space<hbm>> -> memref<40xi32, #tpu.memory_space<hbm>>
        tpu.enqueue_dma source(%dma_start3A_221 : memref<40xi32, #tpu.memory_space<hbm>>) target(%arg5 : memref<40xi32, #tpu.memory_space<vmem>>) target_semaphore(%arg16 : memref<!tpu.dma_semaphore, #tpu.memory_space<semaphore_mem>>)
      } else {
      }
      %mul3A_195 = arith.constant 10000 : i32
      %mul3A_196 = arith.muli %add3A, %mul3A_195 : i32
      %mul3A_197 = arith.constant 40 : i32
      %mul3A_198 = arith.muli %add3A_186, %mul3A_197 : i32
      %add3A_199 = arith.addi %mul3A_196, %mul3A_198 : i32
      %dma_wait3A_200 = arith.constant 0 : i32
      %dma_wait3A_201 = tpu.memref_slice %arg2[%add3A_199, %dma_wait3A_200] : memref<320000x128xf32, #tpu.memory_space<hbm>> -> memref<40x128xf32, #tpu.memory_space<hbm>>
      %dma_wait3A_202 = arith.constant 0 : i32
      %dma_wait3A_203 = tpu.memref_slice %arg2[%add3A_199, %dma_wait3A_202] : memref<320000x128xf32, #tpu.memory_space<hbm>> -> memref<40x128xf32, #tpu.memory_space<hbm>>
      tpu.wait_dma2 semaphore(%arg20 : memref<!tpu.dma_semaphore, #tpu.memory_space<semaphore_mem>>) src(%dma_wait3A_203 : memref<40x128xf32, #tpu.memory_space<hbm>>) dst(%arg14 : memref<40x128xf32, #tpu.memory_space<vmem>>)
      %dma_wait3A_204 = tpu.memref_slice %arg3[%add3A_199] : memref<320000xi32, #tpu.memory_space<hbm>> -> memref<40xi32, #tpu.memory_space<hbm>>
      %dma_wait3A_205 = tpu.memref_slice %arg3[%add3A_199] : memref<320000xi32, #tpu.memory_space<hbm>> -> memref<40xi32, #tpu.memory_space<hbm>>
      tpu.wait_dma2 semaphore(%arg20 : memref<!tpu.dma_semaphore, #tpu.memory_space<semaphore_mem>>) src(%dma_wait3A_205 : memref<40xi32, #tpu.memory_space<hbm>>) dst(%arg9 : memref<40xi32, #tpu.memory_space<vmem>>)
      %dma_start3A_206 = arith.constant 0 : i32
      %dma_start3A_207 = arith.constant 0 : i32
      %dma_start3A_208 = tpu.memref_slice %arg15[%dma_start3A_206, %dma_start3A_207] : memref<10240x128xf32, #tpu.memory_space<vmem_shared>> -> memref<10240x128xf32, #tpu.memory_space<vmem_shared>>
      tpu.enqueue_indirect_dma source(%arg14 : memref<40x128xf32, #tpu.memory_space<vmem>>) target(%dma_start3A_208 : memref<10240x128xf32, #tpu.memory_space<vmem_shared>>) offsets(%arg9 : memref<40xi32, #tpu.memory_space<vmem>>) semaphore(%arg25 : memref<!tpu.dma_semaphore, #tpu.memory_space<semaphore_mem>>) {add = true}
    }
    %scan3A_26 = arith.constant 50 : i32
    %dma_wait3A = arith.constant 0 : i32
    %dma_wait3A_27 = arith.constant 0 : i32
    %dma_wait3A_28 = tpu.memref_slice %arg15[%dma_wait3A, %dma_wait3A_27] : memref<10240x128xf32, #tpu.memory_space<vmem_shared>> -> memref<10240x128xf32, #tpu.memory_space<vmem_shared>>
    tpu.wait_indirect_dma semaphore(%arg22 : memref<!tpu.dma_semaphore, #tpu.memory_space<semaphore_mem>>) src(%arg11 : memref<40x128xf32, #tpu.memory_space<vmem>>) dst(%dma_wait3A_28 : memref<10240x128xf32, #tpu.memory_space<vmem_shared>>)
    %dma_wait3A_29 = arith.constant 0 : i32
    %dma_wait3A_30 = arith.constant 0 : i32
    %dma_wait3A_31 = tpu.memref_slice %arg15[%dma_wait3A_29, %dma_wait3A_30] : memref<10240x128xf32, #tpu.memory_space<vmem_shared>> -> memref<10240x128xf32, #tpu.memory_space<vmem_shared>>
    tpu.wait_indirect_dma semaphore(%arg23 : memref<!tpu.dma_semaphore, #tpu.memory_space<semaphore_mem>>) src(%arg12 : memref<40x128xf32, #tpu.memory_space<vmem>>) dst(%dma_wait3A_31 : memref<10240x128xf32, #tpu.memory_space<vmem_shared>>)
    %dma_wait3A_32 = arith.constant 0 : i32
    %dma_wait3A_33 = arith.constant 0 : i32
    %dma_wait3A_34 = tpu.memref_slice %arg15[%dma_wait3A_32, %dma_wait3A_33] : memref<10240x128xf32, #tpu.memory_space<vmem_shared>> -> memref<10240x128xf32, #tpu.memory_space<vmem_shared>>
    tpu.wait_indirect_dma semaphore(%arg24 : memref<!tpu.dma_semaphore, #tpu.memory_space<semaphore_mem>>) src(%arg13 : memref<40x128xf32, #tpu.memory_space<vmem>>) dst(%dma_wait3A_34 : memref<10240x128xf32, #tpu.memory_space<vmem_shared>>)
    %dma_wait3A_35 = arith.constant 0 : i32
    %dma_wait3A_36 = arith.constant 0 : i32
    %dma_wait3A_37 = tpu.memref_slice %arg15[%dma_wait3A_35, %dma_wait3A_36] : memref<10240x128xf32, #tpu.memory_space<vmem_shared>> -> memref<10240x128xf32, #tpu.memory_space<vmem_shared>>
    tpu.wait_indirect_dma semaphore(%arg25 : memref<!tpu.dma_semaphore, #tpu.memory_space<semaphore_mem>>) src(%arg14 : memref<40x128xf32, #tpu.memory_space<vmem>>) dst(%dma_wait3A_37 : memref<10240x128xf32, #tpu.memory_space<vmem_shared>>)
    %barrier3A_38 = arith.constant 0 : index
    tpu.barrier barrier_id(%barrier3A_38)
    %mul3A_39 = arith.constant 640 : i32
    %mul3A_40 = arith.muli %arg1, %mul3A_39 : i32
    "tpu.region"() ({
      %run_scoped3A = tpu.sem_alloc : memref<!tpu.dma_semaphore, #tpu.memory_space<semaphore_mem>>
      %dma_start3A_41 = arith.constant 0 : i32
      %dma_start3A_42 = tpu.memref_slice %arg4[%arg0, %mul3A_40, %dma_start3A_41] : memref<2x10240x128xf32, #tpu.memory_space<hbm>> -> memref<1x640x128xf32, #tpu.memory_space<hbm>>
      %dma_start3A_43 = tpu.memref_squeeze %dma_start3A_42 : memref<1x640x128xf32, #tpu.memory_space<hbm>> -> memref<640x128xf32, #tpu.memory_space<hbm>>
      %dma_start3A_44 = arith.constant 0 : i32
      %dma_start3A_45 = tpu.memref_slice %arg15[%mul3A_40, %dma_start3A_44] : memref<10240x128xf32, #tpu.memory_space<vmem_shared>> -> memref<640x128xf32, #tpu.memory_space<vmem_shared>>
      tpu.enqueue_dma source(%dma_start3A_45 : memref<640x128xf32, #tpu.memory_space<vmem_shared>>) target(%dma_start3A_43 : memref<640x128xf32, #tpu.memory_space<hbm>>) target_semaphore(%run_scoped3A : memref<!tpu.dma_semaphore, #tpu.memory_space<semaphore_mem>>)
      %dma_wait3A_46 = arith.constant 0 : i32
      %dma_wait3A_47 = tpu.memref_slice %arg4[%arg0, %mul3A_40, %dma_wait3A_46] : memref<2x10240x128xf32, #tpu.memory_space<hbm>> -> memref<1x640x128xf32, #tpu.memory_space<hbm>>
      %dma_wait3A_48 = tpu.memref_squeeze %dma_wait3A_47 : memref<1x640x128xf32, #tpu.memory_space<hbm>> -> memref<640x128xf32, #tpu.memory_space<hbm>>
      %dma_wait3A_49 = arith.constant 0 : i32
      %dma_wait3A_50 = tpu.memref_slice %arg15[%mul3A_40, %dma_wait3A_49] : memref<10240x128xf32, #tpu.memory_space<vmem_shared>> -> memref<640x128xf32, #tpu.memory_space<vmem_shared>>
      tpu.wait_dma2 semaphore(%run_scoped3A : memref<!tpu.dma_semaphore, #tpu.memory_space<semaphore_mem>>) src(%dma_wait3A_50 : memref<640x128xf32, #tpu.memory_space<vmem_shared>>) dst(%dma_wait3A_48 : memref<640x128xf32, #tpu.memory_space<hbm>>)
      tpu.yield
    }) : () -> ()
    return
  }
}

#map = affine_map<(d0, d1) -> (0, 0)>
#map1 = affine_map<(d0, d1) -> (0)>
module attributes {stable_mosaic.version = 14 : i64} {
  func.func @_s2_body(%arg0: i32, %arg1: i32, %arg2: memref<10000x256xf32, #tpu.memory_space<hbm>>, %arg3: memref<10000x256xf32, #tpu.memory_space<hbm>>, %arg4: memref<320000xi32, #tpu.memory_space<hbm>>, %arg5: memref<320000xi32, #tpu.memory_space<hbm>>, %arg6: memref<320000x256xf32, #tpu.memory_space<hbm>>, %arg7: memref<40xi32, #tpu.memory_space<vmem>>, %arg8: memref<40xi32, #tpu.memory_space<vmem>>, %arg9: memref<40xi32, #tpu.memory_space<vmem>>, %arg10: memref<40xi32, #tpu.memory_space<vmem>>, %arg11: memref<40x256xf32, #tpu.memory_space<vmem>>, %arg12: memref<40x256xf32, #tpu.memory_space<vmem>>, %arg13: memref<40x256xf32, #tpu.memory_space<vmem>>, %arg14: memref<40x256xf32, #tpu.memory_space<vmem>>, %arg15: memref<40x256xf32, #tpu.memory_space<vmem>>, %arg16: memref<40x256xf32, #tpu.memory_space<vmem>>, %arg17: memref<!tpu.dma_semaphore, #tpu.memory_space<semaphore_mem>>, %arg18: memref<!tpu.dma_semaphore, #tpu.memory_space<semaphore_mem>>, %arg19: memref<!tpu.dma_semaphore, #tpu.memory_space<semaphore_mem>>, %arg20: memref<!tpu.dma_semaphore, #tpu.memory_space<semaphore_mem>>, %arg21: memref<!tpu.dma_semaphore, #tpu.memory_space<semaphore_mem>>, %arg22: memref<!tpu.dma_semaphore, #tpu.memory_space<semaphore_mem>>) attributes {dimension_semantics = [#tpu.dimension_semantics<core_parallel>, #tpu.dimension_semantics<subcore_parallel>], iteration_bounds = array<i64: 2, 16>, scalar_prefetch = 0 : i64, scratch_operands = 16 : i64, tpu.core_type = #tpu.core_type<sc_vector_subcore>, window_params = [{transform_indices = #map}, {transform_indices = #map}, {transform_indices = #map1}, {transform_indices = #map1}, {transform_indices = #map}]} {
    %mul3A = arith.constant 2 : i32
    %mul3A_0 = arith.muli %arg1, %mul3A : i32
    %add3A = arith.addi %mul3A_0, %arg0 : i32
    %mul3A_1 = arith.constant 10000 : i32
    %mul3A_2 = arith.muli %add3A, %mul3A_1 : i32
    "tpu.region"() ({
      %run_scoped3A = tpu.sem_alloc : memref<!tpu.dma_semaphore, #tpu.memory_space<semaphore_mem>>
      %dma_start3A_36 = tpu.memref_slice %arg4[%mul3A_2] : memref<320000xi32, #tpu.memory_space<hbm>> -> memref<40xi32, #tpu.memory_space<hbm>>
      %dma_start3A_37 = tpu.memref_slice %arg4[%mul3A_2] : memref<320000xi32, #tpu.memory_space<hbm>> -> memref<40xi32, #tpu.memory_space<hbm>>
      tpu.enqueue_dma source(%dma_start3A_37 : memref<40xi32, #tpu.memory_space<hbm>>) target(%arg7 : memref<40xi32, #tpu.memory_space<vmem>>) target_semaphore(%run_scoped3A : memref<!tpu.dma_semaphore, #tpu.memory_space<semaphore_mem>>)
      %dma_wait3A_38 = tpu.memref_slice %arg4[%mul3A_2] : memref<320000xi32, #tpu.memory_space<hbm>> -> memref<40xi32, #tpu.memory_space<hbm>>
      %dma_wait3A_39 = tpu.memref_slice %arg4[%mul3A_2] : memref<320000xi32, #tpu.memory_space<hbm>> -> memref<40xi32, #tpu.memory_space<hbm>>
      tpu.wait_dma2 semaphore(%run_scoped3A : memref<!tpu.dma_semaphore, #tpu.memory_space<semaphore_mem>>) src(%dma_wait3A_39 : memref<40xi32, #tpu.memory_space<hbm>>) dst(%arg7 : memref<40xi32, #tpu.memory_space<vmem>>)
      tpu.yield
    }) : () -> ()
    "tpu.region"() ({
      %run_scoped3A = tpu.sem_alloc : memref<!tpu.dma_semaphore, #tpu.memory_space<semaphore_mem>>
      %dma_start3A_36 = tpu.memref_slice %arg5[%mul3A_2] : memref<320000xi32, #tpu.memory_space<hbm>> -> memref<40xi32, #tpu.memory_space<hbm>>
      %dma_start3A_37 = tpu.memref_slice %arg5[%mul3A_2] : memref<320000xi32, #tpu.memory_space<hbm>> -> memref<40xi32, #tpu.memory_space<hbm>>
      tpu.enqueue_dma source(%dma_start3A_37 : memref<40xi32, #tpu.memory_space<hbm>>) target(%arg9 : memref<40xi32, #tpu.memory_space<vmem>>) target_semaphore(%run_scoped3A : memref<!tpu.dma_semaphore, #tpu.memory_space<semaphore_mem>>)
      %dma_wait3A_38 = tpu.memref_slice %arg5[%mul3A_2] : memref<320000xi32, #tpu.memory_space<hbm>> -> memref<40xi32, #tpu.memory_space<hbm>>
      %dma_wait3A_39 = tpu.memref_slice %arg5[%mul3A_2] : memref<320000xi32, #tpu.memory_space<hbm>> -> memref<40xi32, #tpu.memory_space<hbm>>
      tpu.wait_dma2 semaphore(%run_scoped3A : memref<!tpu.dma_semaphore, #tpu.memory_space<semaphore_mem>>) src(%dma_wait3A_39 : memref<40xi32, #tpu.memory_space<hbm>>) dst(%arg9 : memref<40xi32, #tpu.memory_space<vmem>>)
      tpu.yield
    }) : () -> ()
    %dma_start3A = arith.constant 0 : i32
    %dma_start3A_3 = arith.constant 0 : i32
    %dma_start3A_4 = tpu.memref_slice %arg2[%dma_start3A, %dma_start3A_3] : memref<10000x256xf32, #tpu.memory_space<hbm>> -> memref<10000x256xf32, #tpu.memory_space<hbm>>
    tpu.enqueue_indirect_dma source(%dma_start3A_4 : memref<10000x256xf32, #tpu.memory_space<hbm>>) target(%arg11 : memref<40x256xf32, #tpu.memory_space<vmem>>) offsets(%arg7 : memref<40xi32, #tpu.memory_space<vmem>>) semaphore(%arg17 : memref<!tpu.dma_semaphore, #tpu.memory_space<semaphore_mem>>)
    %dma_start3A_5 = arith.constant 0 : i32
    %dma_start3A_6 = arith.constant 0 : i32
    %dma_start3A_7 = tpu.memref_slice %arg3[%dma_start3A_5, %dma_start3A_6] : memref<10000x256xf32, #tpu.memory_space<hbm>> -> memref<10000x256xf32, #tpu.memory_space<hbm>>
    tpu.enqueue_indirect_dma source(%dma_start3A_7 : memref<10000x256xf32, #tpu.memory_space<hbm>>) target(%arg13 : memref<40x256xf32, #tpu.memory_space<vmem>>) offsets(%arg9 : memref<40xi32, #tpu.memory_space<vmem>>) semaphore(%arg17 : memref<!tpu.dma_semaphore, #tpu.memory_space<semaphore_mem>>)
    %mul3A_8 = arith.constant 10000 : i32
    %mul3A_9 = arith.muli %add3A, %mul3A_8 : i32
    %add3A_10 = arith.constant 40 : i32
    %add3A_11 = arith.addi %mul3A_9, %add3A_10 : i32
    %dma_start3A_12 = tpu.memref_slice %arg4[%add3A_11] : memref<320000xi32, #tpu.memory_space<hbm>> -> memref<40xi32, #tpu.memory_space<hbm>>
    %dma_start3A_13 = tpu.memref_slice %arg4[%add3A_11] : memref<320000xi32, #tpu.memory_space<hbm>> -> memref<40xi32, #tpu.memory_space<hbm>>
    tpu.enqueue_dma source(%dma_start3A_13 : memref<40xi32, #tpu.memory_space<hbm>>) target(%arg8 : memref<40xi32, #tpu.memory_space<vmem>>) target_semaphore(%arg22 : memref<!tpu.dma_semaphore, #tpu.memory_space<semaphore_mem>>)
    %dma_start3A_14 = tpu.memref_slice %arg5[%add3A_11] : memref<320000xi32, #tpu.memory_space<hbm>> -> memref<40xi32, #tpu.memory_space<hbm>>
    %dma_start3A_15 = tpu.memref_slice %arg5[%add3A_11] : memref<320000xi32, #tpu.memory_space<hbm>> -> memref<40xi32, #tpu.memory_space<hbm>>
    tpu.enqueue_dma source(%dma_start3A_15 : memref<40xi32, #tpu.memory_space<hbm>>) target(%arg10 : memref<40xi32, #tpu.memory_space<vmem>>) target_semaphore(%arg22 : memref<!tpu.dma_semaphore, #tpu.memory_space<semaphore_mem>>)
    %scan3A = arith.constant 0 : i32
    %scan3A_16 = arith.constant 0 : i32
    %scan3A_17 = arith.constant 125 : i32
    %scan3A_18 = arith.addi %scan3A_16, %scan3A_17 : i32
    %scan3A_19 = arith.constant 1 : i32
    scf.for %scan3A_36 = %scan3A_16 to %scan3A_18 step %scan3A_19  : i32 {
      %mul3A_37 = arith.constant 2 : i32
      %mul3A_38 = arith.muli %mul3A_37, %scan3A_36 : i32
      %add3A_39 = arith.constant 0 : i32
      %add3A_40 = arith.addi %mul3A_38, %add3A_39 : i32
      %add3A_41 = arith.constant 1 : i32
      %add3A_42 = arith.addi %add3A_40, %add3A_41 : i32
      %mul3A_43 = arith.constant 10000 : i32
      %mul3A_44 = arith.muli %add3A, %mul3A_43 : i32
      %mul3A_45 = arith.constant 40 : i32
      %mul3A_46 = arith.muli %add3A_42, %mul3A_45 : i32
      %add3A_47 = arith.addi %mul3A_44, %mul3A_46 : i32
      %dma_wait3A_48 = tpu.memref_slice %arg4[%add3A_47] : memref<320000xi32, #tpu.memory_space<hbm>> -> memref<40xi32, #tpu.memory_space<hbm>>
      %dma_wait3A_49 = tpu.memref_slice %arg4[%add3A_47] : memref<320000xi32, #tpu.memory_space<hbm>> -> memref<40xi32, #tpu.memory_space<hbm>>
      tpu.wait_dma2 semaphore(%arg22 : memref<!tpu.dma_semaphore, #tpu.memory_space<semaphore_mem>>) src(%dma_wait3A_49 : memref<40xi32, #tpu.memory_space<hbm>>) dst(%arg8 : memref<40xi32, #tpu.memory_space<vmem>>)
      %dma_wait3A_50 = tpu.memref_slice %arg5[%add3A_47] : memref<320000xi32, #tpu.memory_space<hbm>> -> memref<40xi32, #tpu.memory_space<hbm>>
      %dma_wait3A_51 = tpu.memref_slice %arg5[%add3A_47] : memref<320000xi32, #tpu.memory_space<hbm>> -> memref<40xi32, #tpu.memory_space<hbm>>
      tpu.wait_dma2 semaphore(%arg22 : memref<!tpu.dma_semaphore, #tpu.memory_space<semaphore_mem>>) src(%dma_wait3A_51 : memref<40xi32, #tpu.memory_space<hbm>>) dst(%arg10 : memref<40xi32, #tpu.memory_space<vmem>>)
      %add3A_52 = arith.constant 1 : i32
      %add3A_53 = arith.addi %add3A_40, %add3A_52 : i32
      %dma_start3A_54 = arith.constant 0 : i32
      %dma_start3A_55 = arith.constant 0 : i32
      %dma_start3A_56 = tpu.memref_slice %arg2[%dma_start3A_54, %dma_start3A_55] : memref<10000x256xf32, #tpu.memory_space<hbm>> -> memref<10000x256xf32, #tpu.memory_space<hbm>>
      tpu.enqueue_indirect_dma source(%dma_start3A_56 : memref<10000x256xf32, #tpu.memory_space<hbm>>) target(%arg12 : memref<40x256xf32, #tpu.memory_space<vmem>>) offsets(%arg8 : memref<40xi32, #tpu.memory_space<vmem>>) semaphore(%arg18 : memref<!tpu.dma_semaphore, #tpu.memory_space<semaphore_mem>>)
      %dma_start3A_57 = arith.constant 0 : i32
      %dma_start3A_58 = arith.constant 0 : i32
      %dma_start3A_59 = tpu.memref_slice %arg3[%dma_start3A_57, %dma_start3A_58] : memref<10000x256xf32, #tpu.memory_space<hbm>> -> memref<10000x256xf32, #tpu.memory_space<hbm>>
      tpu.enqueue_indirect_dma source(%dma_start3A_59 : memref<10000x256xf32, #tpu.memory_space<hbm>>) target(%arg14 : memref<40x256xf32, #tpu.memory_space<vmem>>) offsets(%arg10 : memref<40xi32, #tpu.memory_space<vmem>>) semaphore(%arg18 : memref<!tpu.dma_semaphore, #tpu.memory_space<semaphore_mem>>)
      %gt3A = arith.constant 0 : i32
      %gt3A_60 = arith.cmpi sgt, %scan3A_36, %gt3A : i32
      %convert_element_type3A = arith.extui %gt3A_60 : i1 to i32
      %cond3A = arith.constant 0 : i32
      %cond3A_61 = arith.cmpi ne, %convert_element_type3A, %cond3A : i32
      scf.if %cond3A_61 {
        %sub3A = arith.constant 2 : i32
        %sub3A_127 = arith.subi %add3A_40, %sub3A : i32
        %mul3A_128 = arith.constant 10000 : i32
        %mul3A_129 = arith.muli %add3A, %mul3A_128 : i32
        %mul3A_130 = arith.constant 40 : i32
        %mul3A_131 = arith.muli %sub3A_127, %mul3A_130 : i32
        %add3A_132 = arith.addi %mul3A_129, %mul3A_131 : i32
        %dma_wait3A_133 = arith.constant 0 : i32
        %dma_wait3A_134 = tpu.memref_slice %arg6[%add3A_132, %dma_wait3A_133] : memref<320000x256xf32, #tpu.memory_space<hbm>> -> memref<40x256xf32, #tpu.memory_space<hbm>>
        %dma_wait3A_135 = arith.constant 0 : i32
        %dma_wait3A_136 = tpu.memref_slice %arg6[%add3A_132, %dma_wait3A_135] : memref<320000x256xf32, #tpu.memory_space<hbm>> -> memref<40x256xf32, #tpu.memory_space<hbm>>
        tpu.wait_dma2 semaphore(%arg19 : memref<!tpu.dma_semaphore, #tpu.memory_space<semaphore_mem>>) src(%arg15 : memref<40x256xf32, #tpu.memory_space<vmem>>) dst(%dma_wait3A_136 : memref<40x256xf32, #tpu.memory_space<hbm>>)
      } else {
      }
      %dma_wait3A_62 = arith.constant 0 : i32
      %dma_wait3A_63 = arith.constant 0 : i32
      %dma_wait3A_64 = tpu.memref_slice %arg2[%dma_wait3A_62, %dma_wait3A_63] : memref<10000x256xf32, #tpu.memory_space<hbm>> -> memref<10000x256xf32, #tpu.memory_space<hbm>>
      tpu.wait_indirect_dma semaphore(%arg17 : memref<!tpu.dma_semaphore, #tpu.memory_space<semaphore_mem>>) src(%dma_wait3A_64 : memref<10000x256xf32, #tpu.memory_space<hbm>>) dst(%arg11 : memref<40x256xf32, #tpu.memory_space<vmem>>)
      %dma_wait3A_65 = arith.constant 0 : i32
      %dma_wait3A_66 = arith.constant 0 : i32
      %dma_wait3A_67 = tpu.memref_slice %arg3[%dma_wait3A_65, %dma_wait3A_66] : memref<10000x256xf32, #tpu.memory_space<hbm>> -> memref<10000x256xf32, #tpu.memory_space<hbm>>
      tpu.wait_indirect_dma semaphore(%arg17 : memref<!tpu.dma_semaphore, #tpu.memory_space<semaphore_mem>>) src(%dma_wait3A_67 : memref<10000x256xf32, #tpu.memory_space<hbm>>) dst(%arg13 : memref<40x256xf32, #tpu.memory_space<vmem>>)
      %lt3A = arith.constant 124 : i32
      %lt3A_68 = arith.cmpi slt, %scan3A_36, %lt3A : i32
      %convert_element_type3A_69 = arith.extui %lt3A_68 : i1 to i32
      %cond3A_70 = arith.constant 0 : i32
      %cond3A_71 = arith.cmpi ne, %convert_element_type3A_69, %cond3A_70 : i32
      scf.if %cond3A_71 {
        %add3A_127 = arith.constant 2 : i32
        %add3A_128 = arith.addi %add3A_40, %add3A_127 : i32
        %mul3A_129 = arith.constant 10000 : i32
        %mul3A_130 = arith.muli %add3A, %mul3A_129 : i32
        %mul3A_131 = arith.constant 40 : i32
        %mul3A_132 = arith.muli %add3A_128, %mul3A_131 : i32
        %add3A_133 = arith.addi %mul3A_130, %mul3A_132 : i32
        %dma_start3A_134 = tpu.memref_slice %arg4[%add3A_133] : memref<320000xi32, #tpu.memory_space<hbm>> -> memref<40xi32, #tpu.memory_space<hbm>>
        %dma_start3A_135 = tpu.memref_slice %arg4[%add3A_133] : memref<320000xi32, #tpu.memory_space<hbm>> -> memref<40xi32, #tpu.memory_space<hbm>>
        tpu.enqueue_dma source(%dma_start3A_135 : memref<40xi32, #tpu.memory_space<hbm>>) target(%arg7 : memref<40xi32, #tpu.memory_space<vmem>>) target_semaphore(%arg21 : memref<!tpu.dma_semaphore, #tpu.memory_space<semaphore_mem>>)
        %dma_start3A_136 = tpu.memref_slice %arg5[%add3A_133] : memref<320000xi32, #tpu.memory_space<hbm>> -> memref<40xi32, #tpu.memory_space<hbm>>
        %dma_start3A_137 = tpu.memref_slice %arg5[%add3A_133] : memref<320000xi32, #tpu.memory_space<hbm>> -> memref<40xi32, #tpu.memory_space<hbm>>
        tpu.enqueue_dma source(%dma_start3A_137 : memref<40xi32, #tpu.memory_space<hbm>>) target(%arg9 : memref<40xi32, #tpu.memory_space<vmem>>) target_semaphore(%arg21 : memref<!tpu.dma_semaphore, #tpu.memory_space<semaphore_mem>>)
      } else {
      }
      %scan3A_72 = arith.constant 0 : i32
      %scan3A_73 = arith.constant 0 : i32
      %scan3A_74 = arith.constant 40 : i32
      %scan3A_75 = arith.addi %scan3A_73, %scan3A_74 : i32
      %scan3A_76 = arith.constant 1 : i32
      scf.for %scan3A_127 = %scan3A_73 to %scan3A_75 step %scan3A_76  : i32 {
        %get3A = arith.index_cast %scan3A_127 : i32 to index
        %get3A_128 = arith.constant 0 : index
        %get3A_129 = tpu.vector_load %arg11[%get3A, %get3A_128] {strides = array<i32>} : memref<40x256xf32, #tpu.memory_space<vmem>>, vector<1x16xf32>,
        %get3A_130 = vector.shape_cast %get3A_129 : vector<1x16xf32> to vector<16xf32>
        %get3A_131 = arith.index_cast %scan3A_127 : i32 to index
        %get3A_132 = arith.constant 0 : index
        %get3A_133 = tpu.vector_load %arg13[%get3A_131, %get3A_132] {strides = array<i32>} : memref<40x256xf32, #tpu.memory_space<vmem>>, vector<1x16xf32>,
        %get3A_134 = vector.shape_cast %get3A_133 : vector<1x16xf32> to vector<16xf32>
        %add3A_135 = arith.addf %get3A_130, %get3A_134 : vector<16xf32>
        %swap3A = arith.index_cast %scan3A_127 : i32 to index
        %swap3A_136 = arith.constant 0 : index
        %swap3A_137 = tpu.vector_load %arg15[%swap3A, %swap3A_136] {strides = array<i32>} : memref<40x256xf32, #tpu.memory_space<vmem>>, vector<1x16xf32>,
        %swap3A_138 = vector.shape_cast %swap3A_137 : vector<1x16xf32> to vector<16xf32>
        %swap3A_139 = vector.shape_cast %add3A_135 : vector<16xf32> to vector<1x16xf32>
        tpu.vector_store %arg15[%swap3A, %swap3A_136], %swap3A_139 {strides = array<i32>} : memref<40x256xf32, #tpu.memory_space<vmem>>, vector<1x16xf32>,
        %get3A_140 = arith.index_cast %scan3A_127 : i32 to index
        %get3A_141 = arith.constant 16 : index
        %get3A_142 = tpu.vector_load %arg11[%get3A_140, %get3A_141] {strides = array<i32>} : memref<40x256xf32, #tpu.memory_space<vmem>>, vector<1x16xf32>,
        %get3A_143 = vector.shape_cast %get3A_142 : vector<1x16xf32> to vector<16xf32>
        %get3A_144 = arith.index_cast %scan3A_127 : i32 to index
        %get3A_145 = arith.constant 16 : index
        %get3A_146 = tpu.vector_load %arg13[%get3A_144, %get3A_145] {strides = array<i32>} : memref<40x256xf32, #tpu.memory_space<vmem>>, vector<1x16xf32>,
        %get3A_147 = vector.shape_cast %get3A_146 : vector<1x16xf32> to vector<16xf32>
        %add3A_148 = arith.addf %get3A_143, %get3A_147 : vector<16xf32>
        %swap3A_149 = arith.index_cast %scan3A_127 : i32 to index
        %swap3A_150 = arith.constant 16 : index
        %swap3A_151 = tpu.vector_load %arg15[%swap3A_149, %swap3A_150] {strides = array<i32>} : memref<40x256xf32, #tpu.memory_space<vmem>>, vector<1x16xf32>,
        %swap3A_152 = vector.shape_cast %swap3A_151 : vector<1x16xf32> to vector<16xf32>
        %swap3A_153 = vector.shape_cast %add3A_148 : vector<16xf32> to vector<1x16xf32>
        tpu.vector_store %arg15[%swap3A_149, %swap3A_150], %swap3A_153 {strides = array<i32>} : memref<40x256xf32, #tpu.memory_space<vmem>>, vector<1x16xf32>,
        %get3A_154 = arith.index_cast %scan3A_127 : i32 to index
        %get3A_155 = arith.constant 32 : index
        %get3A_156 = tpu.vector_load %arg11[%get3A_154, %get3A_155] {strides = array<i32>} : memref<40x256xf32, #tpu.memory_space<vmem>>, vector<1x16xf32>,
        %get3A_157 = vector.shape_cast %get3A_156 : vector<1x16xf32> to vector<16xf32>
        %get3A_158 = arith.index_cast %scan3A_127 : i32 to index
        %get3A_159 = arith.constant 32 : index
        %get3A_160 = tpu.vector_load %arg13[%get3A_158, %get3A_159] {strides = array<i32>} : memref<40x256xf32, #tpu.memory_space<vmem>>, vector<1x16xf32>,
        %get3A_161 = vector.shape_cast %get3A_160 : vector<1x16xf32> to vector<16xf32>
        %add3A_162 = arith.addf %get3A_157, %get3A_161 : vector<16xf32>
        %swap3A_163 = arith.index_cast %scan3A_127 : i32 to index
        %swap3A_164 = arith.constant 32 : index
        %swap3A_165 = tpu.vector_load %arg15[%swap3A_163, %swap3A_164] {strides = array<i32>} : memref<40x256xf32, #tpu.memory_space<vmem>>, vector<1x16xf32>,
        %swap3A_166 = vector.shape_cast %swap3A_165 : vector<1x16xf32> to vector<16xf32>
        %swap3A_167 = vector.shape_cast %add3A_162 : vector<16xf32> to vector<1x16xf32>
        tpu.vector_store %arg15[%swap3A_163, %swap3A_164], %swap3A_167 {strides = array<i32>} : memref<40x256xf32, #tpu.memory_space<vmem>>, vector<1x16xf32>,
        %get3A_168 = arith.index_cast %scan3A_127 : i32 to index
        %get3A_169 = arith.constant 48 : index
        %get3A_170 = tpu.vector_load %arg11[%get3A_168, %get3A_169] {strides = array<i32>} : memref<40x256xf32, #tpu.memory_space<vmem>>, vector<1x16xf32>,
        %get3A_171 = vector.shape_cast %get3A_170 : vector<1x16xf32> to vector<16xf32>
        %get3A_172 = arith.index_cast %scan3A_127 : i32 to index
        %get3A_173 = arith.constant 48 : index
        %get3A_174 = tpu.vector_load %arg13[%get3A_172, %get3A_173] {strides = array<i32>} : memref<40x256xf32, #tpu.memory_space<vmem>>, vector<1x16xf32>,
        %get3A_175 = vector.shape_cast %get3A_174 : vector<1x16xf32> to vector<16xf32>
        %add3A_176 = arith.addf %get3A_171, %get3A_175 : vector<16xf32>
        %swap3A_177 = arith.index_cast %scan3A_127 : i32 to index
        %swap3A_178 = arith.constant 48 : index
        %swap3A_179 = tpu.vector_load %arg15[%swap3A_177, %swap3A_178] {strides = array<i32>} : memref<40x256xf32, #tpu.memory_space<vmem>>, vector<1x16xf32>,
        %swap3A_180 = vector.shape_cast %swap3A_179 : vector<1x16xf32> to vector<16xf32>
        %swap3A_181 = vector.shape_cast %add3A_176 : vector<16xf32> to vector<1x16xf32>
        tpu.vector_store %arg15[%swap3A_177, %swap3A_178], %swap3A_181 {strides = array<i32>} : memref<40x256xf32, #tpu.memory_space<vmem>>, vector<1x16xf32>,
        %get3A_182 = arith.index_cast %scan3A_127 : i32 to index
        %get3A_183 = arith.constant 64 : index
        %get3A_184 = tpu.vector_load %arg11[%get3A_182, %get3A_183] {strides = array<i32>} : memref<40x256xf32, #tpu.memory_space<vmem>>, vector<1x16xf32>,
        %get3A_185 = vector.shape_cast %get3A_184 : vector<1x16xf32> to vector<16xf32>
        %get3A_186 = arith.index_cast %scan3A_127 : i32 to index
        %get3A_187 = arith.constant 64 : index
        %get3A_188 = tpu.vector_load %arg13[%get3A_186, %get3A_187] {strides = array<i32>} : memref<40x256xf32, #tpu.memory_space<vmem>>, vector<1x16xf32>,
        %get3A_189 = vector.shape_cast %get3A_188 : vector<1x16xf32> to vector<16xf32>
        %add3A_190 = arith.addf %get3A_185, %get3A_189 : vector<16xf32>
        %swap3A_191 = arith.index_cast %scan3A_127 : i32 to index
        %swap3A_192 = arith.constant 64 : index
        %swap3A_193 = tpu.vector_load %arg15[%swap3A_191, %swap3A_192] {strides = array<i32>} : memref<40x256xf32, #tpu.memory_space<vmem>>, vector<1x16xf32>,
        %swap3A_194 = vector.shape_cast %swap3A_193 : vector<1x16xf32> to vector<16xf32>
        %swap3A_195 = vector.shape_cast %add3A_190 : vector<16xf32> to vector<1x16xf32>
        tpu.vector_store %arg15[%swap3A_191, %swap3A_192], %swap3A_195 {strides = array<i32>} : memref<40x256xf32, #tpu.memory_space<vmem>>, vector<1x16xf32>,
        %get3A_196 = arith.index_cast %scan3A_127 : i32 to index
        %get3A_197 = arith.constant 80 : index
        %get3A_198 = tpu.vector_load %arg11[%get3A_196, %get3A_197] {strides = array<i32>} : memref<40x256xf32, #tpu.memory_space<vmem>>, vector<1x16xf32>,
        %get3A_199 = vector.shape_cast %get3A_198 : vector<1x16xf32> to vector<16xf32>
        %get3A_200 = arith.index_cast %scan3A_127 : i32 to index
        %get3A_201 = arith.constant 80 : index
        %get3A_202 = tpu.vector_load %arg13[%get3A_200, %get3A_201] {strides = array<i32>} : memref<40x256xf32, #tpu.memory_space<vmem>>, vector<1x16xf32>,
        %get3A_203 = vector.shape_cast %get3A_202 : vector<1x16xf32> to vector<16xf32>
        %add3A_204 = arith.addf %get3A_199, %get3A_203 : vector<16xf32>
        %swap3A_205 = arith.index_cast %scan3A_127 : i32 to index
        %swap3A_206 = arith.constant 80 : index
        %swap3A_207 = tpu.vector_load %arg15[%swap3A_205, %swap3A_206] {strides = array<i32>} : memref<40x256xf32, #tpu.memory_space<vmem>>, vector<1x16xf32>,
        %swap3A_208 = vector.shape_cast %swap3A_207 : vector<1x16xf32> to vector<16xf32>
        %swap3A_209 = vector.shape_cast %add3A_204 : vector<16xf32> to vector<1x16xf32>
        tpu.vector_store %arg15[%swap3A_205, %swap3A_206], %swap3A_209 {strides = array<i32>} : memref<40x256xf32, #tpu.memory_space<vmem>>, vector<1x16xf32>,
        %get3A_210 = arith.index_cast %scan3A_127 : i32 to index
        %get3A_211 = arith.constant 96 : index
        %get3A_212 = tpu.vector_load %arg11[%get3A_210, %get3A_211] {strides = array<i32>} : memref<40x256xf32, #tpu.memory_space<vmem>>, vector<1x16xf32>,
        %get3A_213 = vector.shape_cast %get3A_212 : vector<1x16xf32> to vector<16xf32>
        %get3A_214 = arith.index_cast %scan3A_127 : i32 to index
        %get3A_215 = arith.constant 96 : index
        %get3A_216 = tpu.vector_load %arg13[%get3A_214, %get3A_215] {strides = array<i32>} : memref<40x256xf32, #tpu.memory_space<vmem>>, vector<1x16xf32>,
        %get3A_217 = vector.shape_cast %get3A_216 : vector<1x16xf32> to vector<16xf32>
        %add3A_218 = arith.addf %get3A_213, %get3A_217 : vector<16xf32>
        %swap3A_219 = arith.index_cast %scan3A_127 : i32 to index
        %swap3A_220 = arith.constant 96 : index
        %swap3A_221 = tpu.vector_load %arg15[%swap3A_219, %swap3A_220] {strides = array<i32>} : memref<40x256xf32, #tpu.memory_space<vmem>>, vector<1x16xf32>,
        %swap3A_222 = vector.shape_cast %swap3A_221 : vector<1x16xf32> to vector<16xf32>
        %swap3A_223 = vector.shape_cast %add3A_218 : vector<16xf32> to vector<1x16xf32>
        tpu.vector_store %arg15[%swap3A_219, %swap3A_220], %swap3A_223 {strides = array<i32>} : memref<40x256xf32, #tpu.memory_space<vmem>>, vector<1x16xf32>,
        %get3A_224 = arith.index_cast %scan3A_127 : i32 to index
        %get3A_225 = arith.constant 112 : index
        %get3A_226 = tpu.vector_load %arg11[%get3A_224, %get3A_225] {strides = array<i32>} : memref<40x256xf32, #tpu.memory_space<vmem>>, vector<1x16xf32>,
        %get3A_227 = vector.shape_cast %get3A_226 : vector<1x16xf32> to vector<16xf32>
        %get3A_228 = arith.index_cast %scan3A_127 : i32 to index
        %get3A_229 = arith.constant 112 : index
        %get3A_230 = tpu.vector_load %arg13[%get3A_228, %get3A_229] {strides = array<i32>} : memref<40x256xf32, #tpu.memory_space<vmem>>, vector<1x16xf32>,
        %get3A_231 = vector.shape_cast %get3A_230 : vector<1x16xf32> to vector<16xf32>
        %add3A_232 = arith.addf %get3A_227, %get3A_231 : vector<16xf32>
        %swap3A_233 = arith.index_cast %scan3A_127 : i32 to index
        %swap3A_234 = arith.constant 112 : index
        %swap3A_235 = tpu.vector_load %arg15[%swap3A_233, %swap3A_234] {strides = array<i32>} : memref<40x256xf32, #tpu.memory_space<vmem>>, vector<1x16xf32>,
        %swap3A_236 = vector.shape_cast %swap3A_235 : vector<1x16xf32> to vector<16xf32>
        %swap3A_237 = vector.shape_cast %add3A_232 : vector<16xf32> to vector<1x16xf32>
        tpu.vector_store %arg15[%swap3A_233, %swap3A_234], %swap3A_237 {strides = array<i32>} : memref<40x256xf32, #tpu.memory_space<vmem>>, vector<1x16xf32>,
        %get3A_238 = arith.index_cast %scan3A_127 : i32 to index
        %get3A_239 = arith.constant 128 : index
        %get3A_240 = tpu.vector_load %arg11[%get3A_238, %get3A_239] {strides = array<i32>} : memref<40x256xf32, #tpu.memory_space<vmem>>, vector<1x16xf32>,
        %get3A_241 = vector.shape_cast %get3A_240 : vector<1x16xf32> to vector<16xf32>
        %get3A_242 = arith.index_cast %scan3A_127 : i32 to index
        %get3A_243 = arith.constant 128 : index
        %get3A_244 = tpu.vector_load %arg13[%get3A_242, %get3A_243] {strides = array<i32>} : memref<40x256xf32, #tpu.memory_space<vmem>>, vector<1x16xf32>,
        %get3A_245 = vector.shape_cast %get3A_244 : vector<1x16xf32> to vector<16xf32>
        %add3A_246 = arith.addf %get3A_241, %get3A_245 : vector<16xf32>
        %swap3A_247 = arith.index_cast %scan3A_127 : i32 to index
        %swap3A_248 = arith.constant 128 : index
        %swap3A_249 = tpu.vector_load %arg15[%swap3A_247, %swap3A_248] {strides = array<i32>} : memref<40x256xf32, #tpu.memory_space<vmem>>, vector<1x16xf32>,
        %swap3A_250 = vector.shape_cast %swap3A_249 : vector<1x16xf32> to vector<16xf32>
        %swap3A_251 = vector.shape_cast %add3A_246 : vector<16xf32> to vector<1x16xf32>
        tpu.vector_store %arg15[%swap3A_247, %swap3A_248], %swap3A_251 {strides = array<i32>} : memref<40x256xf32, #tpu.memory_space<vmem>>, vector<1x16xf32>,
        %get3A_252 = arith.index_cast %scan3A_127 : i32 to index
        %get3A_253 = arith.constant 144 : index
        %get3A_254 = tpu.vector_load %arg11[%get3A_252, %get3A_253] {strides = array<i32>} : memref<40x256xf32, #tpu.memory_space<vmem>>, vector<1x16xf32>,
        %get3A_255 = vector.shape_cast %get3A_254 : vector<1x16xf32> to vector<16xf32>
        %get3A_256 = arith.index_cast %scan3A_127 : i32 to index
        %get3A_257 = arith.constant 144 : index
        %get3A_258 = tpu.vector_load %arg13[%get3A_256, %get3A_257] {strides = array<i32>} : memref<40x256xf32, #tpu.memory_space<vmem>>, vector<1x16xf32>,
        %get3A_259 = vector.shape_cast %get3A_258 : vector<1x16xf32> to vector<16xf32>
        %add3A_260 = arith.addf %get3A_255, %get3A_259 : vector<16xf32>
        %swap3A_261 = arith.index_cast %scan3A_127 : i32 to index
        %swap3A_262 = arith.constant 144 : index
        %swap3A_263 = tpu.vector_load %arg15[%swap3A_261, %swap3A_262] {strides = array<i32>} : memref<40x256xf32, #tpu.memory_space<vmem>>, vector<1x16xf32>,
        %swap3A_264 = vector.shape_cast %swap3A_263 : vector<1x16xf32> to vector<16xf32>
        %swap3A_265 = vector.shape_cast %add3A_260 : vector<16xf32> to vector<1x16xf32>
        tpu.vector_store %arg15[%swap3A_261, %swap3A_262], %swap3A_265 {strides = array<i32>} : memref<40x256xf32, #tpu.memory_space<vmem>>, vector<1x16xf32>,
        %get3A_266 = arith.index_cast %scan3A_127 : i32 to index
        %get3A_267 = arith.constant 160 : index
        %get3A_268 = tpu.vector_load %arg11[%get3A_266, %get3A_267] {strides = array<i32>} : memref<40x256xf32, #tpu.memory_space<vmem>>, vector<1x16xf32>,
        %get3A_269 = vector.shape_cast %get3A_268 : vector<1x16xf32> to vector<16xf32>
        %get3A_270 = arith.index_cast %scan3A_127 : i32 to index
        %get3A_271 = arith.constant 160 : index
        %get3A_272 = tpu.vector_load %arg13[%get3A_270, %get3A_271] {strides = array<i32>} : memref<40x256xf32, #tpu.memory_space<vmem>>, vector<1x16xf32>,
        %get3A_273 = vector.shape_cast %get3A_272 : vector<1x16xf32> to vector<16xf32>
        %add3A_274 = arith.addf %get3A_269, %get3A_273 : vector<16xf32>
        %swap3A_275 = arith.index_cast %scan3A_127 : i32 to index
        %swap3A_276 = arith.constant 160 : index
        %swap3A_277 = tpu.vector_load %arg15[%swap3A_275, %swap3A_276] {strides = array<i32>} : memref<40x256xf32, #tpu.memory_space<vmem>>, vector<1x16xf32>,
        %swap3A_278 = vector.shape_cast %swap3A_277 : vector<1x16xf32> to vector<16xf32>
        %swap3A_279 = vector.shape_cast %add3A_274 : vector<16xf32> to vector<1x16xf32>
        tpu.vector_store %arg15[%swap3A_275, %swap3A_276], %swap3A_279 {strides = array<i32>} : memref<40x256xf32, #tpu.memory_space<vmem>>, vector<1x16xf32>,
        %get3A_280 = arith.index_cast %scan3A_127 : i32 to index
        %get3A_281 = arith.constant 176 : index
        %get3A_282 = tpu.vector_load %arg11[%get3A_280, %get3A_281] {strides = array<i32>} : memref<40x256xf32, #tpu.memory_space<vmem>>, vector<1x16xf32>,
        %get3A_283 = vector.shape_cast %get3A_282 : vector<1x16xf32> to vector<16xf32>
        %get3A_284 = arith.index_cast %scan3A_127 : i32 to index
        %get3A_285 = arith.constant 176 : index
        %get3A_286 = tpu.vector_load %arg13[%get3A_284, %get3A_285] {strides = array<i32>} : memref<40x256xf32, #tpu.memory_space<vmem>>, vector<1x16xf32>,
        %get3A_287 = vector.shape_cast %get3A_286 : vector<1x16xf32> to vector<16xf32>
        %add3A_288 = arith.addf %get3A_283, %get3A_287 : vector<16xf32>
        %swap3A_289 = arith.index_cast %scan3A_127 : i32 to index
        %swap3A_290 = arith.constant 176 : index
        %swap3A_291 = tpu.vector_load %arg15[%swap3A_289, %swap3A_290] {strides = array<i32>} : memref<40x256xf32, #tpu.memory_space<vmem>>, vector<1x16xf32>,
        %swap3A_292 = vector.shape_cast %swap3A_291 : vector<1x16xf32> to vector<16xf32>
        %swap3A_293 = vector.shape_cast %add3A_288 : vector<16xf32> to vector<1x16xf32>
        tpu.vector_store %arg15[%swap3A_289, %swap3A_290], %swap3A_293 {strides = array<i32>} : memref<40x256xf32, #tpu.memory_space<vmem>>, vector<1x16xf32>,
        %get3A_294 = arith.index_cast %scan3A_127 : i32 to index
        %get3A_295 = arith.constant 192 : index
        %get3A_296 = tpu.vector_load %arg11[%get3A_294, %get3A_295] {strides = array<i32>} : memref<40x256xf32, #tpu.memory_space<vmem>>, vector<1x16xf32>,
        %get3A_297 = vector.shape_cast %get3A_296 : vector<1x16xf32> to vector<16xf32>
        %get3A_298 = arith.index_cast %scan3A_127 : i32 to index
        %get3A_299 = arith.constant 192 : index
        %get3A_300 = tpu.vector_load %arg13[%get3A_298, %get3A_299] {strides = array<i32>} : memref<40x256xf32, #tpu.memory_space<vmem>>, vector<1x16xf32>,
        %get3A_301 = vector.shape_cast %get3A_300 : vector<1x16xf32> to vector<16xf32>
        %add3A_302 = arith.addf %get3A_297, %get3A_301 : vector<16xf32>
        %swap3A_303 = arith.index_cast %scan3A_127 : i32 to index
        %swap3A_304 = arith.constant 192 : index
        %swap3A_305 = tpu.vector_load %arg15[%swap3A_303, %swap3A_304] {strides = array<i32>} : memref<40x256xf32, #tpu.memory_space<vmem>>, vector<1x16xf32>,
        %swap3A_306 = vector.shape_cast %swap3A_305 : vector<1x16xf32> to vector<16xf32>
        %swap3A_307 = vector.shape_cast %add3A_302 : vector<16xf32> to vector<1x16xf32>
        tpu.vector_store %arg15[%swap3A_303, %swap3A_304], %swap3A_307 {strides = array<i32>} : memref<40x256xf32, #tpu.memory_space<vmem>>, vector<1x16xf32>,
        %get3A_308 = arith.index_cast %scan3A_127 : i32 to index
        %get3A_309 = arith.constant 208 : index
        %get3A_310 = tpu.vector_load %arg11[%get3A_308, %get3A_309] {strides = array<i32>} : memref<40x256xf32, #tpu.memory_space<vmem>>, vector<1x16xf32>,
        %get3A_311 = vector.shape_cast %get3A_310 : vector<1x16xf32> to vector<16xf32>
        %get3A_312 = arith.index_cast %scan3A_127 : i32 to index
        %get3A_313 = arith.constant 208 : index
        %get3A_314 = tpu.vector_load %arg13[%get3A_312, %get3A_313] {strides = array<i32>} : memref<40x256xf32, #tpu.memory_space<vmem>>, vector<1x16xf32>,
        %get3A_315 = vector.shape_cast %get3A_314 : vector<1x16xf32> to vector<16xf32>
        %add3A_316 = arith.addf %get3A_311, %get3A_315 : vector<16xf32>
        %swap3A_317 = arith.index_cast %scan3A_127 : i32 to index
        %swap3A_318 = arith.constant 208 : index
        %swap3A_319 = tpu.vector_load %arg15[%swap3A_317, %swap3A_318] {strides = array<i32>} : memref<40x256xf32, #tpu.memory_space<vmem>>, vector<1x16xf32>,
        %swap3A_320 = vector.shape_cast %swap3A_319 : vector<1x16xf32> to vector<16xf32>
        %swap3A_321 = vector.shape_cast %add3A_316 : vector<16xf32> to vector<1x16xf32>
        tpu.vector_store %arg15[%swap3A_317, %swap3A_318], %swap3A_321 {strides = array<i32>} : memref<40x256xf32, #tpu.memory_space<vmem>>, vector<1x16xf32>,
        %get3A_322 = arith.index_cast %scan3A_127 : i32 to index
        %get3A_323 = arith.constant 224 : index
        %get3A_324 = tpu.vector_load %arg11[%get3A_322, %get3A_323] {strides = array<i32>} : memref<40x256xf32, #tpu.memory_space<vmem>>, vector<1x16xf32>,
        %get3A_325 = vector.shape_cast %get3A_324 : vector<1x16xf32> to vector<16xf32>
        %get3A_326 = arith.index_cast %scan3A_127 : i32 to index
        %get3A_327 = arith.constant 224 : index
        %get3A_328 = tpu.vector_load %arg13[%get3A_326, %get3A_327] {strides = array<i32>} : memref<40x256xf32, #tpu.memory_space<vmem>>, vector<1x16xf32>,
        %get3A_329 = vector.shape_cast %get3A_328 : vector<1x16xf32> to vector<16xf32>
        %add3A_330 = arith.addf %get3A_325, %get3A_329 : vector<16xf32>
        %swap3A_331 = arith.index_cast %scan3A_127 : i32 to index
        %swap3A_332 = arith.constant 224 : index
        %swap3A_333 = tpu.vector_load %arg15[%swap3A_331, %swap3A_332] {strides = array<i32>} : memref<40x256xf32, #tpu.memory_space<vmem>>, vector<1x16xf32>,
        %swap3A_334 = vector.shape_cast %swap3A_333 : vector<1x16xf32> to vector<16xf32>
        %swap3A_335 = vector.shape_cast %add3A_330 : vector<16xf32> to vector<1x16xf32>
        tpu.vector_store %arg15[%swap3A_331, %swap3A_332], %swap3A_335 {strides = array<i32>} : memref<40x256xf32, #tpu.memory_space<vmem>>, vector<1x16xf32>,
        %get3A_336 = arith.index_cast %scan3A_127 : i32 to index
        %get3A_337 = arith.constant 240 : index
        %get3A_338 = tpu.vector_load %arg11[%get3A_336, %get3A_337] {strides = array<i32>} : memref<40x256xf32, #tpu.memory_space<vmem>>, vector<1x16xf32>,
        %get3A_339 = vector.shape_cast %get3A_338 : vector<1x16xf32> to vector<16xf32>
        %get3A_340 = arith.index_cast %scan3A_127 : i32 to index
        %get3A_341 = arith.constant 240 : index
        %get3A_342 = tpu.vector_load %arg13[%get3A_340, %get3A_341] {strides = array<i32>} : memref<40x256xf32, #tpu.memory_space<vmem>>, vector<1x16xf32>,
        %get3A_343 = vector.shape_cast %get3A_342 : vector<1x16xf32> to vector<16xf32>
        %add3A_344 = arith.addf %get3A_339, %get3A_343 : vector<16xf32>
        %swap3A_345 = arith.index_cast %scan3A_127 : i32 to index
        %swap3A_346 = arith.constant 240 : index
        %swap3A_347 = tpu.vector_load %arg15[%swap3A_345, %swap3A_346] {strides = array<i32>} : memref<40x256xf32, #tpu.memory_space<vmem>>, vector<1x16xf32>,
        %swap3A_348 = vector.shape_cast %swap3A_347 : vector<1x16xf32> to vector<16xf32>
        %swap3A_349 = vector.shape_cast %add3A_344 : vector<16xf32> to vector<1x16xf32>
        tpu.vector_store %arg15[%swap3A_345, %swap3A_346], %swap3A_349 {strides = array<i32>} : memref<40x256xf32, #tpu.memory_space<vmem>>, vector<1x16xf32>,
      }
      %scan3A_77 = arith.constant 40 : i32
      %mul3A_78 = arith.constant 10000 : i32
      %mul3A_79 = arith.muli %add3A, %mul3A_78 : i32
      %mul3A_80 = arith.constant 40 : i32
      %mul3A_81 = arith.muli %add3A_40, %mul3A_80 : i32
      %add3A_82 = arith.addi %mul3A_79, %mul3A_81 : i32
      %dma_start3A_83 = arith.constant 0 : i32
      %dma_start3A_84 = tpu.memref_slice %arg6[%add3A_82, %dma_start3A_83] : memref<320000x256xf32, #tpu.memory_space<hbm>> -> memref<40x256xf32, #tpu.memory_space<hbm>>
      %dma_start3A_85 = arith.constant 0 : i32
      %dma_start3A_86 = tpu.memref_slice %arg6[%add3A_82, %dma_start3A_85] : memref<320000x256xf32, #tpu.memory_space<hbm>> -> memref<40x256xf32, #tpu.memory_space<hbm>>
      tpu.enqueue_dma source(%arg15 : memref<40x256xf32, #tpu.memory_space<vmem>>) target(%dma_start3A_86 : memref<40x256xf32, #tpu.memory_space<hbm>>) target_semaphore(%arg19 : memref<!tpu.dma_semaphore, #tpu.memory_space<semaphore_mem>>)
      %mul3A_87 = arith.constant 2 : i32
      %mul3A_88 = arith.muli %mul3A_87, %scan3A_36 : i32
      %add3A_89 = arith.constant 1 : i32
      %add3A_90 = arith.addi %mul3A_88, %add3A_89 : i32
      %lt3A_91 = arith.constant 124 : i32
      %lt3A_92 = arith.cmpi slt, %scan3A_36, %lt3A_91 : i32
      %convert_element_type3A_93 = arith.extui %lt3A_92 : i1 to i32
      %cond3A_94 = arith.constant 0 : i32
      %cond3A_95 = arith.cmpi ne, %convert_element_type3A_93, %cond3A_94 : i32
      scf.if %cond3A_95 {
        %add3A_127 = arith.constant 1 : i32
        %add3A_128 = arith.addi %add3A_90, %add3A_127 : i32
        %mul3A_129 = arith.constant 10000 : i32
        %mul3A_130 = arith.muli %add3A, %mul3A_129 : i32
        %mul3A_131 = arith.constant 40 : i32
        %mul3A_132 = arith.muli %add3A_128, %mul3A_131 : i32
        %add3A_133 = arith.addi %mul3A_130, %mul3A_132 : i32
        %dma_wait3A_134 = tpu.memref_slice %arg4[%add3A_133] : memref<320000xi32, #tpu.memory_space<hbm>> -> memref<40xi32, #tpu.memory_space<hbm>>
        %dma_wait3A_135 = tpu.memref_slice %arg4[%add3A_133] : memref<320000xi32, #tpu.memory_space<hbm>> -> memref<40xi32, #tpu.memory_space<hbm>>
        tpu.wait_dma2 semaphore(%arg21 : memref<!tpu.dma_semaphore, #tpu.memory_space<semaphore_mem>>) src(%dma_wait3A_135 : memref<40xi32, #tpu.memory_space<hbm>>) dst(%arg7 : memref<40xi32, #tpu.memory_space<vmem>>)
        %dma_wait3A_136 = tpu.memref_slice %arg5[%add3A_133] : memref<320000xi32, #tpu.memory_space<hbm>> -> memref<40xi32, #tpu.memory_space<hbm>>
        %dma_wait3A_137 = tpu.memref_slice %arg5[%add3A_133] : memref<320000xi32, #tpu.memory_space<hbm>> -> memref<40xi32, #tpu.memory_space<hbm>>
        tpu.wait_dma2 semaphore(%arg21 : memref<!tpu.dma_semaphore, #tpu.memory_space<semaphore_mem>>) src(%dma_wait3A_137 : memref<40xi32, #tpu.memory_space<hbm>>) dst(%arg9 : memref<40xi32, #tpu.memory_space<vmem>>)
        %add3A_138 = arith.constant 1 : i32
        %add3A_139 = arith.addi %add3A_90, %add3A_138 : i32
        %dma_start3A_140 = arith.constant 0 : i32
        %dma_start3A_141 = arith.constant 0 : i32
        %dma_start3A_142 = tpu.memref_slice %arg2[%dma_start3A_140, %dma_start3A_141] : memref<10000x256xf32, #tpu.memory_space<hbm>> -> memref<10000x256xf32, #tpu.memory_space<hbm>>
        tpu.enqueue_indirect_dma source(%dma_start3A_142 : memref<10000x256xf32, #tpu.memory_space<hbm>>) target(%arg11 : memref<40x256xf32, #tpu.memory_space<vmem>>) offsets(%arg7 : memref<40xi32, #tpu.memory_space<vmem>>) semaphore(%arg17 : memref<!tpu.dma_semaphore, #tpu.memory_space<semaphore_mem>>)
        %dma_start3A_143 = arith.constant 0 : i32
        %dma_start3A_144 = arith.constant 0 : i32
        %dma_start3A_145 = tpu.memref_slice %arg3[%dma_start3A_143, %dma_start3A_144] : memref<10000x256xf32, #tpu.memory_space<hbm>> -> memref<10000x256xf32, #tpu.memory_space<hbm>>
        tpu.enqueue_indirect_dma source(%dma_start3A_145 : memref<10000x256xf32, #tpu.memory_space<hbm>>) target(%arg13 : memref<40x256xf32, #tpu.memory_space<vmem>>) offsets(%arg9 : memref<40xi32, #tpu.memory_space<vmem>>) semaphore(%arg17 : memref<!tpu.dma_semaphore, #tpu.memory_space<semaphore_mem>>)
      } else {
      }
      %gt3A_96 = arith.constant 0 : i32
      %gt3A_97 = arith.cmpi sgt, %scan3A_36, %gt3A_96 : i32
      %convert_element_type3A_98 = arith.extui %gt3A_97 : i1 to i32
      %cond3A_99 = arith.constant 0 : i32
      %cond3A_100 = arith.cmpi ne, %convert_element_type3A_98, %cond3A_99 : i32
      scf.if %cond3A_100 {
        %sub3A = arith.constant 2 : i32
        %sub3A_127 = arith.subi %add3A_90, %sub3A : i32
        %mul3A_128 = arith.constant 10000 : i32
        %mul3A_129 = arith.muli %add3A, %mul3A_128 : i32
        %mul3A_130 = arith.constant 40 : i32
        %mul3A_131 = arith.muli %sub3A_127, %mul3A_130 : i32
        %add3A_132 = arith.addi %mul3A_129, %mul3A_131 : i32
        %dma_wait3A_133 = arith.constant 0 : i32
        %dma_wait3A_134 = tpu.memref_slice %arg6[%add3A_132, %dma_wait3A_133] : memref<320000x256xf32, #tpu.memory_space<hbm>> -> memref<40x256xf32, #tpu.memory_space<hbm>>
        %dma_wait3A_135 = arith.constant 0 : i32
        %dma_wait3A_136 = tpu.memref_slice %arg6[%add3A_132, %dma_wait3A_135] : memref<320000x256xf32, #tpu.memory_space<hbm>> -> memref<40x256xf32, #tpu.memory_space<hbm>>
        tpu.wait_dma2 semaphore(%arg20 : memref<!tpu.dma_semaphore, #tpu.memory_space<semaphore_mem>>) src(%arg16 : memref<40x256xf32, #tpu.memory_space<vmem>>) dst(%dma_wait3A_136 : memref<40x256xf32, #tpu.memory_space<hbm>>)
      } else {
      }
      %dma_wait3A_101 = arith.constant 0 : i32
      %dma_wait3A_102 = arith.constant 0 : i32
      %dma_wait3A_103 = tpu.memref_slice %arg2[%dma_wait3A_101, %dma_wait3A_102] : memref<10000x256xf32, #tpu.memory_space<hbm>> -> memref<10000x256xf32, #tpu.memory_space<hbm>>
      tpu.wait_indirect_dma semaphore(%arg18 : memref<!tpu.dma_semaphore, #tpu.memory_space<semaphore_mem>>) src(%dma_wait3A_103 : memref<10000x256xf32, #tpu.memory_space<hbm>>) dst(%arg12 : memref<40x256xf32, #tpu.memory_space<vmem>>)
      %dma_wait3A_104 = arith.constant 0 : i32
      %dma_wait3A_105 = arith.constant 0 : i32
      %dma_wait3A_106 = tpu.memref_slice %arg3[%dma_wait3A_104, %dma_wait3A_105] : memref<10000x256xf32, #tpu.memory_space<hbm>> -> memref<10000x256xf32, #tpu.memory_space<hbm>>
      tpu.wait_indirect_dma semaphore(%arg18 : memref<!tpu.dma_semaphore, #tpu.memory_space<semaphore_mem>>) src(%dma_wait3A_106 : memref<10000x256xf32, #tpu.memory_space<hbm>>) dst(%arg14 : memref<40x256xf32, #tpu.memory_space<vmem>>)
      %lt3A_107 = arith.constant 124 : i32
      %lt3A_108 = arith.cmpi slt, %scan3A_36, %lt3A_107 : i32
      %convert_element_type3A_109 = arith.extui %lt3A_108 : i1 to i32
      %cond3A_110 = arith.constant 0 : i32
      %cond3A_111 = arith.cmpi ne, %convert_element_type3A_109, %cond3A_110 : i32
      scf.if %cond3A_111 {
        %add3A_127 = arith.constant 2 : i32
        %add3A_128 = arith.addi %add3A_90, %add3A_127 : i32
        %mul3A_129 = arith.constant 10000 : i32
        %mul3A_130 = arith.muli %add3A, %mul3A_129 : i32
        %mul3A_131 = arith.constant 40 : i32
        %mul3A_132 = arith.muli %add3A_128, %mul3A_131 : i32
        %add3A_133 = arith.addi %mul3A_130, %mul3A_132 : i32
        %dma_start3A_134 = tpu.memref_slice %arg4[%add3A_133] : memref<320000xi32, #tpu.memory_space<hbm>> -> memref<40xi32, #tpu.memory_space<hbm>>
        %dma_start3A_135 = tpu.memref_slice %arg4[%add3A_133] : memref<320000xi32, #tpu.memory_space<hbm>> -> memref<40xi32, #tpu.memory_space<hbm>>
        tpu.enqueue_dma source(%dma_start3A_135 : memref<40xi32, #tpu.memory_space<hbm>>) target(%arg8 : memref<40xi32, #tpu.memory_space<vmem>>) target_semaphore(%arg22 : memref<!tpu.dma_semaphore, #tpu.memory_space<semaphore_mem>>)
        %dma_start3A_136 = tpu.memref_slice %arg5[%add3A_133] : memref<320000xi32, #tpu.memory_space<hbm>> -> memref<40xi32, #tpu.memory_space<hbm>>
        %dma_start3A_137 = tpu.memref_slice %arg5[%add3A_133] : memref<320000xi32, #tpu.memory_space<hbm>> -> memref<40xi32, #tpu.memory_space<hbm>>
        tpu.enqueue_dma source(%dma_start3A_137 : memref<40xi32, #tpu.memory_space<hbm>>) target(%arg10 : memref<40xi32, #tpu.memory_space<vmem>>) target_semaphore(%arg22 : memref<!tpu.dma_semaphore, #tpu.memory_space<semaphore_mem>>)
      } else {
      }
      %scan3A_112 = arith.constant 0 : i32
      %scan3A_113 = arith.constant 0 : i32
      %scan3A_114 = arith.constant 40 : i32
      %scan3A_115 = arith.addi %scan3A_113, %scan3A_114 : i32
      %scan3A_116 = arith.constant 1 : i32
      scf.for %scan3A_127 = %scan3A_113 to %scan3A_115 step %scan3A_116  : i32 {
        %get3A = arith.index_cast %scan3A_127 : i32 to index
        %get3A_128 = arith.constant 0 : index
        %get3A_129 = tpu.vector_load %arg12[%get3A, %get3A_128] {strides = array<i32>} : memref<40x256xf32, #tpu.memory_space<vmem>>, vector<1x16xf32>,
        %get3A_130 = vector.shape_cast %get3A_129 : vector<1x16xf32> to vector<16xf32>
        %get3A_131 = arith.index_cast %scan3A_127 : i32 to index
        %get3A_132 = arith.constant 0 : index
        %get3A_133 = tpu.vector_load %arg14[%get3A_131, %get3A_132] {strides = array<i32>} : memref<40x256xf32, #tpu.memory_space<vmem>>, vector<1x16xf32>,
        %get3A_134 = vector.shape_cast %get3A_133 : vector<1x16xf32> to vector<16xf32>
        %add3A_135 = arith.addf %get3A_130, %get3A_134 : vector<16xf32>
        %swap3A = arith.index_cast %scan3A_127 : i32 to index
        %swap3A_136 = arith.constant 0 : index
        %swap3A_137 = tpu.vector_load %arg16[%swap3A, %swap3A_136] {strides = array<i32>} : memref<40x256xf32, #tpu.memory_space<vmem>>, vector<1x16xf32>,
        %swap3A_138 = vector.shape_cast %swap3A_137 : vector<1x16xf32> to vector<16xf32>
        %swap3A_139 = vector.shape_cast %add3A_135 : vector<16xf32> to vector<1x16xf32>
        tpu.vector_store %arg16[%swap3A, %swap3A_136], %swap3A_139 {strides = array<i32>} : memref<40x256xf32, #tpu.memory_space<vmem>>, vector<1x16xf32>,
        %get3A_140 = arith.index_cast %scan3A_127 : i32 to index
        %get3A_141 = arith.constant 16 : index
        %get3A_142 = tpu.vector_load %arg12[%get3A_140, %get3A_141] {strides = array<i32>} : memref<40x256xf32, #tpu.memory_space<vmem>>, vector<1x16xf32>,
        %get3A_143 = vector.shape_cast %get3A_142 : vector<1x16xf32> to vector<16xf32>
        %get3A_144 = arith.index_cast %scan3A_127 : i32 to index
        %get3A_145 = arith.constant 16 : index
        %get3A_146 = tpu.vector_load %arg14[%get3A_144, %get3A_145] {strides = array<i32>} : memref<40x256xf32, #tpu.memory_space<vmem>>, vector<1x16xf32>,
        %get3A_147 = vector.shape_cast %get3A_146 : vector<1x16xf32> to vector<16xf32>
        %add3A_148 = arith.addf %get3A_143, %get3A_147 : vector<16xf32>
        %swap3A_149 = arith.index_cast %scan3A_127 : i32 to index
        %swap3A_150 = arith.constant 16 : index
        %swap3A_151 = tpu.vector_load %arg16[%swap3A_149, %swap3A_150] {strides = array<i32>} : memref<40x256xf32, #tpu.memory_space<vmem>>, vector<1x16xf32>,
        %swap3A_152 = vector.shape_cast %swap3A_151 : vector<1x16xf32> to vector<16xf32>
        %swap3A_153 = vector.shape_cast %add3A_148 : vector<16xf32> to vector<1x16xf32>
        tpu.vector_store %arg16[%swap3A_149, %swap3A_150], %swap3A_153 {strides = array<i32>} : memref<40x256xf32, #tpu.memory_space<vmem>>, vector<1x16xf32>,
        %get3A_154 = arith.index_cast %scan3A_127 : i32 to index
        %get3A_155 = arith.constant 32 : index
        %get3A_156 = tpu.vector_load %arg12[%get3A_154, %get3A_155] {strides = array<i32>} : memref<40x256xf32, #tpu.memory_space<vmem>>, vector<1x16xf32>,
        %get3A_157 = vector.shape_cast %get3A_156 : vector<1x16xf32> to vector<16xf32>
        %get3A_158 = arith.index_cast %scan3A_127 : i32 to index
        %get3A_159 = arith.constant 32 : index
        %get3A_160 = tpu.vector_load %arg14[%get3A_158, %get3A_159] {strides = array<i32>} : memref<40x256xf32, #tpu.memory_space<vmem>>, vector<1x16xf32>,
        %get3A_161 = vector.shape_cast %get3A_160 : vector<1x16xf32> to vector<16xf32>
        %add3A_162 = arith.addf %get3A_157, %get3A_161 : vector<16xf32>
        %swap3A_163 = arith.index_cast %scan3A_127 : i32 to index
        %swap3A_164 = arith.constant 32 : index
        %swap3A_165 = tpu.vector_load %arg16[%swap3A_163, %swap3A_164] {strides = array<i32>} : memref<40x256xf32, #tpu.memory_space<vmem>>, vector<1x16xf32>,
        %swap3A_166 = vector.shape_cast %swap3A_165 : vector<1x16xf32> to vector<16xf32>
        %swap3A_167 = vector.shape_cast %add3A_162 : vector<16xf32> to vector<1x16xf32>
        tpu.vector_store %arg16[%swap3A_163, %swap3A_164], %swap3A_167 {strides = array<i32>} : memref<40x256xf32, #tpu.memory_space<vmem>>, vector<1x16xf32>,
        %get3A_168 = arith.index_cast %scan3A_127 : i32 to index
        %get3A_169 = arith.constant 48 : index
        %get3A_170 = tpu.vector_load %arg12[%get3A_168, %get3A_169] {strides = array<i32>} : memref<40x256xf32, #tpu.memory_space<vmem>>, vector<1x16xf32>,
        %get3A_171 = vector.shape_cast %get3A_170 : vector<1x16xf32> to vector<16xf32>
        %get3A_172 = arith.index_cast %scan3A_127 : i32 to index
        %get3A_173 = arith.constant 48 : index
        %get3A_174 = tpu.vector_load %arg14[%get3A_172, %get3A_173] {strides = array<i32>} : memref<40x256xf32, #tpu.memory_space<vmem>>, vector<1x16xf32>,
        %get3A_175 = vector.shape_cast %get3A_174 : vector<1x16xf32> to vector<16xf32>
        %add3A_176 = arith.addf %get3A_171, %get3A_175 : vector<16xf32>
        %swap3A_177 = arith.index_cast %scan3A_127 : i32 to index
        %swap3A_178 = arith.constant 48 : index
        %swap3A_179 = tpu.vector_load %arg16[%swap3A_177, %swap3A_178] {strides = array<i32>} : memref<40x256xf32, #tpu.memory_space<vmem>>, vector<1x16xf32>,
        %swap3A_180 = vector.shape_cast %swap3A_179 : vector<1x16xf32> to vector<16xf32>
        %swap3A_181 = vector.shape_cast %add3A_176 : vector<16xf32> to vector<1x16xf32>
        tpu.vector_store %arg16[%swap3A_177, %swap3A_178], %swap3A_181 {strides = array<i32>} : memref<40x256xf32, #tpu.memory_space<vmem>>, vector<1x16xf32>,
        %get3A_182 = arith.index_cast %scan3A_127 : i32 to index
        %get3A_183 = arith.constant 64 : index
        %get3A_184 = tpu.vector_load %arg12[%get3A_182, %get3A_183] {strides = array<i32>} : memref<40x256xf32, #tpu.memory_space<vmem>>, vector<1x16xf32>,
        %get3A_185 = vector.shape_cast %get3A_184 : vector<1x16xf32> to vector<16xf32>
        %get3A_186 = arith.index_cast %scan3A_127 : i32 to index
        %get3A_187 = arith.constant 64 : index
        %get3A_188 = tpu.vector_load %arg14[%get3A_186, %get3A_187] {strides = array<i32>} : memref<40x256xf32, #tpu.memory_space<vmem>>, vector<1x16xf32>,
        %get3A_189 = vector.shape_cast %get3A_188 : vector<1x16xf32> to vector<16xf32>
        %add3A_190 = arith.addf %get3A_185, %get3A_189 : vector<16xf32>
        %swap3A_191 = arith.index_cast %scan3A_127 : i32 to index
        %swap3A_192 = arith.constant 64 : index
        %swap3A_193 = tpu.vector_load %arg16[%swap3A_191, %swap3A_192] {strides = array<i32>} : memref<40x256xf32, #tpu.memory_space<vmem>>, vector<1x16xf32>,
        %swap3A_194 = vector.shape_cast %swap3A_193 : vector<1x16xf32> to vector<16xf32>
        %swap3A_195 = vector.shape_cast %add3A_190 : vector<16xf32> to vector<1x16xf32>
        tpu.vector_store %arg16[%swap3A_191, %swap3A_192], %swap3A_195 {strides = array<i32>} : memref<40x256xf32, #tpu.memory_space<vmem>>, vector<1x16xf32>,
        %get3A_196 = arith.index_cast %scan3A_127 : i32 to index
        %get3A_197 = arith.constant 80 : index
        %get3A_198 = tpu.vector_load %arg12[%get3A_196, %get3A_197] {strides = array<i32>} : memref<40x256xf32, #tpu.memory_space<vmem>>, vector<1x16xf32>,
        %get3A_199 = vector.shape_cast %get3A_198 : vector<1x16xf32> to vector<16xf32>
        %get3A_200 = arith.index_cast %scan3A_127 : i32 to index
        %get3A_201 = arith.constant 80 : index
        %get3A_202 = tpu.vector_load %arg14[%get3A_200, %get3A_201] {strides = array<i32>} : memref<40x256xf32, #tpu.memory_space<vmem>>, vector<1x16xf32>,
        %get3A_203 = vector.shape_cast %get3A_202 : vector<1x16xf32> to vector<16xf32>
        %add3A_204 = arith.addf %get3A_199, %get3A_203 : vector<16xf32>
        %swap3A_205 = arith.index_cast %scan3A_127 : i32 to index
        %swap3A_206 = arith.constant 80 : index
        %swap3A_207 = tpu.vector_load %arg16[%swap3A_205, %swap3A_206] {strides = array<i32>} : memref<40x256xf32, #tpu.memory_space<vmem>>, vector<1x16xf32>,
        %swap3A_208 = vector.shape_cast %swap3A_207 : vector<1x16xf32> to vector<16xf32>
        %swap3A_209 = vector.shape_cast %add3A_204 : vector<16xf32> to vector<1x16xf32>
        tpu.vector_store %arg16[%swap3A_205, %swap3A_206], %swap3A_209 {strides = array<i32>} : memref<40x256xf32, #tpu.memory_space<vmem>>, vector<1x16xf32>,
        %get3A_210 = arith.index_cast %scan3A_127 : i32 to index
        %get3A_211 = arith.constant 96 : index
        %get3A_212 = tpu.vector_load %arg12[%get3A_210, %get3A_211] {strides = array<i32>} : memref<40x256xf32, #tpu.memory_space<vmem>>, vector<1x16xf32>,
        %get3A_213 = vector.shape_cast %get3A_212 : vector<1x16xf32> to vector<16xf32>
        %get3A_214 = arith.index_cast %scan3A_127 : i32 to index
        %get3A_215 = arith.constant 96 : index
        %get3A_216 = tpu.vector_load %arg14[%get3A_214, %get3A_215] {strides = array<i32>} : memref<40x256xf32, #tpu.memory_space<vmem>>, vector<1x16xf32>,
        %get3A_217 = vector.shape_cast %get3A_216 : vector<1x16xf32> to vector<16xf32>
        %add3A_218 = arith.addf %get3A_213, %get3A_217 : vector<16xf32>
        %swap3A_219 = arith.index_cast %scan3A_127 : i32 to index
        %swap3A_220 = arith.constant 96 : index
        %swap3A_221 = tpu.vector_load %arg16[%swap3A_219, %swap3A_220] {strides = array<i32>} : memref<40x256xf32, #tpu.memory_space<vmem>>, vector<1x16xf32>,
        %swap3A_222 = vector.shape_cast %swap3A_221 : vector<1x16xf32> to vector<16xf32>
        %swap3A_223 = vector.shape_cast %add3A_218 : vector<16xf32> to vector<1x16xf32>
        tpu.vector_store %arg16[%swap3A_219, %swap3A_220], %swap3A_223 {strides = array<i32>} : memref<40x256xf32, #tpu.memory_space<vmem>>, vector<1x16xf32>,
        %get3A_224 = arith.index_cast %scan3A_127 : i32 to index
        %get3A_225 = arith.constant 112 : index
        %get3A_226 = tpu.vector_load %arg12[%get3A_224, %get3A_225] {strides = array<i32>} : memref<40x256xf32, #tpu.memory_space<vmem>>, vector<1x16xf32>,
        %get3A_227 = vector.shape_cast %get3A_226 : vector<1x16xf32> to vector<16xf32>
        %get3A_228 = arith.index_cast %scan3A_127 : i32 to index
        %get3A_229 = arith.constant 112 : index
        %get3A_230 = tpu.vector_load %arg14[%get3A_228, %get3A_229] {strides = array<i32>} : memref<40x256xf32, #tpu.memory_space<vmem>>, vector<1x16xf32>,
        %get3A_231 = vector.shape_cast %get3A_230 : vector<1x16xf32> to vector<16xf32>
        %add3A_232 = arith.addf %get3A_227, %get3A_231 : vector<16xf32>
        %swap3A_233 = arith.index_cast %scan3A_127 : i32 to index
        %swap3A_234 = arith.constant 112 : index
        %swap3A_235 = tpu.vector_load %arg16[%swap3A_233, %swap3A_234] {strides = array<i32>} : memref<40x256xf32, #tpu.memory_space<vmem>>, vector<1x16xf32>,
        %swap3A_236 = vector.shape_cast %swap3A_235 : vector<1x16xf32> to vector<16xf32>
        %swap3A_237 = vector.shape_cast %add3A_232 : vector<16xf32> to vector<1x16xf32>
        tpu.vector_store %arg16[%swap3A_233, %swap3A_234], %swap3A_237 {strides = array<i32>} : memref<40x256xf32, #tpu.memory_space<vmem>>, vector<1x16xf32>,
        %get3A_238 = arith.index_cast %scan3A_127 : i32 to index
        %get3A_239 = arith.constant 128 : index
        %get3A_240 = tpu.vector_load %arg12[%get3A_238, %get3A_239] {strides = array<i32>} : memref<40x256xf32, #tpu.memory_space<vmem>>, vector<1x16xf32>,
        %get3A_241 = vector.shape_cast %get3A_240 : vector<1x16xf32> to vector<16xf32>
        %get3A_242 = arith.index_cast %scan3A_127 : i32 to index
        %get3A_243 = arith.constant 128 : index
        %get3A_244 = tpu.vector_load %arg14[%get3A_242, %get3A_243] {strides = array<i32>} : memref<40x256xf32, #tpu.memory_space<vmem>>, vector<1x16xf32>,
        %get3A_245 = vector.shape_cast %get3A_244 : vector<1x16xf32> to vector<16xf32>
        %add3A_246 = arith.addf %get3A_241, %get3A_245 : vector<16xf32>
        %swap3A_247 = arith.index_cast %scan3A_127 : i32 to index
        %swap3A_248 = arith.constant 128 : index
        %swap3A_249 = tpu.vector_load %arg16[%swap3A_247, %swap3A_248] {strides = array<i32>} : memref<40x256xf32, #tpu.memory_space<vmem>>, vector<1x16xf32>,
        %swap3A_250 = vector.shape_cast %swap3A_249 : vector<1x16xf32> to vector<16xf32>
        %swap3A_251 = vector.shape_cast %add3A_246 : vector<16xf32> to vector<1x16xf32>
        tpu.vector_store %arg16[%swap3A_247, %swap3A_248], %swap3A_251 {strides = array<i32>} : memref<40x256xf32, #tpu.memory_space<vmem>>, vector<1x16xf32>,
        %get3A_252 = arith.index_cast %scan3A_127 : i32 to index
        %get3A_253 = arith.constant 144 : index
        %get3A_254 = tpu.vector_load %arg12[%get3A_252, %get3A_253] {strides = array<i32>} : memref<40x256xf32, #tpu.memory_space<vmem>>, vector<1x16xf32>,
        %get3A_255 = vector.shape_cast %get3A_254 : vector<1x16xf32> to vector<16xf32>
        %get3A_256 = arith.index_cast %scan3A_127 : i32 to index
        %get3A_257 = arith.constant 144 : index
        %get3A_258 = tpu.vector_load %arg14[%get3A_256, %get3A_257] {strides = array<i32>} : memref<40x256xf32, #tpu.memory_space<vmem>>, vector<1x16xf32>,
        %get3A_259 = vector.shape_cast %get3A_258 : vector<1x16xf32> to vector<16xf32>
        %add3A_260 = arith.addf %get3A_255, %get3A_259 : vector<16xf32>
        %swap3A_261 = arith.index_cast %scan3A_127 : i32 to index
        %swap3A_262 = arith.constant 144 : index
        %swap3A_263 = tpu.vector_load %arg16[%swap3A_261, %swap3A_262] {strides = array<i32>} : memref<40x256xf32, #tpu.memory_space<vmem>>, vector<1x16xf32>,
        %swap3A_264 = vector.shape_cast %swap3A_263 : vector<1x16xf32> to vector<16xf32>
        %swap3A_265 = vector.shape_cast %add3A_260 : vector<16xf32> to vector<1x16xf32>
        tpu.vector_store %arg16[%swap3A_261, %swap3A_262], %swap3A_265 {strides = array<i32>} : memref<40x256xf32, #tpu.memory_space<vmem>>, vector<1x16xf32>,
        %get3A_266 = arith.index_cast %scan3A_127 : i32 to index
        %get3A_267 = arith.constant 160 : index
        %get3A_268 = tpu.vector_load %arg12[%get3A_266, %get3A_267] {strides = array<i32>} : memref<40x256xf32, #tpu.memory_space<vmem>>, vector<1x16xf32>,
        %get3A_269 = vector.shape_cast %get3A_268 : vector<1x16xf32> to vector<16xf32>
        %get3A_270 = arith.index_cast %scan3A_127 : i32 to index
        %get3A_271 = arith.constant 160 : index
        %get3A_272 = tpu.vector_load %arg14[%get3A_270, %get3A_271] {strides = array<i32>} : memref<40x256xf32, #tpu.memory_space<vmem>>, vector<1x16xf32>,
        %get3A_273 = vector.shape_cast %get3A_272 : vector<1x16xf32> to vector<16xf32>
        %add3A_274 = arith.addf %get3A_269, %get3A_273 : vector<16xf32>
        %swap3A_275 = arith.index_cast %scan3A_127 : i32 to index
        %swap3A_276 = arith.constant 160 : index
        %swap3A_277 = tpu.vector_load %arg16[%swap3A_275, %swap3A_276] {strides = array<i32>} : memref<40x256xf32, #tpu.memory_space<vmem>>, vector<1x16xf32>,
        %swap3A_278 = vector.shape_cast %swap3A_277 : vector<1x16xf32> to vector<16xf32>
        %swap3A_279 = vector.shape_cast %add3A_274 : vector<16xf32> to vector<1x16xf32>
        tpu.vector_store %arg16[%swap3A_275, %swap3A_276], %swap3A_279 {strides = array<i32>} : memref<40x256xf32, #tpu.memory_space<vmem>>, vector<1x16xf32>,
        %get3A_280 = arith.index_cast %scan3A_127 : i32 to index
        %get3A_281 = arith.constant 176 : index
        %get3A_282 = tpu.vector_load %arg12[%get3A_280, %get3A_281] {strides = array<i32>} : memref<40x256xf32, #tpu.memory_space<vmem>>, vector<1x16xf32>,
        %get3A_283 = vector.shape_cast %get3A_282 : vector<1x16xf32> to vector<16xf32>
        %get3A_284 = arith.index_cast %scan3A_127 : i32 to index
        %get3A_285 = arith.constant 176 : index
        %get3A_286 = tpu.vector_load %arg14[%get3A_284, %get3A_285] {strides = array<i32>} : memref<40x256xf32, #tpu.memory_space<vmem>>, vector<1x16xf32>,
        %get3A_287 = vector.shape_cast %get3A_286 : vector<1x16xf32> to vector<16xf32>
        %add3A_288 = arith.addf %get3A_283, %get3A_287 : vector<16xf32>
        %swap3A_289 = arith.index_cast %scan3A_127 : i32 to index
        %swap3A_290 = arith.constant 176 : index
        %swap3A_291 = tpu.vector_load %arg16[%swap3A_289, %swap3A_290] {strides = array<i32>} : memref<40x256xf32, #tpu.memory_space<vmem>>, vector<1x16xf32>,
        %swap3A_292 = vector.shape_cast %swap3A_291 : vector<1x16xf32> to vector<16xf32>
        %swap3A_293 = vector.shape_cast %add3A_288 : vector<16xf32> to vector<1x16xf32>
        tpu.vector_store %arg16[%swap3A_289, %swap3A_290], %swap3A_293 {strides = array<i32>} : memref<40x256xf32, #tpu.memory_space<vmem>>, vector<1x16xf32>,
        %get3A_294 = arith.index_cast %scan3A_127 : i32 to index
        %get3A_295 = arith.constant 192 : index
        %get3A_296 = tpu.vector_load %arg12[%get3A_294, %get3A_295] {strides = array<i32>} : memref<40x256xf32, #tpu.memory_space<vmem>>, vector<1x16xf32>,
        %get3A_297 = vector.shape_cast %get3A_296 : vector<1x16xf32> to vector<16xf32>
        %get3A_298 = arith.index_cast %scan3A_127 : i32 to index
        %get3A_299 = arith.constant 192 : index
        %get3A_300 = tpu.vector_load %arg14[%get3A_298, %get3A_299] {strides = array<i32>} : memref<40x256xf32, #tpu.memory_space<vmem>>, vector<1x16xf32>,
        %get3A_301 = vector.shape_cast %get3A_300 : vector<1x16xf32> to vector<16xf32>
        %add3A_302 = arith.addf %get3A_297, %get3A_301 : vector<16xf32>
        %swap3A_303 = arith.index_cast %scan3A_127 : i32 to index
        %swap3A_304 = arith.constant 192 : index
        %swap3A_305 = tpu.vector_load %arg16[%swap3A_303, %swap3A_304] {strides = array<i32>} : memref<40x256xf32, #tpu.memory_space<vmem>>, vector<1x16xf32>,
        %swap3A_306 = vector.shape_cast %swap3A_305 : vector<1x16xf32> to vector<16xf32>
        %swap3A_307 = vector.shape_cast %add3A_302 : vector<16xf32> to vector<1x16xf32>
        tpu.vector_store %arg16[%swap3A_303, %swap3A_304], %swap3A_307 {strides = array<i32>} : memref<40x256xf32, #tpu.memory_space<vmem>>, vector<1x16xf32>,
        %get3A_308 = arith.index_cast %scan3A_127 : i32 to index
        %get3A_309 = arith.constant 208 : index
        %get3A_310 = tpu.vector_load %arg12[%get3A_308, %get3A_309] {strides = array<i32>} : memref<40x256xf32, #tpu.memory_space<vmem>>, vector<1x16xf32>,
        %get3A_311 = vector.shape_cast %get3A_310 : vector<1x16xf32> to vector<16xf32>
        %get3A_312 = arith.index_cast %scan3A_127 : i32 to index
        %get3A_313 = arith.constant 208 : index
        %get3A_314 = tpu.vector_load %arg14[%get3A_312, %get3A_313] {strides = array<i32>} : memref<40x256xf32, #tpu.memory_space<vmem>>, vector<1x16xf32>,
        %get3A_315 = vector.shape_cast %get3A_314 : vector<1x16xf32> to vector<16xf32>
        %add3A_316 = arith.addf %get3A_311, %get3A_315 : vector<16xf32>
        %swap3A_317 = arith.index_cast %scan3A_127 : i32 to index
        %swap3A_318 = arith.constant 208 : index
        %swap3A_319 = tpu.vector_load %arg16[%swap3A_317, %swap3A_318] {strides = array<i32>} : memref<40x256xf32, #tpu.memory_space<vmem>>, vector<1x16xf32>,
        %swap3A_320 = vector.shape_cast %swap3A_319 : vector<1x16xf32> to vector<16xf32>
        %swap3A_321 = vector.shape_cast %add3A_316 : vector<16xf32> to vector<1x16xf32>
        tpu.vector_store %arg16[%swap3A_317, %swap3A_318], %swap3A_321 {strides = array<i32>} : memref<40x256xf32, #tpu.memory_space<vmem>>, vector<1x16xf32>,
        %get3A_322 = arith.index_cast %scan3A_127 : i32 to index
        %get3A_323 = arith.constant 224 : index
        %get3A_324 = tpu.vector_load %arg12[%get3A_322, %get3A_323] {strides = array<i32>} : memref<40x256xf32, #tpu.memory_space<vmem>>, vector<1x16xf32>,
        %get3A_325 = vector.shape_cast %get3A_324 : vector<1x16xf32> to vector<16xf32>
        %get3A_326 = arith.index_cast %scan3A_127 : i32 to index
        %get3A_327 = arith.constant 224 : index
        %get3A_328 = tpu.vector_load %arg14[%get3A_326, %get3A_327] {strides = array<i32>} : memref<40x256xf32, #tpu.memory_space<vmem>>, vector<1x16xf32>,
        %get3A_329 = vector.shape_cast %get3A_328 : vector<1x16xf32> to vector<16xf32>
        %add3A_330 = arith.addf %get3A_325, %get3A_329 : vector<16xf32>
        %swap3A_331 = arith.index_cast %scan3A_127 : i32 to index
        %swap3A_332 = arith.constant 224 : index
        %swap3A_333 = tpu.vector_load %arg16[%swap3A_331, %swap3A_332] {strides = array<i32>} : memref<40x256xf32, #tpu.memory_space<vmem>>, vector<1x16xf32>,
        %swap3A_334 = vector.shape_cast %swap3A_333 : vector<1x16xf32> to vector<16xf32>
        %swap3A_335 = vector.shape_cast %add3A_330 : vector<16xf32> to vector<1x16xf32>
        tpu.vector_store %arg16[%swap3A_331, %swap3A_332], %swap3A_335 {strides = array<i32>} : memref<40x256xf32, #tpu.memory_space<vmem>>, vector<1x16xf32>,
        %get3A_336 = arith.index_cast %scan3A_127 : i32 to index
        %get3A_337 = arith.constant 240 : index
        %get3A_338 = tpu.vector_load %arg12[%get3A_336, %get3A_337] {strides = array<i32>} : memref<40x256xf32, #tpu.memory_space<vmem>>, vector<1x16xf32>,
        %get3A_339 = vector.shape_cast %get3A_338 : vector<1x16xf32> to vector<16xf32>
        %get3A_340 = arith.index_cast %scan3A_127 : i32 to index
        %get3A_341 = arith.constant 240 : index
        %get3A_342 = tpu.vector_load %arg14[%get3A_340, %get3A_341] {strides = array<i32>} : memref<40x256xf32, #tpu.memory_space<vmem>>, vector<1x16xf32>,
        %get3A_343 = vector.shape_cast %get3A_342 : vector<1x16xf32> to vector<16xf32>
        %add3A_344 = arith.addf %get3A_339, %get3A_343 : vector<16xf32>
        %swap3A_345 = arith.index_cast %scan3A_127 : i32 to index
        %swap3A_346 = arith.constant 240 : index
        %swap3A_347 = tpu.vector_load %arg16[%swap3A_345, %swap3A_346] {strides = array<i32>} : memref<40x256xf32, #tpu.memory_space<vmem>>, vector<1x16xf32>,
        %swap3A_348 = vector.shape_cast %swap3A_347 : vector<1x16xf32> to vector<16xf32>
        %swap3A_349 = vector.shape_cast %add3A_344 : vector<16xf32> to vector<1x16xf32>
        tpu.vector_store %arg16[%swap3A_345, %swap3A_346], %swap3A_349 {strides = array<i32>} : memref<40x256xf32, #tpu.memory_space<vmem>>, vector<1x16xf32>,
      }
      %scan3A_117 = arith.constant 40 : i32
      %mul3A_118 = arith.constant 10000 : i32
      %mul3A_119 = arith.muli %add3A, %mul3A_118 : i32
      %mul3A_120 = arith.constant 40 : i32
      %mul3A_121 = arith.muli %add3A_90, %mul3A_120 : i32
      %add3A_122 = arith.addi %mul3A_119, %mul3A_121 : i32
      %dma_start3A_123 = arith.constant 0 : i32
      %dma_start3A_124 = tpu.memref_slice %arg6[%add3A_122, %dma_start3A_123] : memref<320000x256xf32, #tpu.memory_space<hbm>> -> memref<40x256xf32, #tpu.memory_space<hbm>>
      %dma_start3A_125 = arith.constant 0 : i32
      %dma_start3A_126 = tpu.memref_slice %arg6[%add3A_122, %dma_start3A_125] : memref<320000x256xf32, #tpu.memory_space<hbm>> -> memref<40x256xf32, #tpu.memory_space<hbm>>
      tpu.enqueue_dma source(%arg16 : memref<40x256xf32, #tpu.memory_space<vmem>>) target(%dma_start3A_126 : memref<40x256xf32, #tpu.memory_space<hbm>>) target_semaphore(%arg20 : memref<!tpu.dma_semaphore, #tpu.memory_space<semaphore_mem>>)
    }
    %scan3A_20 = arith.constant 125 : i32
    %mul3A_21 = arith.constant 10000 : i32
    %mul3A_22 = arith.muli %add3A, %mul3A_21 : i32
    %add3A_23 = arith.constant 9920 : i32
    %add3A_24 = arith.addi %mul3A_22, %add3A_23 : i32
    %dma_wait3A = arith.constant 0 : i32
    %dma_wait3A_25 = tpu.memref_slice %arg6[%add3A_24, %dma_wait3A] : memref<320000x256xf32, #tpu.memory_space<hbm>> -> memref<40x256xf32, #tpu.memory_space<hbm>>
    %dma_wait3A_26 = arith.constant 0 : i32
    %dma_wait3A_27 = tpu.memref_slice %arg6[%add3A_24, %dma_wait3A_26] : memref<320000x256xf32, #tpu.memory_space<hbm>> -> memref<40x256xf32, #tpu.memory_space<hbm>>
    tpu.wait_dma2 semaphore(%arg19 : memref<!tpu.dma_semaphore, #tpu.memory_space<semaphore_mem>>) src(%arg15 : memref<40x256xf32, #tpu.memory_space<vmem>>) dst(%dma_wait3A_27 : memref<40x256xf32, #tpu.memory_space<hbm>>)
    %mul3A_28 = arith.constant 10000 : i32
    %mul3A_29 = arith.muli %add3A, %mul3A_28 : i32
    %add3A_30 = arith.constant 9960 : i32
    %add3A_31 = arith.addi %mul3A_29, %add3A_30 : i32
    %dma_wait3A_32 = arith.constant 0 : i32
    %dma_wait3A_33 = tpu.memref_slice %arg6[%add3A_31, %dma_wait3A_32] : memref<320000x256xf32, #tpu.memory_space<hbm>> -> memref<40x256xf32, #tpu.memory_space<hbm>>
    %dma_wait3A_34 = arith.constant 0 : i32
    %dma_wait3A_35 = tpu.memref_slice %arg6[%add3A_31, %dma_wait3A_34] : memref<320000x256xf32, #tpu.memory_space<hbm>> -> memref<40x256xf32, #tpu.memory_space<hbm>>
    tpu.wait_dma2 semaphore(%arg20 : memref<!tpu.dma_semaphore, #tpu.memory_space<semaphore_mem>>) src(%arg16 : memref<40x256xf32, #tpu.memory_space<vmem>>) dst(%dma_wait3A_35 : memref<40x256xf32, #tpu.memory_space<hbm>>)
    return
  }
}

module attributes {stable_mosaic.version = 14 : i64} {
  func.func @_stats_body(%arg0: i32, %arg1: memref<4000x256xf32, #tpu.memory_space<vmem>>, %arg2: memref<4000x16xf32, #tpu.memory_space<vmem>>, %arg3: memref<16x256xf32, #tpu.memory_space<vmem>>, %arg4: memref<1x256xf32, #tpu.memory_space<vmem>>, %arg5: memref<2x256xf32, #tpu.memory_space<vmem>>) attributes {dimension_semantics = [#tpu.dimension_semantics<arbitrary>], iteration_bounds = array<i64: 80>, scalar_prefetch = 0 : i64, scratch_operands = 0 : i64, tpu.core_type = #tpu.core_type<tc>, window_params = [{transform_indices = @transform_0, window_bounds = array<i64: 4000, 256>}, {transform_indices = @transform_1, window_bounds = array<i64: 4000, 16>}, {pipeline_mode = #tpu.pipeline_mode<synchronous>, transform_indices = @transform_2, window_bounds = array<i64: 16, 256>}, {pipeline_mode = #tpu.pipeline_mode<synchronous>, transform_indices = @transform_3, window_bounds = array<i64: 1, 256>}, {pipeline_mode = #tpu.pipeline_mode<synchronous>, transform_indices = @transform_4, window_bounds = array<i64: 2, 256>}]} {
    %get3A = arith.constant 0 : index
    %get3A_0 = arith.constant 0 : index
    %get3A_1 = vector.load %arg2[%get3A, %get3A_0] : memref<4000x16xf32, #tpu.memory_space<vmem>>, vector<4000x16xf32>
    %get3A_2 = arith.constant 0 : index
    %get3A_3 = arith.constant 0 : index
    %get3A_4 = vector.load %arg3[%get3A_2, %get3A_3] : memref<16x256xf32, #tpu.memory_space<vmem>>, vector<16x256xf32>
    %dot_general3A = arith.constant dense<0.000000e+00> : vector<4000x256xf32>
    %dot_general3A_5 = tpu.matmul %get3A_1, %get3A_4, %dot_general3A {dimension_numbers = #tpu.dot_dimension_numbers<[1], [0], [0], [1], [0, 0, 1, 1], [], []>, transpose_lhs_hint = false} : vector<4000x16xf32>, vector<16x256xf32>, vector<4000x256xf32> -> vector<4000x256xf32>
    %get3A_6 = arith.constant 0 : index
    %get3A_7 = arith.constant 0 : index
    %get3A_8 = vector.load %arg1[%get3A_6, %get3A_7] : memref<4000x256xf32, #tpu.memory_space<vmem>>, vector<4000x256xf32>
    %add3A = arith.addf %get3A_8, %dot_general3A_5 : vector<4000x256xf32>
    %get3A_9 = arith.constant 0 : index
    %get3A_10 = arith.constant 0 : index
    %get3A_11 = vector.load %arg4[%get3A_9, %get3A_10] : memref<1x256xf32, #tpu.memory_space<vmem>>, vector<1x256xf32>
    %add3A_12 = vector.broadcast %get3A_11 : vector<1x256xf32> to vector<4000x256xf32>
    %add3A_13 = arith.addf %add3A, %add3A_12 : vector<4000x256xf32>
    %reduce_sum3A = arith.constant dense<0.000000e+00> : vector<256xf32>
    %reduce_sum3A_14 = vector.multi_reduction <add>, %add3A_13, %reduce_sum3A [0] : vector<4000x256xf32> to vector<256xf32>
    %broadcast_in_dim3A = vector.shape_cast %reduce_sum3A_14 : vector<256xf32> to vector<1x256xf32>
    %mul3A = arith.mulf %add3A_13, %add3A_13 : vector<4000x256xf32>
    %reduce_sum3A_15 = arith.constant dense<0.000000e+00> : vector<256xf32>
    %reduce_sum3A_16 = vector.multi_reduction <add>, %mul3A, %reduce_sum3A_15 [0] : vector<4000x256xf32> to vector<256xf32>
    %broadcast_in_dim3A_17 = vector.shape_cast %reduce_sum3A_16 : vector<256xf32> to vector<1x256xf32>
    %concatenate3A = tpu.concatenate %broadcast_in_dim3A, %broadcast_in_dim3A_17 in 0 : vector<1x256xf32>, vector<1x256xf32> -> vector<2x256xf32>
    %eq3A = arith.constant 0 : i32
    %eq3A_18 = arith.cmpi eq, %arg0, %eq3A : i32
    %convert_element_type3A = arith.extui %eq3A_18 : i1 to i32
    %cond3A = arith.constant 0 : i32
    %cond3A_19 = arith.cmpi ne, %convert_element_type3A, %cond3A : i32
    scf.if %cond3A_19 {
      %swap3A = arith.constant 0 : index
      %swap3A_24 = arith.constant 0 : index
      %swap3A_25 = vector.load %arg5[%swap3A, %swap3A_24] : memref<2x256xf32, #tpu.memory_space<vmem>>, vector<2x256xf32>
      tpu.vector_store %arg5[%swap3A, %swap3A_24], %concatenate3A {strides = array<i32>} : memref<2x256xf32, #tpu.memory_space<vmem>>, vector<2x256xf32>,
    } else {
    }
    %gt3A = arith.constant 0 : i32
    %gt3A_20 = arith.cmpi sgt, %arg0, %gt3A : i32
    %convert_element_type3A_21 = arith.extui %gt3A_20 : i1 to i32
    %cond3A_22 = arith.constant 0 : i32
    %cond3A_23 = arith.cmpi ne, %convert_element_type3A_21, %cond3A_22 : i32
    scf.if %cond3A_23 {
      %get3A_24 = arith.constant 0 : index
      %get3A_25 = arith.constant 0 : index
      %get3A_26 = vector.load %arg5[%get3A_24, %get3A_25] : memref<2x256xf32, #tpu.memory_space<vmem>>, vector<2x256xf32>
      %add3A_27 = arith.addf %get3A_26, %concatenate3A : vector<2x256xf32>
      %swap3A = arith.constant 0 : index
      %swap3A_28 = arith.constant 0 : index
      %swap3A_29 = vector.load %arg5[%swap3A, %swap3A_28] : memref<2x256xf32, #tpu.memory_space<vmem>>, vector<2x256xf32>
      tpu.vector_store %arg5[%swap3A, %swap3A_28], %add3A_27 {strides = array<i32>} : memref<2x256xf32, #tpu.memory_space<vmem>>, vector<2x256xf32>,
    } else {
    }
    return
  }
  func.func @transform_0(%arg0: i32) -> (i32, i32) {
    %c0_i32 = arith.constant 0 : i32
    %c0_i32_0 = arith.constant 0 : i32
    return %arg0, %c0_i32 : i32, i32
  }
  func.func @transform_1(%arg0: i32) -> (i32, i32) {
    %c0_i32 = arith.constant 0 : i32
    %c0_i32_0 = arith.constant 0 : i32
    return %arg0, %c0_i32 : i32, i32
  }
  func.func @transform_2(%arg0: i32) -> (i32, i32) {
    %c0_i32 = arith.constant 0 : i32
    %c0_i32_0 = arith.constant 0 : i32
    %c0_i32_1 = arith.constant 0 : i32
    return %c0_i32, %c0_i32_0 : i32, i32
  }
  func.func @transform_3(%arg0: i32) -> (i32, i32) {
    %c0_i32 = arith.constant 0 : i32
    %c0_i32_0 = arith.constant 0 : i32
    %c0_i32_1 = arith.constant 0 : i32
    return %c0_i32, %c0_i32_0 : i32, i32
  }
  func.func @transform_4(%arg0: i32) -> (i32, i32) {
    %c0_i32 = arith.constant 0 : i32
    %c0_i32_0 = arith.constant 0 : i32
    %c0_i32_1 = arith.constant 0 : i32
    return %c0_i32, %c0_i32_0 : i32, i32
  }
}

module attributes {stable_mosaic.version = 14 : i64} {
  func.func @_proj_body(%arg0: i32, %arg1: memref<1000x128xf32, #tpu.memory_space<vmem>>, %arg2: memref<128x256xf32, #tpu.memory_space<vmem>>, %arg3: memref<1x256xf32, #tpu.memory_space<vmem>>, %arg4: memref<128x256xf32, #tpu.memory_space<vmem>>, %arg5: memref<1x256xf32, #tpu.memory_space<vmem>>, %arg6: memref<1000x256xf32, #tpu.memory_space<vmem>>, %arg7: memref<1000x256xf32, #tpu.memory_space<vmem>>) attributes {dimension_semantics = [#tpu.dimension_semantics<arbitrary>], iteration_bounds = array<i64: 10>, scalar_prefetch = 0 : i64, scratch_operands = 0 : i64, tpu.core_type = #tpu.core_type<tc>, window_params = [{transform_indices = @transform_0, window_bounds = array<i64: 1000, 128>}, {pipeline_mode = #tpu.pipeline_mode<synchronous>, transform_indices = @transform_1, window_bounds = array<i64: 128, 256>}, {pipeline_mode = #tpu.pipeline_mode<synchronous>, transform_indices = @transform_2, window_bounds = array<i64: 1, 256>}, {pipeline_mode = #tpu.pipeline_mode<synchronous>, transform_indices = @transform_3, window_bounds = array<i64: 128, 256>}, {pipeline_mode = #tpu.pipeline_mode<synchronous>, transform_indices = @transform_4, window_bounds = array<i64: 1, 256>}, {transform_indices = @transform_5, window_bounds = array<i64: 1000, 256>}, {transform_indices = @transform_6, window_bounds = array<i64: 1000, 256>}]} {
    %get3A = arith.constant 0 : index
    %get3A_0 = arith.constant 0 : index
    %get3A_1 = vector.load %arg1[%get3A, %get3A_0] : memref<1000x128xf32, #tpu.memory_space<vmem>>, vector<1000x128xf32>
    %get3A_2 = arith.constant 0 : index
    %get3A_3 = arith.constant 0 : index
    %get3A_4 = vector.load %arg2[%get3A_2, %get3A_3] : memref<128x256xf32, #tpu.memory_space<vmem>>, vector<128x256xf32>
    %dot_general3A = arith.constant dense<0.000000e+00> : vector<1000x256xf32>
    %dot_general3A_5 = tpu.matmul %get3A_1, %get3A_4, %dot_general3A {dimension_numbers = #tpu.dot_dimension_numbers<[1], [0], [0], [1], [0, 0, 1, 1], [], []>, transpose_lhs_hint = false} : vector<1000x128xf32>, vector<128x256xf32>, vector<1000x256xf32> -> vector<1000x256xf32>
    %get3A_6 = arith.constant 0 : index
    %get3A_7 = arith.constant 0 : index
    %get3A_8 = vector.load %arg3[%get3A_6, %get3A_7] : memref<1x256xf32, #tpu.memory_space<vmem>>, vector<1x256xf32>
    %add3A = vector.broadcast %get3A_8 : vector<1x256xf32> to vector<1000x256xf32>
    %add3A_9 = arith.addf %dot_general3A_5, %add3A : vector<1000x256xf32>
    %swap3A = arith.constant 0 : index
    %swap3A_10 = arith.constant 0 : index
    %swap3A_11 = vector.load %arg6[%swap3A, %swap3A_10] : memref<1000x256xf32, #tpu.memory_space<vmem>>, vector<1000x256xf32>
    tpu.vector_store %arg6[%swap3A, %swap3A_10], %add3A_9 {strides = array<i32>} : memref<1000x256xf32, #tpu.memory_space<vmem>>, vector<1000x256xf32>,
    %get3A_12 = arith.constant 0 : index
    %get3A_13 = arith.constant 0 : index
    %get3A_14 = vector.load %arg4[%get3A_12, %get3A_13] : memref<128x256xf32, #tpu.memory_space<vmem>>, vector<128x256xf32>
    %dot_general3A_15 = arith.constant dense<0.000000e+00> : vector<1000x256xf32>
    %dot_general3A_16 = tpu.matmul %get3A_1, %get3A_14, %dot_general3A_15 {dimension_numbers = #tpu.dot_dimension_numbers<[1], [0], [0], [1], [0, 0, 1, 1], [], []>, transpose_lhs_hint = false} : vector<1000x128xf32>, vector<128x256xf32>, vector<1000x256xf32> -> vector<1000x256xf32>
    %get3A_17 = arith.constant 0 : index
    %get3A_18 = arith.constant 0 : index
    %get3A_19 = vector.load %arg5[%get3A_17, %get3A_18] : memref<1x256xf32, #tpu.memory_space<vmem>>, vector<1x256xf32>
    %add3A_20 = vector.broadcast %get3A_19 : vector<1x256xf32> to vector<1000x256xf32>
    %add3A_21 = arith.addf %dot_general3A_16, %add3A_20 : vector<1000x256xf32>
    %swap3A_22 = arith.constant 0 : index
    %swap3A_23 = arith.constant 0 : index
    %swap3A_24 = vector.load %arg7[%swap3A_22, %swap3A_23] : memref<1000x256xf32, #tpu.memory_space<vmem>>, vector<1000x256xf32>
    tpu.vector_store %arg7[%swap3A_22, %swap3A_23], %add3A_21 {strides = array<i32>} : memref<1000x256xf32, #tpu.memory_space<vmem>>, vector<1000x256xf32>,
    return
  }
  func.func @transform_0(%arg0: i32) -> (i32, i32) {
    %c0_i32 = arith.constant 0 : i32
    %c0_i32_0 = arith.constant 0 : i32
    return %arg0, %c0_i32 : i32, i32
  }
  func.func @transform_1(%arg0: i32) -> (i32, i32) {
    %c0_i32 = arith.constant 0 : i32
    %c0_i32_0 = arith.constant 0 : i32
    %c0_i32_1 = arith.constant 0 : i32
    return %c0_i32, %c0_i32_0 : i32, i32
  }
  func.func @transform_2(%arg0: i32) -> (i32, i32) {
    %c0_i32 = arith.constant 0 : i32
    %c0_i32_0 = arith.constant 0 : i32
    %c0_i32_1 = arith.constant 0 : i32
    return %c0_i32, %c0_i32_0 : i32, i32
  }
  func.func @transform_3(%arg0: i32) -> (i32, i32) {
    %c0_i32 = arith.constant 0 : i32
    %c0_i32_0 = arith.constant 0 : i32
    %c0_i32_1 = arith.constant 0 : i32
    return %c0_i32, %c0_i32_0 : i32, i32
  }
  func.func @transform_4(%arg0: i32) -> (i32, i32) {
    %c0_i32 = arith.constant 0 : i32
    %c0_i32_0 = arith.constant 0 : i32
    %c0_i32_1 = arith.constant 0 : i32
    return %c0_i32, %c0_i32_0 : i32, i32
  }
  func.func @transform_5(%arg0: i32) -> (i32, i32) {
    %c0_i32 = arith.constant 0 : i32
    %c0_i32_0 = arith.constant 0 : i32
    return %arg0, %c0_i32 : i32, i32
  }
  func.func @transform_6(%arg0: i32) -> (i32, i32) {
    %c0_i32 = arith.constant 0 : i32
    %c0_i32_0 = arith.constant 0 : i32
    return %arg0, %c0_i32 : i32, i32
  }
}

module attributes {stable_mosaic.version = 14 : i64} {
  func.func @_act_body(%arg0: i32, %arg1: memref<4000x256xf32, #tpu.memory_space<vmem>>, %arg2: memref<4000x16xf32, #tpu.memory_space<vmem>>, %arg3: memref<16x256xf32, #tpu.memory_space<vmem>>, %arg4: memref<1x256xf32, #tpu.memory_space<vmem>>, %arg5: memref<2x256xf32, #tpu.memory_space<vmem>>, %arg6: memref<4000x128xf32, #tpu.memory_space<vmem>>) attributes {dimension_semantics = [#tpu.dimension_semantics<arbitrary>], iteration_bounds = array<i64: 80>, scalar_prefetch = 0 : i64, scratch_operands = 0 : i64, tpu.core_type = #tpu.core_type<tc>, window_params = [{transform_indices = @transform_0, window_bounds = array<i64: 4000, 256>}, {transform_indices = @transform_1, window_bounds = array<i64: 4000, 16>}, {pipeline_mode = #tpu.pipeline_mode<synchronous>, transform_indices = @transform_2, window_bounds = array<i64: 16, 256>}, {pipeline_mode = #tpu.pipeline_mode<synchronous>, transform_indices = @transform_3, window_bounds = array<i64: 1, 256>}, {pipeline_mode = #tpu.pipeline_mode<synchronous>, transform_indices = @transform_4, window_bounds = array<i64: 2, 256>}, {transform_indices = @transform_5, window_bounds = array<i64: 4000, 128>}]} {
    %get3A = arith.constant 0 : index
    %get3A_0 = arith.constant 0 : index
    %get3A_1 = vector.load %arg2[%get3A, %get3A_0] : memref<4000x16xf32, #tpu.memory_space<vmem>>, vector<4000x16xf32>
    %get3A_2 = arith.constant 0 : index
    %get3A_3 = arith.constant 0 : index
    %get3A_4 = vector.load %arg3[%get3A_2, %get3A_3] : memref<16x256xf32, #tpu.memory_space<vmem>>, vector<16x256xf32>
    %dot_general3A = arith.constant dense<0.000000e+00> : vector<4000x256xf32>
    %dot_general3A_5 = tpu.matmul %get3A_1, %get3A_4, %dot_general3A {dimension_numbers = #tpu.dot_dimension_numbers<[1], [0], [0], [1], [0, 0, 1, 1], [], []>, transpose_lhs_hint = false} : vector<4000x16xf32>, vector<16x256xf32>, vector<4000x256xf32> -> vector<4000x256xf32>
    %get3A_6 = arith.constant 0 : index
    %get3A_7 = arith.constant 0 : index
    %get3A_8 = vector.load %arg1[%get3A_6, %get3A_7] : memref<4000x256xf32, #tpu.memory_space<vmem>>, vector<4000x256xf32>
    %add3A = arith.addf %get3A_8, %dot_general3A_5 : vector<4000x256xf32>
    %get3A_9 = arith.constant 0 : index
    %get3A_10 = arith.constant 0 : index
    %get3A_11 = vector.load %arg4[%get3A_9, %get3A_10] : memref<1x256xf32, #tpu.memory_space<vmem>>, vector<1x256xf32>
    %add3A_12 = vector.broadcast %get3A_11 : vector<1x256xf32> to vector<4000x256xf32>
    %add3A_13 = arith.addf %add3A, %add3A_12 : vector<4000x256xf32>
    %get3A_14 = arith.constant 0 : index
    %get3A_15 = arith.constant 0 : index
    %get3A_16 = vector.load %arg5[%get3A_14, %get3A_15] : memref<2x256xf32, #tpu.memory_space<vmem>>, vector<1x256xf32>
    %mul3A = vector.broadcast %get3A_16 : vector<1x256xf32> to vector<4000x256xf32>
    %mul3A_17 = arith.mulf %add3A_13, %mul3A : vector<4000x256xf32>
    %get3A_18 = arith.constant 1 : index
    %get3A_19 = arith.constant 0 : index
    %get3A_20 = vector.load %arg5[%get3A_18, %get3A_19] : memref<2x256xf32, #tpu.memory_space<vmem>>, vector<1x256xf32>
    %add3A_21 = vector.broadcast %get3A_20 : vector<1x256xf32> to vector<4000x256xf32>
    %add3A_22 = arith.addf %mul3A_17, %add3A_21 : vector<4000x256xf32>
    %slice3A = vector.extract_strided_slice %add3A_22 {offsets = [0, 0], sizes = [4000, 128], strides = [1, 1]} : vector<4000x256xf32> to vector<4000x128xf32>
    %slice3A_23 = vector.extract_strided_slice %add3A_22 {offsets = [0, 128], sizes = [4000, 128], strides = [1, 1]} : vector<4000x256xf32> to vector<4000x128xf32>
    %neg3A = arith.constant 0.000000e+00 : f32
    %neg3A_24 = vector.broadcast %neg3A : f32 to vector<4000x128xf32>
    %neg3A_25 = arith.subf %neg3A_24, %slice3A : vector<4000x128xf32>
    %exp3A = math.exp %neg3A_25 : vector<4000x128xf32>
    %add3A_26 = arith.constant 1.000000e+00 : f32
    %add3A_27 = vector.broadcast %add3A_26 : f32 to vector<4000x128xf32>
    %add3A_28 = arith.addf %add3A_27, %exp3A : vector<4000x128xf32>
    %div3A = arith.constant 1.000000e+00 : f32
    %div3A_29 = vector.broadcast %div3A : f32 to vector<4000x128xf32>
    %div3A_30 = arith.divf %div3A_29, %add3A_28 : vector<4000x128xf32>
    %max3A = arith.constant 0.000000e+00 : f32
    %max3A_31 = vector.broadcast %max3A : f32 to vector<4000x128xf32>
    %max3A_32 = arith.maximumf %slice3A_23, %max3A_31 : vector<4000x128xf32>
    %abs3A = math.absf %slice3A_23 : vector<4000x128xf32>
    %neg3A_33 = arith.constant 0.000000e+00 : f32
    %neg3A_34 = vector.broadcast %neg3A_33 : f32 to vector<4000x128xf32>
    %neg3A_35 = arith.subf %neg3A_34, %abs3A : vector<4000x128xf32>
    %exp3A_36 = math.exp %neg3A_35 : vector<4000x128xf32>
    %log1p3A = math.log1p %exp3A_36 : vector<4000x128xf32>
    %add3A_37 = arith.addf %max3A_32, %log1p3A : vector<4000x128xf32>
    %mul3A_38 = arith.mulf %div3A_30, %add3A_37 : vector<4000x128xf32>
    %swap3A = arith.constant 0 : index
    %swap3A_39 = arith.constant 0 : index
    %swap3A_40 = vector.load %arg6[%swap3A, %swap3A_39] : memref<4000x128xf32, #tpu.memory_space<vmem>>, vector<4000x128xf32>
    tpu.vector_store %arg6[%swap3A, %swap3A_39], %mul3A_38 {strides = array<i32>} : memref<4000x128xf32, #tpu.memory_space<vmem>>, vector<4000x128xf32>,
    return
  }
  func.func @transform_0(%arg0: i32) -> (i32, i32) {
    %c0_i32 = arith.constant 0 : i32
    %c0_i32_0 = arith.constant 0 : i32
    return %arg0, %c0_i32 : i32, i32
  }
  func.func @transform_1(%arg0: i32) -> (i32, i32) {
    %c0_i32 = arith.constant 0 : i32
    %c0_i32_0 = arith.constant 0 : i32
    return %arg0, %c0_i32 : i32, i32
  }
  func.func @transform_2(%arg0: i32) -> (i32, i32) {
    %c0_i32 = arith.constant 0 : i32
    %c0_i32_0 = arith.constant 0 : i32
    %c0_i32_1 = arith.constant 0 : i32
    return %c0_i32, %c0_i32_0 : i32, i32
  }
  func.func @transform_3(%arg0: i32) -> (i32, i32) {
    %c0_i32 = arith.constant 0 : i32
    %c0_i32_0 = arith.constant 0 : i32
    %c0_i32_1 = arith.constant 0 : i32
    return %c0_i32, %c0_i32_0 : i32, i32
  }
  func.func @transform_4(%arg0: i32) -> (i32, i32) {
    %c0_i32 = arith.constant 0 : i32
    %c0_i32_0 = arith.constant 0 : i32
    %c0_i32_1 = arith.constant 0 : i32
    return %c0_i32, %c0_i32_0 : i32, i32
  }
  func.func @transform_5(%arg0: i32) -> (i32, i32) {
    %c0_i32 = arith.constant 0 : i32
    %c0_i32_0 = arith.constant 0 : i32
    return %arg0, %c0_i32 : i32, i32
  }
}

module attributes {stable_mosaic.version = 14 : i64} {
  func.func @_g4_body(%arg0: i32, %arg1: memref<2x10000x128xf32, #tpu.memory_space<vmem>>, %arg2: memref<10000x128xf32, #tpu.memory_space<vmem>>, %arg3: memref<1x128xf32, #tpu.memory_space<vmem>>, %arg4: memref<1x128xf32, #tpu.memory_space<vmem>>, %arg5: memref<10000x128xf32, #tpu.memory_space<vmem>>) attributes {dimension_semantics = [#tpu.dimension_semantics<arbitrary>], iteration_bounds = array<i64: 1>, scalar_prefetch = 0 : i64, scratch_operands = 0 : i64, tpu.core_type = #tpu.core_type<tc>, window_params = [{transform_indices = @transform_0, window_bounds = array<i64: 2, 10000, 128>}, {pipeline_mode = #tpu.pipeline_mode<synchronous>, transform_indices = @transform_1, window_bounds = array<i64: 10000, 128>}, {pipeline_mode = #tpu.pipeline_mode<synchronous>, transform_indices = @transform_2, window_bounds = array<i64: 1, 128>}, {pipeline_mode = #tpu.pipeline_mode<synchronous>, transform_indices = @transform_3, window_bounds = array<i64: 1, 128>}, {pipeline_mode = #tpu.pipeline_mode<synchronous>, transform_indices = @transform_4, window_bounds = array<i64: 10000, 128>}]} {
    %get3A = arith.constant 0 : index
    %get3A_0 = arith.constant 0 : index
    %get3A_1 = arith.constant 0 : index
    %get3A_2 = vector.load %arg1[%get3A, %get3A_0, %get3A_1] : memref<2x10000x128xf32, #tpu.memory_space<vmem>>, vector<1x10000x128xf32>
    %get3A_3 = vector.shape_cast %get3A_2 : vector<1x10000x128xf32> to vector<10000x128xf32>
    %get3A_4 = arith.constant 1 : index
    %get3A_5 = arith.constant 0 : index
    %get3A_6 = arith.constant 0 : index
    %get3A_7 = vector.load %arg1[%get3A_4, %get3A_5, %get3A_6] : memref<2x10000x128xf32, #tpu.memory_space<vmem>>, vector<1x10000x128xf32>
    %get3A_8 = vector.shape_cast %get3A_7 : vector<1x10000x128xf32> to vector<10000x128xf32>
    %add3A = arith.addf %get3A_3, %get3A_8 : vector<10000x128xf32>
    %reduce_sum3A = arith.constant dense<0.000000e+00> : vector<128xf32>
    %reduce_sum3A_9 = vector.multi_reduction <add>, %add3A, %reduce_sum3A [0] : vector<10000x128xf32> to vector<128xf32>
    %broadcast_in_dim3A = vector.shape_cast %reduce_sum3A_9 : vector<128xf32> to vector<1x128xf32>
    %div3A = arith.constant 1.000000e+04 : f32
    %div3A_10 = vector.broadcast %div3A : f32 to vector<1x128xf32>
    %div3A_11 = arith.divf %broadcast_in_dim3A, %div3A_10 : vector<1x128xf32>
    %sub3A = vector.broadcast %div3A_11 : vector<1x128xf32> to vector<10000x128xf32>
    %sub3A_12 = arith.subf %add3A, %sub3A : vector<10000x128xf32>
    %integer_pow3A = arith.mulf %sub3A_12, %sub3A_12 : vector<10000x128xf32>
    %reduce_sum3A_13 = arith.constant dense<0.000000e+00> : vector<128xf32>
    %reduce_sum3A_14 = vector.multi_reduction <add>, %integer_pow3A, %reduce_sum3A_13 [0] : vector<10000x128xf32> to vector<128xf32>
    %broadcast_in_dim3A_15 = vector.shape_cast %reduce_sum3A_14 : vector<128xf32> to vector<1x128xf32>
    %div3A_16 = arith.constant 1.000000e+04 : f32
    %div3A_17 = vector.broadcast %div3A_16 : f32 to vector<1x128xf32>
    %div3A_18 = arith.divf %broadcast_in_dim3A_15, %div3A_17 : vector<1x128xf32>
    %get3A_19 = arith.constant 0 : index
    %get3A_20 = arith.constant 0 : index
    %get3A_21 = vector.load %arg3[%get3A_19, %get3A_20] : memref<1x128xf32, #tpu.memory_space<vmem>>, vector<1x128xf32>
    %sub3A_22 = vector.broadcast %div3A_11 : vector<1x128xf32> to vector<10000x128xf32>
    %sub3A_23 = arith.subf %add3A, %sub3A_22 : vector<10000x128xf32>
    %mul3A = vector.broadcast %get3A_21 : vector<1x128xf32> to vector<10000x128xf32>
    %mul3A_24 = arith.mulf %mul3A, %sub3A_23 : vector<10000x128xf32>
    %add3A_25 = arith.constant 9.99999974E-6 : f32
    %add3A_26 = vector.broadcast %add3A_25 : f32 to vector<1x128xf32>
    %add3A_27 = arith.addf %div3A_18, %add3A_26 : vector<1x128xf32>
    %rsqrt3A = math.rsqrt %add3A_27 : vector<1x128xf32>
    %mul3A_28 = vector.broadcast %rsqrt3A : vector<1x128xf32> to vector<10000x128xf32>
    %mul3A_29 = arith.mulf %mul3A_24, %mul3A_28 : vector<10000x128xf32>
    %get3A_30 = arith.constant 0 : index
    %get3A_31 = arith.constant 0 : index
    %get3A_32 = vector.load %arg4[%get3A_30, %get3A_31] : memref<1x128xf32, #tpu.memory_space<vmem>>, vector<1x128xf32>
    %add3A_33 = vector.broadcast %get3A_32 : vector<1x128xf32> to vector<10000x128xf32>
    %add3A_34 = arith.addf %mul3A_29, %add3A_33 : vector<10000x128xf32>
    %get3A_35 = arith.constant 0 : index
    %get3A_36 = arith.constant 0 : index
    %get3A_37 = vector.load %arg2[%get3A_35, %get3A_36] : memref<10000x128xf32, #tpu.memory_space<vmem>>, vector<10000x128xf32>
    %add3A_38 = arith.addf %get3A_37, %add3A_34 : vector<10000x128xf32>
    %max3A = arith.constant 0.000000e+00 : f32
    %max3A_39 = vector.broadcast %max3A : f32 to vector<10000x128xf32>
    %max3A_40 = arith.maximumf %add3A_38, %max3A_39 : vector<10000x128xf32>
    %abs3A = math.absf %add3A_38 : vector<10000x128xf32>
    %neg3A = arith.constant 0.000000e+00 : f32
    %neg3A_41 = vector.broadcast %neg3A : f32 to vector<10000x128xf32>
    %neg3A_42 = arith.subf %neg3A_41, %abs3A : vector<10000x128xf32>
    %exp3A = math.exp %neg3A_42 : vector<10000x128xf32>
    %log1p3A = math.log1p %exp3A : vector<10000x128xf32>
    %add3A_43 = arith.addf %max3A_40, %log1p3A : vector<10000x128xf32>
    %swap3A = arith.constant 0 : index
    %swap3A_44 = arith.constant 0 : index
    %swap3A_45 = vector.load %arg5[%swap3A, %swap3A_44] : memref<10000x128xf32, #tpu.memory_space<vmem>>, vector<10000x128xf32>
    tpu.vector_store %arg5[%swap3A, %swap3A_44], %add3A_43 {strides = array<i32>} : memref<10000x128xf32, #tpu.memory_space<vmem>>, vector<10000x128xf32>,
    return
  }
  func.func @transform_0(%arg0: i32) -> (i32, i32, i32) {
    %c0_i32 = arith.constant 0 : i32
    %c0_i32_0 = arith.constant 0 : i32
    %c0_i32_1 = arith.constant 0 : i32
    %c0_i32_2 = arith.constant 0 : i32
    return %c0_i32, %c0_i32_0, %c0_i32_1 : i32, i32, i32
  }
  func.func @transform_1(%arg0: i32) -> (i32, i32) {
    %c0_i32 = arith.constant 0 : i32
    %c0_i32_0 = arith.constant 0 : i32
    %c0_i32_1 = arith.constant 0 : i32
    return %c0_i32, %c0_i32_0 : i32, i32
  }
  func.func @transform_2(%arg0: i32) -> (i32, i32) {
    %c0_i32 = arith.constant 0 : i32
    %c0_i32_0 = arith.constant 0 : i32
    %c0_i32_1 = arith.constant 0 : i32
    return %c0_i32, %c0_i32_0 : i32, i32
  }
  func.func @transform_3(%arg0: i32) -> (i32, i32) {
    %c0_i32 = arith.constant 0 : i32
    %c0_i32_0 = arith.constant 0 : i32
    %c0_i32_1 = arith.constant 0 : i32
    return %c0_i32, %c0_i32_0 : i32, i32
  }
  func.func @transform_4(%arg0: i32) -> (i32, i32) {
    %c0_i32 = arith.constant 0 : i32
    %c0_i32_0 = arith.constant 0 : i32
    %c0_i32_1 = arith.constant 0 : i32
    return %c0_i32, %c0_i32_0 : i32, i32
  }
}

</mosaic_0001>

<sc_bundles>
// kernel: kernel.11.cloned.1.call-start
scs
__scs_entry_jumppad:
0x0: {  	(pc) =	sbr.rel $0x88, $3  }
0x1: {  	(tag) =	ssettag $0x0;
	lr =	simm.s32 $0x1  }
0x2: {  	[smem:$0x3F94] =	sst lr;
	_ =	strace $0xD0000000  }
0x3: {  	_ = 	snop  }
0x4: {  	_ = 	snop  }
0x5: {  	_ = 	snop  }
0x6: {  	_ = 	snop  }
0x7: {  	_ = 	snop  }
__scs_overlays_trampoline_lowered:
0x8: {  	[smem:$0x3FA3] =	sst s0  }
0x9: {  	[smem:$0x3FA4] =	sst s1  }
0xa: {  	[smem:$0x3FA5] =	sst s2  }
0xb: {  	[smem:$0x3FA6] =	sst s3  }
0xc: {  	[smem:$0x3FA7] =	sst s4  }
0xd: {  	[smem:$0x3FA8] =	sst s5  }
0xe: {  	[smem:$0x3FA9] =	sst s6  }
0xf: {  	[smem:$0x3FAA] =	sst s7  }
0x10: {  	[smem:$0x3FAB] =	sst s8  }
0x11: {  	[smem:$0x3FAC] =	sst s9;
	s0 =	simm.s32 @!p0 $0x0  }
0x12: {  	s1 =	sld [smem:$0x3F92];
	s0 =	simm.s32 @p0 $0x1  }
0x13: {  	[smem:$0x3FAD] =	sst s0;
	s0 =	simm.s32 @!p1 $0x0  }
0x14: {  	s2 =	sld [smem:$0x3F91];
	s0 =	simm.s32 @p1 $0x1  }
0x15: {  	[smem:$0x3FAE] =	sst s0;
	s0 =	simm.s32 @!p2 $0x0  }
0x16: {  	s3 =	sld [smem:$0x3FDB];
	s0 =	simm.s32 @p2 $0x1  }
0x17: {  	s4 =	simm.s32 $0x1BF5;
	[smem:$0x3FB0] =	sst s0  }
0x18: {  	s0 =	sld [smem:$0x3F93];
	_ =	swait.ge [sflag:s4], $0x0  }
0x19: {  	s7 =	sld [smem:$0x3F94]  }
0x1a: {  	s8 =	sadd.s32 $0xFFFFE003, lr  }
0x1b: {  	s9 =	sadd.s32 $0xFFFFFEF7, lr;
	s5 =	simm.s32 $0xFFFFFFFF;
	p2 =	slt.u32 s8, $0xFFFFF086  }
0x1c: {  	p1 =	slt.u32 s9, $0xF7A;
	s5 =	simm.s32 @!p2 $0x0  }
0x1d: {  	s5 =	simm.s32 @p1 $0x1;
	p0 =	seq.s32 s7, s2  }
0x1e: {  	s7 =	smul.u32 @!p0 $0xF7A, s2;
	p2 =	seq.s32 @!p0 s5, $0x0  }
0x1f: {  	s9 =	smul.u32 $0xF7A, s1;
	s8 =	simm.s32 @!p0 $0x1BF5;
	p2 =	por !p2, p0  }
0x20: {  	[sflag:s8] =	ssyncset.s32 @!p0 $0xFFFFF086;
	s6 =	sadd.s32 @!p0 s3, s7;
	s7 =	simm.s32 @!p0 $0x108  }
0x21: {  	s3 =	sadd.s32 s3, s9;
	s6 =	sadd.s32 @!p0 $0x88, s6;
	s7 =	simm.s32 @p2 $0x1082  }
0x22: {  	[simem:s7], [sflag:s8] =	dma.local @!p0 [hbm:s6], $0xF7A  }
0x23: {  	s9 =	sor.u32 $0xD0000000, s2;
	s6 =	simm.s32 $0x108;
	_ =	swait.ge @!p0 [sflag:s8], $0x0  }
0x24: {  	s3 =	sadd.s32 $0x88, s3;
	s6 =	simm.s32 @!p1 $0x1082;
	[sflag:s4] =	ssyncset.s32 $0xFFFFF086  }
0x25: {  	[simem:s6], [sflag:s4] =	dma.local [hbm:s3], $0xF7A  }
0x26: {  	[smem:$0x3F94] =	sst s1;
	(tag) =	ssettag s2;
	_ =	strace s9  }
0x27: {  	s1 =	sld [smem:$0x3FA4]  }
0x28: {  	s2 =	sld [smem:$0x3FA5]  }
0x29: {  	s4 =	sld [smem:$0x3FA7]  }
0x2a: {  	p0 =	seq.s32 s5, $0x0;
	s5 =	sld [smem:$0x3FA8]  }
0x2b: {  	s6 =	sld [smem:$0x3FA9]  }
0x2c: {  	s7 =	sld [smem:$0x3FAA]  }
0x2d: {  	s3 =	simm.s32 $0x108;
	s8 =	sld [smem:$0x3FAB]  }
0x2e: {  	s3 =	simm.s32 @!p0 $0x1082;
	s9 =	sld [smem:$0x3FAC]  }
0x2f: {  	lr =	sadd.s32 s0, s3;
	s0 =	sld [smem:$0x3FA3]  }
0x30: {  	s3 =	sld [smem:$0x3FA6]  }
0x31: {  	[smem:$0x3FAF] =	sst s10  }
0x32: {  	s10 =	sld [smem:$0x3FAD];
	_ =	sdelay $0x3  }
0x33: {  	p0 =	seq.s32 s10, $0x1;
	s10 =	sld [smem:$0x3FAF];
	_ =	sdelay $0x3  }
0x34: {  	[smem:$0x3FAF] =	sst s10  }
0x35: {  	s10 =	sld [smem:$0x3FAE];
	_ =	sdelay $0x3  }
0x36: {  	p1 =	seq.s32 s10, $0x1;
	s10 =	sld [smem:$0x3FAF];
	_ =	sdelay $0x3  }
0x37: {  	[smem:$0x3FAF] =	sst s10  }
0x38: {  	s10 =	sld [smem:$0x3FB0]  }
0x39: {  	_ = 	snop;
	(pc) =	sbr.ind lr, $3  }
0x3a: {  	_ = 	snop  }
0x3b: {  	_ = 	snop  }
0x3c: {  	p2 =	seq.s32 s10, $0x1;
	s10 =	sld [smem:$0x3FAF]  }
0x3d: {  	_ =	shalt  }
0x3e: {  	_ =	shalt  }
0x3f: {  	_ =	shalt  }
0x40: {  	_ =	shalt  }
0x41: {  	_ =	shalt  }
0x42: {  	_ =	shalt  }
0x43: {  	_ =	shalt  }
0x44: {  	_ =	shalt  }
0x45: {  	_ =	shalt  }
0x46: {  	_ =	shalt  }
0x47: {  	_ =	shalt  }
0x48: {  	_ =	shalt  }
0x49: {  	_ =	shalt  }
0x4a: {  	_ =	shalt  }
0x4b: {  	_ =	shalt  }
0x4c: {  	_ =	shalt  }
0x4d: {  	_ =	shalt  }
0x4e: {  	_ =	shalt  }
0x4f: {  	_ =	shalt  }
0x50: {  	_ =	shalt  }
0x51: {  	_ =	shalt  }
0x52: {  	_ =	shalt  }
0x53: {  	_ =	shalt  }
0x54: {  	_ =	shalt  }
0x55: {  	_ =	shalt  }
0x56: {  	_ =	shalt  }
0x57: {  	_ =	shalt  }
0x58: {  	_ =	shalt  }
0x59: {  	_ =	shalt  }
0x5a: {  	_ =	shalt  }
0x5b: {  	_ =	shalt  }
0x5c: {  	_ =	shalt  }
0x5d: {  	_ =	shalt  }
0x5e: {  	_ =	shalt  }
0x5f: {  	_ =	shalt  }
0x60: {  	_ =	shalt  }
0x61: {  	_ =	shalt  }
0x62: {  	_ =	shalt  }
0x63: {  	_ =	shalt  }
0x64: {  	_ =	shalt  }
0x65: {  	_ =	shalt  }
0x66: {  	_ =	shalt  }
0x67: {  	_ =	shalt  }
0x68: {  	_ =	shalt  }
0x69: {  	_ =	shalt  }
0x6a: {  	_ =	shalt  }
0x6b: {  	_ =	shalt  }
0x6c: {  	_ =	shalt  }
0x6d: {  	_ =	shalt  }
0x6e: {  	_ =	shalt  }
0x6f: {  	_ =	shalt  }
0x70: {  	_ =	shalt  }
0x71: {  	_ =	shalt  }
0x72: {  	_ =	shalt  }
0x73: {  	_ =	shalt  }
0x74: {  	_ =	shalt  }
0x75: {  	_ =	shalt  }
0x76: {  	_ =	shalt  }
0x77: {  	_ =	shalt  }
0x78: {  	_ =	shalt  }
0x79: {  	_ =	shalt  }
0x7a: {  	_ =	shalt  }
0x7b: {  	_ =	shalt  }
0x7c: {  	_ =	shalt  }
0x7d: {  	_ =	shalt  }
0x7e: {  	_ =	shalt  }
0x7f: {  	_ =	shalt  }
0x80: {  	_ =	shalt  }
0x81: {  	_ =	shalt  }
0x82: {  	_ =	shalt  }
0x83: {  	_ =	shalt  }
0x84: {  	_ =	shalt  }
0x85: {  	_ =	shalt  }
0x86: {  	_ =	shalt  }
0x87: {  	_ =	shalt  }
.Lfunc_end0:
.L_simem_size_0:
called_computation.1_lowered:
.L_overlay_start_0:
0x88: {  	s2 =	sld [smem:$0x3FD9]  }
0x89: {  	s3 =	sld [smem:$0x3FFE];
	_ =	sdelay $0x1  }
0x8a: {  	s1 =	srdreg.scid  }
0x8b: {  	s0 =	sand.u32 $0x1, s1  }
0x8c: {  	s17 =	sshll.u32 s0, $0xA;
	s2 =	sadd.s32 s3, s2  }
0x8d: {  	s2 =	sadd.s32 s2, s17  }
0x8e: {  	[smem:$0x3FBB] =	sst s2  }
0x8f: {  	_ = 	snop  }
0x90: {  	s2 =	sld [smem:$0x3FD0];
	(tm) =	ssettm $0x1  }
0x91: {  	s18 =	sld [smem:$0x3FFB];
	_ =	sdelay $0x3  }
0x92: {  	_ =	strace s18  }
0x93: {  	s3 =	sld [smem:$0x3FFC];
	_ =	sdelay $0x3  }
0x94: {  	_ =	strace s3  }
0x95: {  	s3 =	sld [smem:$0x3FFD];
	_ =	sdelay $0x3  }
0x96: {  	_ =	strace s3  }
0x97: {  	_ =	strace $0x8FFFFFFF  }
0x98: {  	s19 =	sld [smem:$0x3FDB];
	_ =	sdelay $0x1  }
0x99: {  	s4 =	simm.s32 $_scs_section_size  }
0x9a: {  	s5 =	simm.s32 $_size__tile_overlayer_lowered;
	s6 =	simm.s32 $_tile_overlayer_lowered  }
0x9b: {  	s22 =	simm.s32 $0x1BFF;
	s21 =	sshll.u32 s6, $0x1;
	s3 =	sadd.s32 s4, s19  }
0x9c: {  	s7 =	simm.s32 $0x0;
	s20 =	sshll.u32 s5, $0x1;
	s5 =	sadd.s32 s21, s3  }
0x9d: {  	[timem:s7], [sflag:s22] =	dma.local [hbm:s5], s20  }
0x9e: {  	_ =	swait.ge [sflag:s22], s20  }
0x9f: {  	s4 =	ssub.s32 $0x0, s20;
	[sflag:s22] =	ssyncset.done $0x0  }
0xa0: {  	[sflag:s22] =	ssyncadd.s32 s4;
	_ =	sdelay $0x1  }
0xa1: {  	s23 =	simm.s32 $0x1B8B  }
0xa2: {  	_ =	swait.ge [sflag:s23], $0x1  }
0xa3: {  	[sflag:s23] =	ssyncset.done $0x0  }
0xa4: {  	s25 =	simm.s32 $0x1B8E;
	s24 =	sld [smem:$0x3FFE];
	[sflag:s23] =	ssyncadd.s32 $0xFFFFFFFF  }
0xa5: {  	s26 =	simm.s32 $execute0_lowered;
	[smem:$0x3FD2] =	sst s25  }
0xa6: {  	s5 =	sshll.u32 s26, $0x1;
	_ =	strace $0x80000049;
	[dreg:$0x1] =	wrdreg $0xFFFFFFFF  }
0xa7: {  	s28 =	simm.s32 $_size_execute0_lowered;
	s3 =	sadd.s32 s3, s5;
	[dreg:$0x0] =	wrdreg $0x0  }
0xa8: {  	s5 =	sshll.u32 s28, $0x1;
	[dreg:$0x2] =	wrdreg s3  }
0xa9: {  	[dreg:$0x3] =	wrdreg s5  }
0xaa: {  	[dreg:$0x4] =	wrdreg $0xC0  }
0xab: {  	_ =	task [dreg:s7], $0x5FFFF  }
0xac: {  	[dreg:$0x1] =	wrdreg $0xFFFFFFFF  }
0xad: {  	[dreg:$0x0] =	wrdreg $0x60  }
0xae: {  	[dreg:$0x2] =	wrdreg s24  }
0xaf: {  	[dreg:$0x3] =	wrdreg s2  }
0xb0: {  	[dreg:$0x4] =	wrdreg $0x66800  }
0xb1: {  	[dreg:$0x5] =	wrdreg $0x9  }
0xb2: {  	_ =	task.clear_ibuf [dreg:s7], $0x6FFFF;
	_ =	strace $0x90000049  }
0xb3: {  	s29 =	simm.s32 $0x9;
	_ =	strace $0x8000004B  }
0xb4: {  	_ =	swait.ge [sflag:s29], $0x1  }
0xb5: {  	[sflag:s29] =	ssyncadd.s32 $0xFFFFFFFF  }
0xb6: {  	_ =	strace $0x9000004B  }
0xb7: {  	_ =	sfence  }
0xb8: {  	s30 =	sld [smem:$0x0];
	_ =	sdelay $0x2  }
0xb9: {  	s31 =	sshll.u32 s1, $0xD;
	s1 =	sshrl.u32 s1, $0x2  }
0xba: {  	s3 =	sand.u32 $0x4000, s31;
	s1 =	sadd.s32 s1, s30  }
0xbb: {  	s0 =	sor.u32 s3, s0;
	s1 =	sshll.u32 s1, $0x11  }
0xbc: {  	s0 =	sor.u32 s1, s0  }
0xbd: {  	s0 =	sadd.s32 $0x8F2B, s0  }
0xbe: {  	[sflag:s0] =	ssyncadd.remote.s32 $0x1  }
0xbf: {  	_ =	sfence.sel $0xFFFF  }
0xc0: {  	[dreg:$0x0] =	wrdreg $0xFFFFFFFF;
	(pc) =	sbr.abs _section_cstart, $3  }
0xc1: {  	[dreg:$0x1] =	wrdreg $0xFFFFFFFF  }
0xc2: {  	_ =	task.clear_ibuf [dreg:s7], $0x2FFFF;
	_ =	strace $0x9FFFFFFF  }
0xc3: {  	(tm) =	ssettm $0x7FFFFFFF  }
tec
execute0_lowered:
.L_overlay_start_1:
0x0: {  	(tag) =	ssettag $0x1  }
0x1: {  	s0 =	rddreg [dreg:$0x0]  }
0x2: {  	s1 =	rddreg [dreg:$0x1]  }
0x3: {  	s3 =	rddreg [dreg:$0x2];
	s12 =	stileid.u32  }
0x4: {  	s2 =	srdreg.scid;
	s7 =	smul.u32 $0x14000, s12  }
0x5: {  	s2 =	sand.u32 $0x1, s2;
	s6 =	sshll.u32 s12, $0x1;
	s11 =	smul.u32 $0x50000, s12  }
0x6: {  	s4 =	simm.s32 $0x0;
	s31 =	smul.u32 $0x4E20, s12;
	s6 =	sor.u32 s2, s6  }
0x7: {  	[smem:$0x7FF] =	sst s4;
	s8 =	sadd.s32 $0xF4E400, s0;
	s9 =	smul.u32 $0x2710, s6  }
0x8: {  	s21 =	ssub.s32 $0x2, s2;
	s6 =	smul.u32 $0x27100, s6;
	s26 =	sshrl.u32 s11, $0x2  }
0x9: {  	_ =	strace $0x8000004A;
	s10 =	sshrl.u32 s21, $0x1;
	s23 =	sadd.s32 s26, s3  }
0xa: {  	s22 =	ssub.s32 s21, s10;
	s6 =	sadd.s32 s8, s6;
	[dreg:$0x7] =	wrdreg s23  }
0xb: {  	s15 =	smul.u32 $0x4E200, s12;
	s28 =	smax.u32 s22, $0x1;
	[dreg:$0x4] =	wrdreg s6  }
0xc: {  	s5 =	smul.u32 $0x140000, s2;
	s29 =	sadd.s32 $0x1400, s23;
	[dreg:$0x8] =	wrdreg s28  }
0xd: {  	s12 =	simm.s32 $0x2;
	s30 =	sadd.s32 $0x2800, s23;
	[dreg:$0x9] =	wrdreg s29  }
0xe: {  	s5 =	sadd.s32 s7, s5;
	s7 =	sadd.s32 $0x3C00, s23;
	[dreg:$0xa] =	wrdreg s30  }
0xf: {  	s24 =	sshrl.u32 s9, $0x3;
	s9 =	sadd.s32 $0x5000, s23;
	[dreg:$0xb] =	wrdreg s7  }
0x10: {  	s10 =	smul.u32 $0x2710, s2;
	s11 =	sadd.s32 $0x7800, s23;
	[dreg:$0xc] =	wrdreg s9  }
0x11: {  	s2 =	smul.u32 $0x27100, s2;
	s13 =	sadd.s32 $0x8C00, s23;
	[dreg:$0xe] =	wrdreg s11  }
0x12: {  	s5 =	sshrl.u32 s5, $0x3;
	s14 =	sadd.s32 $0xA000, s23;
	[dreg:$0xf] =	wrdreg s13  }
0x13: {  	s16 =	sadd.s32 $0xB400, s23;
	s18 =	sadd.s32 $0xC800, s23;
	[dreg:$0x10] =	wrdreg s14  }
0x14: {  	s26 =	sadd.s32 $0xDC00, s23;
	s0 =	sadd.s32 s5, s0;
	[dreg:$0x11] =	wrdreg s16  }
0x15: {  	s25 =	sadd.s32 s1, s24;
	s6 =	sadd.s32 $0x6400, s23;
	[dreg:$0x12] =	wrdreg s18  }
0x16: {  	[dreg:$0x18] =	wrdreg s26;
	s28 =	sadd.s32 $0xF000, s23;
	s29 =	sadd.s32 $0x10400, s23  }
0x17: {  	s30 =	sadd.s32 $0x11800, s23;
	s7 =	simm.s32 $0x1;
	[dreg:$0x5] =	wrdreg s25  }
0x18: {  	s9 =	simm.s32 $0x28;
	s11 =	simm.s32 $0x100;
	[dreg:$0xd] =	wrdreg s6  }
0x19: {  	s13 =	simm.s32 $0x3E80;
	s14 =	simm.s32 $0x180;
	[dreg:$0x19] =	wrdreg s28  }
0x1a: {  	s16 =	simm.s32 $0x5280;
	s18 =	simm.s32 $0x4;
	[dreg:$0x1a] =	wrdreg s29  }
0x1b: {  	s26 =	simm.s32 $0x5;
	s0 =	sadd.s32 $0x2200, s0;
	[dreg:$0x1b] =	wrdreg s30  }
0x1c: {  	s6 =	sadd.s32 s15, s8;
	s15 =	simm.s32 $0x3;
	[dreg:$0x6] =	wrdreg s0  }
0x1d: {  	s0 =	sadd.s32 s10, s31;
	s20 =	sadd.s32 s2, s6;
	s31 =	sadd.s32 $0x12C00, s23  }
0x1e: {  	s6 =	simm.s32 $0x80;
	s10 =	simm.s32 $0x2A80;
	s17 =	sadd.s32 $0xA0, s0  }
0x1f: {  	s19 =	sadd.s32 $0xC8, s0;
	s22 =	sadd.s32 $0x78, s0;
	s24 =	sadd.s32 $0x50, s0  }
0x20: {  	s0 =	sadd.s32 $0x28, s0;
	[dreg:$0x1c] =	wrdreg s31;
	s5 =	sshrl.u32 s17, $0x3  }
0x21: {  	[dreg:$0x13] =	wrdreg s19;
	s2 =	sshrl.u32 s22, $0x3;
	s0 =	sshrl.u32 s0, $0x3  }
0x22: {  	s17 =	simm.s32 $0x200;
	s19 =	simm.s32 $0x6;
	s21 =	sadd.s32 s5, s1  }
0x23: {  	s5 =	sshrl.u32 s24, $0x3;
	s2 =	sadd.s32 s2, s1;
	[dreg:$0x14] =	wrdreg s21  }
0x24: {  	s0 =	sadd.s32 s0, s1;
	[dreg:$0x15] =	wrdreg s2;
	s25 =	sadd.s32 s5, s1  }
0x25: {  	[dreg:$0x17] =	wrdreg s0;
	s0 =	simm.s32 $0x280;
	s2 =	simm.s32 $0xB  }
0x26: {  	v0 =	vimm.f32 $0.0e+00;
	s5 =	simm.s32 $0x1680;
	s21 =	simm.s32 $0x0;
	[dreg:$0x16] =	wrdreg s25  }
.LBB2_1:
0x27: {  	[dreg:$0x1d] =	wrdreg s21;
	s8 =	simm.s32 $0x0;
	s21 =	simm.s32 $0x200  }
.LBB2_2:
0x28: {  	p0 =	sne.s32 s21, $0x4E00;
	[tilespmem:s8+$0x2F0] =	vst v0  }
0x29: {  	[tilespmem:s8+$0x280] =	vst v0  }
0x2a: {  	[tilespmem:s8+$0x290] =	vst v0  }
.Ltmp0:
0x2b: {  	[tilespmem:s8+$0x2A0] =	vst v0;
	(pc) =	sbr.rel @p0 .LBB2_2-.Ltmp0, $4  }
0x2c: {  	[tilespmem:s8+$0x2B0] =	vst v0  }
0x2d: {  	[tilespmem:s8+$0x2C0] =	vst v0  }
0x2e: {  	[tilespmem:s8+$0x2D0] =	vst v0  }
0x2f: {  	[tilespmem:s8+$0x2E0] =	vst v0;
	s8 =	sshra.s32 s21, $0x2;
	s21 =	sadd.s32 $0x200, s21  }
0x30: {  	[tilespmem:s8+$0x2F0] =	vst v0  }
0x31: {  	[tilespmem:s8+$0x280] =	vst v0  }
0x32: {  	[tilespmem:s8+$0x290] =	vst v0  }
0x33: {  	[tilespmem:s8+$0x2A0] =	vst v0  }
0x34: {  	[tilespmem:s8+$0x2B0] =	vst v0  }
0x35: {  	[tilespmem:s8+$0x2C0] =	vst v0  }
0x36: {  	[tilespmem:s8+$0x2D0] =	vst v0  }
0x37: {  	[tilespmem:s8+$0x2E0] =	vst v0  }
0x38: {  	[spmem:s23] =	stream.linear.scatter [tilespmem:s0], [sflag:$0xB], $0x1400, $0x38;
	[tilespmem:$0x1A680] =	vst v63  }
0x39: {  	_ =	swait.ge [sflag:s2], $0x1400  }
0x3a: {  	[sflag:s2] =	ssyncset.done $0x0  }
0x3b: {  	s23 =	rddreg [dreg:$0x9];
	[sflag:s2] =	ssyncadd.s32 $0xFFFFEC00  }
0x3c: {  	[spmem:s23] =	stream.linear.scatter [tilespmem:s0], [sflag:$0xB], $0x1400, $0x38;
	[tilespmem:$0x1A680] =	vst v63  }
0x3d: {  	_ =	swait.ge [sflag:s2], $0x1400  }
0x3e: {  	[sflag:s2] =	ssyncset.done $0x0  }
0x3f: {  	s24 =	rddreg [dreg:$0xa];
	[sflag:s2] =	ssyncadd.s32 $0xFFFFEC00  }
0x40: {  	[spmem:s24] =	stream.linear.scatter [tilespmem:s0], [sflag:$0xB], $0x1400, $0x38;
	[tilespmem:$0x1A680] =	vst v63  }
0x41: {  	_ =	swait.ge [sflag:s2], $0x1400  }
0x42: {  	[sflag:s2] =	ssyncset.done $0x0  }
0x43: {  	s25 =	rddreg [dreg:$0xb];
	[sflag:s2] =	ssyncadd.s32 $0xFFFFEC00  }
0x44: {  	[spmem:s25] =	stream.linear.scatter [tilespmem:s0], [sflag:$0xB], $0x1400, $0x38;
	[tilespmem:$0x1A680] =	vst v63  }
0x45: {  	_ =	swait.ge [sflag:s2], $0x1400  }
0x46: {  	[sflag:s2] =	ssyncset.done $0x0  }
0x47: {  	s21 =	rddreg [dreg:$0xc];
	[sflag:s2] =	ssyncadd.s32 $0xFFFFEC00  }
0x48: {  	[spmem:s21] =	stream.linear.scatter [tilespmem:s0], [sflag:$0xB], $0x1400, $0x38;
	[tilespmem:$0x1A680] =	vst v63  }
0x49: {  	_ =	swait.ge [sflag:s2], $0x1400  }
0x4a: {  	[sflag:s2] =	ssyncset.done $0x0  }
0x4b: {  	s22 =	rddreg [dreg:$0xd];
	[sflag:s2] =	ssyncadd.s32 $0xFFFFEC00  }
0x4c: {  	[spmem:s22] =	stream.linear.scatter [tilespmem:s0], [sflag:$0xB], $0x1400, $0x38;
	[tilespmem:$0x1A680] =	vst v63  }
0x4d: {  	_ =	swait.ge [sflag:s2], $0x1400  }
0x4e: {  	[sflag:s2] =	ssyncset.done $0x0  }
0x4f: {  	s23 =	rddreg [dreg:$0xe];
	[sflag:s2] =	ssyncadd.s32 $0xFFFFEC00  }
0x50: {  	[spmem:s23] =	stream.linear.scatter [tilespmem:s0], [sflag:$0xB], $0x1400, $0x38;
	[tilespmem:$0x1A680] =	vst v63  }
0x51: {  	_ =	swait.ge [sflag:s2], $0x1400  }
0x52: {  	[sflag:s2] =	ssyncset.done $0x0  }
0x53: {  	s24 =	rddreg [dreg:$0xf];
	[sflag:s2] =	ssyncadd.s32 $0xFFFFEC00  }
0x54: {  	[spmem:s24] =	stream.linear.scatter [tilespmem:s0], [sflag:$0xB], $0x1400, $0x38;
	[tilespmem:$0x1A680] =	vst v63  }
0x55: {  	_ =	swait.ge [sflag:s2], $0x1400  }
0x56: {  	[sflag:s2] =	ssyncset.done $0x0  }
0x57: {  	s25 =	rddreg [dreg:$0x10];
	[sflag:s2] =	ssyncadd.s32 $0xFFFFEC00  }
0x58: {  	[spmem:s25] =	stream.linear.scatter [tilespmem:s0], [sflag:$0xB], $0x1400, $0x38;
	[tilespmem:$0x1A680] =	vst v63  }
0x59: {  	_ =	swait.ge [sflag:s2], $0x1400  }
0x5a: {  	[sflag:s2] =	ssyncset.done $0x0  }
0x5b: {  	s21 =	rddreg [dreg:$0x11];
	[sflag:s2] =	ssyncadd.s32 $0xFFFFEC00  }
0x5c: {  	[spmem:s21] =	stream.linear.scatter [tilespmem:s0], [sflag:$0xB], $0x1400, $0x38;
	[tilespmem:$0x1A680] =	vst v63  }
0x5d: {  	_ =	swait.ge [sflag:s2], $0x1400  }
0x5e: {  	[sflag:s2] =	ssyncset.done $0x0  }
0x5f: {  	s22 =	rddreg [dreg:$0x12];
	[sflag:s2] =	ssyncadd.s32 $0xFFFFEC00  }
0x60: {  	[spmem:s22] =	stream.linear.scatter [tilespmem:s0], [sflag:$0xB], $0x1400, $0x38;
	[tilespmem:$0x1A680] =	vst v63  }
0x61: {  	_ =	swait.ge [sflag:s2], $0x1400  }
0x62: {  	[sflag:s2] =	ssyncset.done $0x0  }
0x63: {  	s23 =	rddreg [dreg:$0x18];
	[sflag:s2] =	ssyncadd.s32 $0xFFFFEC00  }
0x64: {  	[spmem:s23] =	stream.linear.scatter [tilespmem:s0], [sflag:$0xB], $0x1400, $0x38;
	[tilespmem:$0x1A680] =	vst v63  }
0x65: {  	_ =	swait.ge [sflag:s2], $0x1400  }
0x66: {  	[sflag:s2] =	ssyncset.done $0x0  }
0x67: {  	s24 =	rddreg [dreg:$0x19];
	[sflag:s2] =	ssyncadd.s32 $0xFFFFEC00  }
0x68: {  	[spmem:s24] =	stream.linear.scatter [tilespmem:s0], [sflag:$0xB], $0x1400, $0x38;
	[tilespmem:$0x1A680] =	vst v63  }
0x69: {  	_ =	swait.ge [sflag:s2], $0x1400  }
0x6a: {  	[sflag:s2] =	ssyncset.done $0x0  }
0x6b: {  	s25 =	rddreg [dreg:$0x1a];
	[sflag:s2] =	ssyncadd.s32 $0xFFFFEC00  }
0x6c: {  	[spmem:s25] =	stream.linear.scatter [tilespmem:s0], [sflag:$0xB], $0x1400, $0x38;
	[tilespmem:$0x1A680] =	vst v63  }
0x6d: {  	_ =	swait.ge [sflag:s2], $0x1400  }
0x6e: {  	[sflag:s2] =	ssyncset.done $0x0  }
0x6f: {  	s21 =	rddreg [dreg:$0x1b];
	[sflag:s2] =	ssyncadd.s32 $0xFFFFEC00  }
0x70: {  	[spmem:s21] =	stream.linear.scatter [tilespmem:s0], [sflag:$0xB], $0x1400, $0x38;
	[tilespmem:$0x1A680] =	vst v63  }
0x71: {  	_ =	swait.ge [sflag:s2], $0x1400  }
0x72: {  	[sflag:s2] =	ssyncset.done $0x0  }
0x73: {  	s22 =	rddreg [dreg:$0x1c];
	[sflag:s2] =	ssyncadd.s32 $0xFFFFEC00  }
0x74: {  	[spmem:s22] =	stream.linear.scatter [tilespmem:s0], [sflag:$0xB], $0x1400, $0x38;
	[tilespmem:$0x1A680] =	vst v63  }
0x75: {  	_ =	swait.ge [sflag:s2], $0x1400  }
0x76: {  	[sflag:s2] =	ssyncset.done $0x0  }
0x77: {  	[sflag:s2] =	ssyncadd.s32 $0xFFFFEC00  }
0x78: {  	p0 =	por $0x1, $0x1;
	[bflag:$0x0] =	sbarrier.arrive $0xFFFF  }
0x79: {  	p0 =	por p0, p0;
	s23 =	simm.s32 $0x0;
	s21 =	rddreg [dreg:$0x4]  }
0x7a: {  	[tilespmem:s0], [sflag:$0x1] =	stream.linear.gather [hbm4b:s21+s23], $0x1400, $0x38;
	[tilespmem:$0x1A680] =	vst v63  }
0x7b: {  	s8 =	simm.s32 @!p0 $0x7;
	s24 =	rddreg [dreg:$0x5]  }
0x7c: {  	[tilespmem:s23], [sflag:$0x1] =	stream.linear.gather [hbm4b:s24+s23], $0x28, $0x38;
	[tilespmem:$0x1A680] =	vst v63  }
0x7d: {  	_ =	swait.ge @!p0 [sflag:s8], $0x1400  }
0x7e: {  	s25 =	sadd.s32 $0x0, s20;
	[sflag:s8] =	ssyncset.done @!p0 $0x0  }
0x7f: {  	s22 =	sadd.s32 $0x280, s25;
	[sflag:s8] =	ssyncadd.s32 @!p0 $0xFFFFEC00  }
0x80: {  	[tilespmem:s5], [sflag:$0x2] =	stream.linear.gather [hbm4b:s22+s4], $0x1400, $0x38;
	[tilespmem:$0x1A680] =	vst v63  }
0x81: {  	s31 =	rddreg [dreg:$0x17]  }
0x82: {  	[tilespmem:s6], [sflag:$0x2] =	stream.linear.gather [hbm4b:s31+s4], $0x28, $0x38;
	[tilespmem:$0x1A680] =	vst v63  }
0x83: {  	_ =	swait.ge [sflag:s7], $0x1400  }
0x84: {  	[sflag:s7] =	ssyncset.done $0x0  }
0x85: {  	[sflag:s7] =	ssyncadd.s32 $0xFFFFEC00  }
0x86: {  	_ =	swait.ge [sflag:s7], $0x28  }
0x87: {  	[sflag:s7] =	ssyncset.done $0x0  }
0x88: {  	s8 =	simm.s32 @!p0 $0x8;
	[sflag:s7] =	ssyncadd.s32 $0xFFFFFFD8  }
0x89: {  	[spmem:s3] =	stream.indirect.scatter.add.f32 [tilespmem:s0], [sflag:$0x6], $0x80, s4, s9, $0xb8;
	[tilespmem:$0x1A680] =	vst v63  }
0x8a: {  	_ =	swait.ge @!p0 [sflag:s8], $0x1400  }
0x8b: {  	[sflag:s8] =	ssyncset.done @!p0 $0x0  }
0x8c: {  	s23 =	sadd.s32 $0x500, s25;
	[sflag:s8] =	ssyncadd.s32 @!p0 $0xFFFFEC00  }
0x8d: {  	[tilespmem:s10], [sflag:$0x3] =	stream.linear.gather [hbm4b:s23+s4], $0x1400, $0x38;
	[tilespmem:$0x1A680] =	vst v63  }
0x8e: {  	s23 =	rddreg [dreg:$0x16]  }
0x8f: {  	[tilespmem:s11], [sflag:$0x3] =	stream.linear.gather [hbm4b:s23+s4], $0x28, $0x38;
	[tilespmem:$0x1A680] =	vst v63  }
0x90: {  	_ =	swait.ge [sflag:s12], $0x1400  }
0x91: {  	[sflag:s12] =	ssyncset.done $0x0  }
0x92: {  	[sflag:s12] =	ssyncadd.s32 $0xFFFFEC00  }
0x93: {  	_ =	swait.ge [sflag:s12], $0x28  }
0x94: {  	[sflag:s12] =	ssyncset.done $0x0  }
0x95: {  	s8 =	simm.s32 @!p0 $0x9;
	[sflag:s12] =	ssyncadd.s32 $0xFFFFFFD8  }
0x96: {  	[spmem:s3] =	stream.indirect.scatter.add.f32 [tilespmem:s5], [sflag:$0x7], $0x80, s6, s9, $0xb8;
	[tilespmem:$0x1A680] =	vst v63  }
0x97: {  	_ =	swait.ge @!p0 [sflag:s8], $0x1400  }
0x98: {  	[sflag:s8] =	ssyncset.done @!p0 $0x0  }
0x99: {  	s24 =	sadd.s32 $0x780, s25;
	[sflag:s8] =	ssyncadd.s32 @!p0 $0xFFFFEC00  }
0x9a: {  	[tilespmem:s13], [sflag:$0x4] =	stream.linear.gather [hbm4b:s24+s4], $0x1400, $0x38;
	[tilespmem:$0x1A680] =	vst v63  }
0x9b: {  	s29 =	rddreg [dreg:$0x15]  }
0x9c: {  	[tilespmem:s14], [sflag:$0x4] =	stream.linear.gather [hbm4b:s29+s4], $0x28, $0x38;
	[tilespmem:$0x1A680] =	vst v63  }
0x9d: {  	_ =	swait.ge [sflag:s15], $0x1400  }
0x9e: {  	[sflag:s15] =	ssyncset.done $0x0  }
0x9f: {  	[sflag:s15] =	ssyncadd.s32 $0xFFFFEC00  }
0xa0: {  	_ =	swait.ge [sflag:s15], $0x28  }
0xa1: {  	[sflag:s15] =	ssyncset.done $0x0  }
0xa2: {  	s8 =	simm.s32 @!p0 $0xA;
	[sflag:s15] =	ssyncadd.s32 $0xFFFFFFD8  }
0xa3: {  	[spmem:s3] =	stream.indirect.scatter.add.f32 [tilespmem:s10], [sflag:$0x8], $0x80, s11, s9, $0xb8;
	[tilespmem:$0x1A680] =	vst v63  }
0xa4: {  	_ =	swait.ge @!p0 [sflag:s8], $0x1400  }
0xa5: {  	[sflag:s8] =	ssyncset.done @!p0 $0x0  }
0xa6: {  	s25 =	sadd.s32 $0xA00, s25;
	[sflag:s8] =	ssyncadd.s32 @!p0 $0xFFFFEC00  }
0xa7: {  	[tilespmem:s16], [sflag:$0x5] =	stream.linear.gather [hbm4b:s25+s4], $0x1400, $0x38;
	[tilespmem:$0x1A680] =	vst v63  }
0xa8: {  	s28 =	rddreg [dreg:$0x14]  }
0xa9: {  	[tilespmem:s17], [sflag:$0x5] =	stream.linear.gather [hbm4b:s28+s4], $0x28, $0x38;
	[tilespmem:$0x1A680] =	vst v63  }
0xaa: {  	_ =	swait.ge [sflag:s18], $0x1400  }
0xab: {  	[sflag:s18] =	ssyncset.done $0x0  }
0xac: {  	[sflag:s18] =	ssyncadd.s32 $0xFFFFEC00  }
0xad: {  	_ =	swait.ge [sflag:s18], $0x28  }
0xae: {  	[sflag:s18] =	ssyncset.done $0x0  }
0xaf: {  	p0 =	por $0x0, $0x0;
	[sflag:s18] =	ssyncadd.s32 $0xFFFFFFD8  }
0xb0: {  	[spmem:s3] =	stream.indirect.scatter.add.f32 [tilespmem:s13], [sflag:$0x9], $0x80, s14, s9, $0xb8;
	[tilespmem:$0x1A680] =	vst v63  }
0xb1: {  	s8 =	sadd.s32 @!p0 $0x0, s20;
	_ =	swait.ge [sflag:s19], $0x1400  }
0xb2: {  	s21 =	simm.s32 @!p0 $0x0;
	s22 =	simm.s32 @!p0 $0x280;
	[sflag:s19] =	ssyncset.done $0x0  }
0xb3: {  	s8 =	sadd.s32 @!p0 $0xC80, s8;
	s25 =	rddreg [dreg:$0x13];
	[sflag:s19] =	ssyncadd.s32 $0xFFFFEC00  }
0xb4: {  	[tilespmem:s22], [sflag:$0x1] =	stream.linear.gather @!p0 [hbm4b:s8+s21], $0x1400, $0x38;
	[tilespmem:$0x1A680] =	vst v63  }
0xb5: {  	s8 =	sshrl.u32 @!p0 s25, $0x3  }
0xb6: {  	s8 =	sadd.s32 @!p0 s1, s8  }
0xb7: {  	[tilespmem:s21], [sflag:$0x1] =	stream.linear.gather @!p0 [hbm4b:s8+s21], $0x28, $0x38;
	[tilespmem:$0x1A680] =	vst v63  }
0xb8: {  	s30 =	simm.s32 $0xC80;
	p6 =	por $0x0, $0x0;
	_ =	swait.ge [sflag:s26], $0x1400  }
0xb9: {  	s24 =	simm.s32 $0x1900;
	s22 =	sadd.s32 $0x19, s23;
	[sflag:s26] =	ssyncset.done $0x0  }
0xba: {  	s23 =	sadd.s32 $0x19, s31;
	s31 =	sadd.s32 $0x19, s28;
	[sflag:s26] =	ssyncadd.s32 $0xFFFFEC00  }
0xbb: {  	p0 =	por p6, p6;
	s21 =	sadd.s32 $0x19, s29;
	_ =	swait.ge [sflag:s26], $0x28  }
0xbc: {  	s29 =	sadd.s32 $0xC8, s25;
	s28 =	simm.s32 @!p0 $0x7;
	[sflag:s26] =	ssyncset.done $0x0  }
.LBB2_4:
0xbd: {  	p2 =	seq.s32 s24, $0x0  }
0xbe: {  	[sflag:s26] =	ssyncadd.s32 $0xFFFFFFD8;
	s25 =	smov.u32 s24;
	s24 =	sadd.s32 $0xC80, s24  }
0xbf: {  	[spmem:s3] =	stream.indirect.scatter.add.f32 [tilespmem:s16], [sflag:$0xA], $0x80, s17, s9, $0xb8;
	[tilespmem:$0x1A680] =	vst v63  }
0xc0: {  	p1 =	sne.s32 s24, $0x27100;
	_ =	swait.ge @!p0 [sflag:s28], $0x1400  }
0xc1: {  	s8 =	sadd.s32 s30, s20;
	[sflag:s28] =	ssyncset.done @!p0 $0x0  }
0xc2: {  	[sflag:s28] =	ssyncadd.s32 @!p0 $0xFFFFEC00;
	s28 =	sadd.s32 $0x280, s8  }
0xc3: {  	[tilespmem:s5], [sflag:$0x2] =	stream.linear.gather [hbm4b:s28+s4], $0x1400, $0x38;
	[tilespmem:$0x1A680] =	vst v63  }
0xc4: {  	_ = 	snop  }
0xc5: {  	[tilespmem:s6], [sflag:$0x2] =	stream.linear.gather [hbm4b:s23+s4], $0x28, $0x38;
	[tilespmem:$0x1A680] =	vst v63  }
0xc6: {  	_ =	swait.ge [sflag:s7], $0x1400  }
0xc7: {  	[sflag:s7] =	ssyncset.done $0x0  }
0xc8: {  	[sflag:s7] =	ssyncadd.s32 $0xFFFFEC00  }
0xc9: {  	_ =	swait.ge [sflag:s7], $0x28  }
0xca: {  	[sflag:s7] =	ssyncset.done $0x0  }
0xcb: {  	s28 =	simm.s32 @!p0 $0x8;
	[sflag:s7] =	ssyncadd.s32 $0xFFFFFFD8  }
0xcc: {  	[spmem:s3] =	stream.indirect.scatter.add.f32 [tilespmem:s0], [sflag:$0x6], $0x80, s4, s9, $0xb8;
	[tilespmem:$0x1A680] =	vst v63  }
0xcd: {  	_ =	swait.ge @!p0 [sflag:s28], $0x1400  }
0xce: {  	[sflag:s28] =	ssyncset.done @!p0 $0x0  }
0xcf: {  	[sflag:s28] =	ssyncadd.s32 @!p0 $0xFFFFEC00;
	s28 =	sadd.s32 $0x500, s8  }
0xd0: {  	[tilespmem:s10], [sflag:$0x3] =	stream.linear.gather [hbm4b:s28+s4], $0x1400, $0x38;
	[tilespmem:$0x1A680] =	vst v63  }
0xd1: {  	_ = 	snop  }
0xd2: {  	[tilespmem:s11], [sflag:$0x3] =	stream.linear.gather [hbm4b:s22+s4], $0x28, $0x38;
	[tilespmem:$0x1A680] =	vst v63  }
0xd3: {  	_ =	swait.ge [sflag:s12], $0x1400  }
0xd4: {  	[sflag:s12] =	ssyncset.done $0x0  }
0xd5: {  	[sflag:s12] =	ssyncadd.s32 $0xFFFFEC00  }
0xd6: {  	_ =	swait.ge [sflag:s12], $0x28  }
0xd7: {  	[sflag:s12] =	ssyncset.done $0x0  }
0xd8: {  	s28 =	simm.s32 @!p0 $0x9;
	[sflag:s12] =	ssyncadd.s32 $0xFFFFFFD8  }
0xd9: {  	[spmem:s3] =	stream.indirect.scatter.add.f32 [tilespmem:s5], [sflag:$0x7], $0x80, s6, s9, $0xb8;
	[tilespmem:$0x1A680] =	vst v63  }
0xda: {  	_ =	swait.ge @!p0 [sflag:s28], $0x1400  }
0xdb: {  	[sflag:s28] =	ssyncset.done @!p0 $0x0  }
0xdc: {  	[sflag:s28] =	ssyncadd.s32 @!p0 $0xFFFFEC00;
	s28 =	sadd.s32 $0x780, s8  }
0xdd: {  	[tilespmem:s13], [sflag:$0x4] =	stream.linear.gather [hbm4b:s28+s4], $0x1400, $0x38;
	[tilespmem:$0x1A680] =	vst v63  }
0xde: {  	_ = 	snop  }
0xdf: {  	[tilespmem:s14], [sflag:$0x4] =	stream.linear.gather [hbm4b:s21+s4], $0x28, $0x38;
	[tilespmem:$0x1A680] =	vst v63  }
0xe0: {  	_ =	swait.ge [sflag:s15], $0x1400  }
0xe1: {  	[sflag:s15] =	ssyncset.done $0x0  }
0xe2: {  	[sflag:s15] =	ssyncadd.s32 $0xFFFFEC00  }
0xe3: {  	_ =	swait.ge [sflag:s15], $0x28  }
0xe4: {  	[sflag:s15] =	ssyncset.done $0x0  }
0xe5: {  	s28 =	simm.s32 @!p0 $0xA;
	[sflag:s15] =	ssyncadd.s32 $0xFFFFFFD8  }
0xe6: {  	[spmem:s3] =	stream.indirect.scatter.add.f32 [tilespmem:s10], [sflag:$0x8], $0x80, s11, s9, $0xb8;
	[tilespmem:$0x1A680] =	vst v63  }
0xe7: {  	_ =	swait.ge @!p0 [sflag:s28], $0x1400  }
0xe8: {  	[sflag:s28] =	ssyncset.done @!p0 $0x0  }
0xe9: {  	s8 =	sadd.s32 $0xA00, s8;
	[sflag:s28] =	ssyncadd.s32 @!p0 $0xFFFFEC00;
	p0 =	por p2, p2  }
0xea: {  	[tilespmem:s16], [sflag:$0x5] =	stream.linear.gather [hbm4b:s8+s4], $0x1400, $0x38;
	[tilespmem:$0x1A680] =	vst v63  }
0xeb: {  	_ = 	snop  }
0xec: {  	[tilespmem:s17], [sflag:$0x5] =	stream.linear.gather [hbm4b:s31+s4], $0x28, $0x38;
	[tilespmem:$0x1A680] =	vst v63  }
0xed: {  	_ =	swait.ge [sflag:s18], $0x1400  }
0xee: {  	[sflag:s18] =	ssyncset.done $0x0  }
0xef: {  	[sflag:s18] =	ssyncadd.s32 $0xFFFFEC00  }
0xf0: {  	_ =	swait.ge [sflag:s18], $0x28  }
0xf1: {  	[sflag:s18] =	ssyncset.done $0x0  }
0xf2: {  	[sflag:s18] =	ssyncadd.s32 $0xFFFFFFD8  }
0xf3: {  	[spmem:s3] =	stream.indirect.scatter.add.f32 [tilespmem:s13], [sflag:$0x9], $0x80, s14, s9, $0xb8;
	[tilespmem:$0x1A680] =	vst v63  }
0xf4: {  	p2 =	seq.s32 s30, $0x26480;
	_ =	swait.ge [sflag:s19], $0x1400  }
0xf5: {  	s8 =	sadd.s32 @!p2 s30, s20;
	s28 =	simm.s32 @!p2 $0x0;
	[sflag:s19] =	ssyncset.done $0x0  }
0xf6: {  	s30 =	simm.s32 @!p2 $0x280;
	s8 =	sadd.s32 @!p2 $0xC80, s8;
	[sflag:s19] =	ssyncadd.s32 $0xFFFFEC00  }
0xf7: {  	[tilespmem:s30], [sflag:$0x1] =	stream.linear.gather @!p2 [hbm4b:s8+s28], $0x1400, $0x38;
	[tilespmem:$0x1A680] =	vst v63  }
0xf8: {  	s8 =	sshrl.u32 @!p2 s29, $0x3;
	s30 =	smov.u32 s25  }
0xf9: {  	s8 =	sadd.s32 @!p2 s1, s8  }
0xfa: {  	[tilespmem:s28], [sflag:$0x1] =	stream.linear.gather @!p2 [hbm4b:s8+s28], $0x28, $0x38;
	[tilespmem:$0x1A680] =	vst v63  }
.Ltmp1:
0xfb: {  	_ =	swait.ge [sflag:s26], $0x1400;
	(pc) =	sbr.rel @p1 .LBB2_4-.Ltmp1, $4  }
0xfc: {  	[sflag:s26] =	ssyncset.done $0x0  }
0xfd: {  	s23 =	sadd.s32 $0x19, s23;
	s22 =	sadd.s32 $0x19, s22;
	[sflag:s26] =	ssyncadd.s32 $0xFFFFEC00  }
0xfe: {  	s21 =	sadd.s32 $0x19, s21;
	s31 =	sadd.s32 $0x19, s31;
	_ =	swait.ge [sflag:s26], $0x28  }
0xff: {  	s29 =	sadd.s32 $0xC8, s29;
	s28 =	simm.s32 @!p0 $0x7;
	[sflag:s26] =	ssyncset.done $0x0  }
0x100: {  	[sflag:s26] =	ssyncadd.s32 $0xFFFFFFD8  }
0x101: {  	[spmem:s3] =	stream.indirect.scatter.add.f32 [tilespmem:s16], [sflag:$0xA], $0x80, s17, s9, $0xb8;
	[tilespmem:$0x1A680] =	vst v63  }
0x102: {  	_ =	swait.ge @!p0 [sflag:s28], $0x1400  }
0x103: {  	s8 =	sadd.s32 s30, s20;
	[sflag:s28] =	ssyncset.done @!p0 $0x0  }
0x104: {  	s24 =	sadd.s32 $0x280, s8;
	[sflag:s28] =	ssyncadd.s32 @!p0 $0xFFFFEC00  }
0x105: {  	[tilespmem:s5], [sflag:$0x2] =	stream.linear.gather [hbm4b:s24+s4], $0x1400, $0x38;
	[tilespmem:$0x1A680] =	vst v63  }
0x106: {  	_ = 	snop  }
0x107: {  	[tilespmem:s6], [sflag:$0x2] =	stream.linear.gather [hbm4b:s23+s4], $0x28, $0x38;
	[tilespmem:$0x1A680] =	vst v63  }
0x108: {  	_ =	swait.ge [sflag:s7], $0x1400  }
0x109: {  	[sflag:s7] =	ssyncset.done $0x0  }
0x10a: {  	[sflag:s7] =	ssyncadd.s32 $0xFFFFEC00  }
0x10b: {  	_ =	swait.ge [sflag:s7], $0x28  }
0x10c: {  	[sflag:s7] =	ssyncset.done $0x0  }
0x10d: {  	s23 =	simm.s32 @!p0 $0x8;
	[sflag:s7] =	ssyncadd.s32 $0xFFFFFFD8  }
0x10e: {  	[spmem:s3] =	stream.indirect.scatter.add.f32 [tilespmem:s0], [sflag:$0x6], $0x80, s4, s9, $0xb8;
	[tilespmem:$0x1A680] =	vst v63  }
0x10f: {  	_ =	swait.ge @!p0 [sflag:s23], $0x1400  }
0x110: {  	[sflag:s23] =	ssyncset.done @!p0 $0x0  }
0x111: {  	s25 =	sadd.s32 $0x500, s8;
	[sflag:s23] =	ssyncadd.s32 @!p0 $0xFFFFEC00  }
0x112: {  	[tilespmem:s10], [sflag:$0x3] =	stream.linear.gather [hbm4b:s25+s4], $0x1400, $0x38;
	[tilespmem:$0x1A680] =	vst v63  }
0x113: {  	_ = 	snop  }
0x114: {  	[tilespmem:s11], [sflag:$0x3] =	stream.linear.gather [hbm4b:s22+s4], $0x28, $0x38;
	[tilespmem:$0x1A680] =	vst v63  }
0x115: {  	_ =	swait.ge [sflag:s12], $0x1400  }
0x116: {  	[sflag:s12] =	ssyncset.done $0x0  }
0x117: {  	[sflag:s12] =	ssyncadd.s32 $0xFFFFEC00  }
0x118: {  	_ =	swait.ge [sflag:s12], $0x28  }
0x119: {  	[sflag:s12] =	ssyncset.done $0x0  }
0x11a: {  	s22 =	simm.s32 @!p0 $0x9;
	[sflag:s12] =	ssyncadd.s32 $0xFFFFFFD8  }
0x11b: {  	[spmem:s3] =	stream.indirect.scatter.add.f32 [tilespmem:s5], [sflag:$0x7], $0x80, s6, s9, $0xb8;
	[tilespmem:$0x1A680] =	vst v63  }
0x11c: {  	_ =	swait.ge @!p0 [sflag:s22], $0x1400  }
0x11d: {  	[sflag:s22] =	ssyncset.done @!p0 $0x0  }
0x11e: {  	s28 =	sadd.s32 $0x780, s8;
	[sflag:s22] =	ssyncadd.s32 @!p0 $0xFFFFEC00  }
0x11f: {  	[tilespmem:s13], [sflag:$0x4] =	stream.linear.gather [hbm4b:s28+s4], $0x1400, $0x38;
	[tilespmem:$0x1A680] =	vst v63  }
0x120: {  	_ = 	snop  }
0x121: {  	[tilespmem:s14], [sflag:$0x4] =	stream.linear.gather [hbm4b:s21+s4], $0x28, $0x38;
	[tilespmem:$0x1A680] =	vst v63  }
0x122: {  	_ =	swait.ge [sflag:s15], $0x1400  }
0x123: {  	[sflag:s15] =	ssyncset.done $0x0  }
0x124: {  	[sflag:s15] =	ssyncadd.s32 $0xFFFFEC00  }
0x125: {  	_ =	swait.ge [sflag:s15], $0x28  }
0x126: {  	[sflag:s15] =	ssyncset.done $0x0  }
0x127: {  	s21 =	simm.s32 @!p0 $0xA;
	[sflag:s15] =	ssyncadd.s32 $0xFFFFFFD8  }
0x128: {  	[spmem:s3] =	stream.indirect.scatter.add.f32 [tilespmem:s10], [sflag:$0x8], $0x80, s11, s9, $0xb8;
	[tilespmem:$0x1A680] =	vst v63  }
0x129: {  	_ =	swait.ge @!p0 [sflag:s21], $0x1400  }
0x12a: {  	[sflag:s21] =	ssyncset.done @!p0 $0x0  }
0x12b: {  	s8 =	sadd.s32 $0xA00, s8;
	[sflag:s21] =	ssyncadd.s32 @!p0 $0xFFFFEC00  }
0x12c: {  	[tilespmem:s16], [sflag:$0x5] =	stream.linear.gather [hbm4b:s8+s4], $0x1400, $0x38;
	[tilespmem:$0x1A680] =	vst v63  }
0x12d: {  	_ = 	snop  }
0x12e: {  	[tilespmem:s17], [sflag:$0x5] =	stream.linear.gather [hbm4b:s31+s4], $0x28, $0x38;
	[tilespmem:$0x1A680] =	vst v63  }
0x12f: {  	_ =	swait.ge [sflag:s18], $0x1400  }
0x130: {  	[sflag:s18] =	ssyncset.done $0x0  }
0x131: {  	[sflag:s18] =	ssyncadd.s32 $0xFFFFEC00  }
0x132: {  	_ =	swait.ge [sflag:s18], $0x28  }
0x133: {  	[sflag:s18] =	ssyncset.done $0x0  }
0x134: {  	[sflag:s18] =	ssyncadd.s32 $0xFFFFFFD8  }
0x135: {  	[spmem:s3] =	stream.indirect.scatter.add.f32 [tilespmem:s13], [sflag:$0x9], $0x80, s14, s9, $0xb8;
	[tilespmem:$0x1A680] =	vst v63  }
0x136: {  	p0 =	seq.s32 s30, $0x26480;
	_ =	swait.ge [sflag:s19], $0x1400  }
0x137: {  	s8 =	sadd.s32 @!p0 s30, s20;
	s21 =	simm.s32 @!p0 $0x0;
	[sflag:s19] =	ssyncset.done $0x0  }
0x138: {  	s22 =	simm.s32 @!p0 $0x280;
	s8 =	sadd.s32 @!p0 $0xC80, s8;
	[sflag:s19] =	ssyncadd.s32 $0xFFFFEC00  }
0x139: {  	[tilespmem:s22], [sflag:$0x1] =	stream.linear.gather @!p0 [hbm4b:s8+s21], $0x1400, $0x38;
	[tilespmem:$0x1A680] =	vst v63  }
0x13a: {  	s8 =	sshrl.u32 @!p0 s29, $0x3  }
0x13b: {  	s8 =	sadd.s32 @!p0 s1, s8  }
0x13c: {  	[tilespmem:s21], [sflag:$0x1] =	stream.linear.gather @!p0 [hbm4b:s8+s21], $0x28, $0x38;
	[tilespmem:$0x1A680] =	vst v63  }
0x13d: {  	_ =	swait.ge [sflag:s26], $0x1400  }
0x13e: {  	[sflag:s26] =	ssyncset.done $0x0  }
0x13f: {  	[sflag:s26] =	ssyncadd.s32 $0xFFFFEC00  }
0x140: {  	_ =	swait.ge [sflag:s26], $0x28  }
0x141: {  	[sflag:s26] =	ssyncset.done $0x0  }
0x142: {  	s21 =	simm.s32 $0x7;
	[sflag:s26] =	ssyncadd.s32 $0xFFFFFFD8  }
0x143: {  	[spmem:s3] =	stream.indirect.scatter.add.f32 [tilespmem:s16], [sflag:$0xA], $0x80, s17, s9, $0xb8;
	[tilespmem:$0x1A680] =	vst v63  }
0x144: {  	_ =	swait.ge [sflag:s21], $0x1400  }
0x145: {  	[sflag:s21] =	ssyncset.done $0x0  }
0x146: {  	s22 =	simm.s32 $0x8;
	[sflag:s21] =	ssyncadd.s32 $0xFFFFEC00  }
0x147: {  	_ =	swait.ge [sflag:s22], $0x1400  }
0x148: {  	[sflag:s22] =	ssyncset.done $0x0  }
0x149: {  	s23 =	simm.s32 $0x9;
	[sflag:s22] =	ssyncadd.s32 $0xFFFFEC00  }
0x14a: {  	_ =	swait.ge [sflag:s23], $0x1400  }
0x14b: {  	[sflag:s23] =	ssyncset.done $0x0  }
0x14c: {  	s24 =	simm.s32 $0xA;
	[sflag:s23] =	ssyncadd.s32 $0xFFFFEC00  }
0x14d: {  	_ =	swait.ge [sflag:s24], $0x1400  }
0x14e: {  	[sflag:s24] =	ssyncset.done $0x0  }
0x14f: {  	[sflag:s24] =	ssyncadd.s32 $0xFFFFEC00  }
0x150: {  	s25 =	stileid.u32;
	[bflag:$0x0] =	sbarrier.arrive $0xFFFF  }
0x151: {  	s8 =	sshll.u32 s25, $0x6;
	s23 =	rddreg [dreg:$0x7]  }
0x152: {  	s8 =	sor.u32 $0x1C0B, s8;
	s29 =	rddreg [dreg:$0x6];
	s28 =	sshrl.u32 s23, $0x3  }
0x153: {  	[hbm:s29], [sflag:s8] =	dma.local [spmem:s28], $0x2800  }
0x154: {  	_ =	swait.ge [sflag:s2], $0x2800  }
0x155: {  	s30 =	rddreg [dreg:$0x1d]  }
0x156: {  	s31 =	rddreg [dreg:$0x8];
	s21 =	sadd.s32 $0x1, s30  }
0x157: {  	p0 =	sne.s32 s21, s31  }
.Ltmp2:
0x158: {  	_ = 	snop;
	(pc) =	sbr.rel @p0 .LBB2_1-.Ltmp2, $3  }
0x159: {  	_ =	sdelay $0x1  }
0x15a: {  	[sflag:s2] =	ssyncset.done $0x0  }
0x15b: {  	[sflag:s2] =	ssyncadd.s32 $0xFFFFD800  }
0x15c: {  	_ =	sfence.sel $0x180000  }
0x15d: {  	[bflag:$0x0] =	sbarrier.arrive $0xFFFF  }
0x15e: {  	_ =	strace $0x9000004A  }
0x15f: {  	s0 =	stileid.u32;
	[bflag:$0x2] =	sbarrier.arrive $0xFFFF  }
0x160: {  	p0 =	sne.s32 s0, $0x0;
	s0 =	rddreg [dreg:$0x3]  }
0x161: {  	s0 =	sadd.s32 @!p0 $0x100000, s0  }
0x162: {  	[sflag:s0] =	ssyncadd.tile.s32 @!p0 $0x1;
	_ =	shalt  }
.Lfunc_end2:
_tile_overlayer_lowered:
.L_overlay_start_2:
0x163: {  	(tag) =	ssettag $0x2  }
0x164: {  	s0 =	rddreg [dreg:$0x0];
	s2 =	stileid.u32  }
0x165: {  	s1 =	rddreg [dreg:$0x1];
	p0 =	sne.s32 s2, $0x0  }
0x166: {  	s3 =	rddreg [dreg:$0x2];
	[bflag:$0x3] =	sbarrier.arrive $0xFFFF;
	s2 =	simm.s32 @!p0 $0x1C0B  }
0x167: {  	[timem:s3], [sflag:s2] =	dma.local @!p0 [hbm:s0], s1  }
0x168: {  	s0 =	simm.s32 @!p0 $0xB  }
0x169: {  	_ =	swait.ge @!p0 [sflag:s0], s1  }
0x16a: {  	s1 =	ssub.s32 @!p0 $0x0, s1;
	[sflag:s0] =	ssyncset.done @!p0 $0x0  }
0x16b: {  	[sflag:s0] =	ssyncadd.s32 @!p0 s1  }
0x16c: {  	[bflag:$0x3] =	sbarrier.arrive $0xFFFF  }
0x16d: {  	_ =	shalt  }

// kernel: kernel.8.cloned.1.call-start
scs
__scs_entry_jumppad:
0x0: {  	(pc) =	sbr.rel $0x88, $3  }
0x1: {  	(tag) =	ssettag $0x0;
	lr =	simm.s32 $0x1  }
0x2: {  	[smem:$0x3F94] =	sst lr;
	_ =	strace $0xD0000000  }
0x3: {  	_ = 	snop  }
0x4: {  	_ = 	snop  }
0x5: {  	_ = 	snop  }
0x6: {  	_ = 	snop  }
0x7: {  	_ = 	snop  }
__scs_overlays_trampoline_lowered:
0x8: {  	[smem:$0x3FA3] =	sst s0  }
0x9: {  	[smem:$0x3FA4] =	sst s1  }
0xa: {  	[smem:$0x3FA5] =	sst s2  }
0xb: {  	[smem:$0x3FA6] =	sst s3  }
0xc: {  	[smem:$0x3FA7] =	sst s4  }
0xd: {  	[smem:$0x3FA8] =	sst s5  }
0xe: {  	[smem:$0x3FA9] =	sst s6  }
0xf: {  	[smem:$0x3FAA] =	sst s7  }
0x10: {  	[smem:$0x3FAB] =	sst s8  }
0x11: {  	[smem:$0x3FAC] =	sst s9;
	s0 =	simm.s32 @!p0 $0x0  }
0x12: {  	s1 =	sld [smem:$0x3F92];
	s0 =	simm.s32 @p0 $0x1  }
0x13: {  	[smem:$0x3FAD] =	sst s0;
	s0 =	simm.s32 @!p1 $0x0  }
0x14: {  	s2 =	sld [smem:$0x3F91];
	s0 =	simm.s32 @p1 $0x1  }
0x15: {  	[smem:$0x3FAE] =	sst s0;
	s0 =	simm.s32 @!p2 $0x0  }
0x16: {  	s3 =	sld [smem:$0x3FDB];
	s0 =	simm.s32 @p2 $0x1  }
0x17: {  	s4 =	simm.s32 $0x1BF5;
	[smem:$0x3FB0] =	sst s0  }
0x18: {  	s0 =	sld [smem:$0x3F93];
	_ =	swait.ge [sflag:s4], $0x0  }
0x19: {  	s7 =	sld [smem:$0x3F94]  }
0x1a: {  	s8 =	sadd.s32 $0xFFFFE003, lr  }
0x1b: {  	s9 =	sadd.s32 $0xFFFFFEF7, lr;
	s5 =	simm.s32 $0xFFFFFFFF;
	p2 =	slt.u32 s8, $0xFFFFF086  }
0x1c: {  	p1 =	slt.u32 s9, $0xF7A;
	s5 =	simm.s32 @!p2 $0x0  }
0x1d: {  	s5 =	simm.s32 @p1 $0x1;
	p0 =	seq.s32 s7, s2  }
0x1e: {  	s7 =	smul.u32 @!p0 $0xF7A, s2;
	p2 =	seq.s32 @!p0 s5, $0x0  }
0x1f: {  	s9 =	smul.u32 $0xF7A, s1;
	s8 =	simm.s32 @!p0 $0x1BF5;
	p2 =	por !p2, p0  }
0x20: {  	[sflag:s8] =	ssyncset.s32 @!p0 $0xFFFFF086;
	s6 =	sadd.s32 @!p0 s3, s7;
	s7 =	simm.s32 @!p0 $0x108  }
0x21: {  	s3 =	sadd.s32 s3, s9;
	s6 =	sadd.s32 @!p0 $0x88, s6;
	s7 =	simm.s32 @p2 $0x1082  }
0x22: {  	[simem:s7], [sflag:s8] =	dma.local @!p0 [hbm:s6], $0xF7A  }
0x23: {  	s9 =	sor.u32 $0xD0000000, s2;
	s6 =	simm.s32 $0x108;
	_ =	swait.ge @!p0 [sflag:s8], $0x0  }
0x24: {  	s3 =	sadd.s32 $0x88, s3;
	s6 =	simm.s32 @!p1 $0x1082;
	[sflag:s4] =	ssyncset.s32 $0xFFFFF086  }
0x25: {  	[simem:s6], [sflag:s4] =	dma.local [hbm:s3], $0xF7A  }
0x26: {  	[smem:$0x3F94] =	sst s1;
	(tag) =	ssettag s2;
	_ =	strace s9  }
0x27: {  	s1 =	sld [smem:$0x3FA4]  }
0x28: {  	s2 =	sld [smem:$0x3FA5]  }
0x29: {  	s4 =	sld [smem:$0x3FA7]  }
0x2a: {  	p0 =	seq.s32 s5, $0x0;
	s5 =	sld [smem:$0x3FA8]  }
0x2b: {  	s6 =	sld [smem:$0x3FA9]  }
0x2c: {  	s7 =	sld [smem:$0x3FAA]  }
0x2d: {  	s3 =	simm.s32 $0x108;
	s8 =	sld [smem:$0x3FAB]  }
0x2e: {  	s3 =	simm.s32 @!p0 $0x1082;
	s9 =	sld [smem:$0x3FAC]  }
0x2f: {  	lr =	sadd.s32 s0, s3;
	s0 =	sld [smem:$0x3FA3]  }
0x30: {  	s3 =	sld [smem:$0x3FA6]  }
0x31: {  	[smem:$0x3FAF] =	sst s10  }
0x32: {  	s10 =	sld [smem:$0x3FAD];
	_ =	sdelay $0x3  }
0x33: {  	p0 =	seq.s32 s10, $0x1;
	s10 =	sld [smem:$0x3FAF];
	_ =	sdelay $0x3  }
0x34: {  	[smem:$0x3FAF] =	sst s10  }
0x35: {  	s10 =	sld [smem:$0x3FAE];
	_ =	sdelay $0x3  }
0x36: {  	p1 =	seq.s32 s10, $0x1;
	s10 =	sld [smem:$0x3FAF];
	_ =	sdelay $0x3  }
0x37: {  	[smem:$0x3FAF] =	sst s10  }
0x38: {  	s10 =	sld [smem:$0x3FB0]  }
0x39: {  	_ = 	snop;
	(pc) =	sbr.ind lr, $3  }
0x3a: {  	_ = 	snop  }
0x3b: {  	_ = 	snop  }
0x3c: {  	p2 =	seq.s32 s10, $0x1;
	s10 =	sld [smem:$0x3FAF]  }
0x3d: {  	_ =	shalt  }
0x3e: {  	_ =	shalt  }
0x3f: {  	_ =	shalt  }
0x40: {  	_ =	shalt  }
0x41: {  	_ =	shalt  }
0x42: {  	_ =	shalt  }
0x43: {  	_ =	shalt  }
0x44: {  	_ =	shalt  }
0x45: {  	_ =	shalt  }
0x46: {  	_ =	shalt  }
0x47: {  	_ =	shalt  }
0x48: {  	_ =	shalt  }
0x49: {  	_ =	shalt  }
0x4a: {  	_ =	shalt  }
0x4b: {  	_ =	shalt  }
0x4c: {  	_ =	shalt  }
0x4d: {  	_ =	shalt  }
0x4e: {  	_ =	shalt  }
0x4f: {  	_ =	shalt  }
0x50: {  	_ =	shalt  }
0x51: {  	_ =	shalt  }
0x52: {  	_ =	shalt  }
0x53: {  	_ =	shalt  }
0x54: {  	_ =	shalt  }
0x55: {  	_ =	shalt  }
0x56: {  	_ =	shalt  }
0x57: {  	_ =	shalt  }
0x58: {  	_ =	shalt  }
0x59: {  	_ =	shalt  }
0x5a: {  	_ =	shalt  }
0x5b: {  	_ =	shalt  }
0x5c: {  	_ =	shalt  }
0x5d: {  	_ =	shalt  }
0x5e: {  	_ =	shalt  }
0x5f: {  	_ =	shalt  }
0x60: {  	_ =	shalt  }
0x61: {  	_ =	shalt  }
0x62: {  	_ =	shalt  }
0x63: {  	_ =	shalt  }
0x64: {  	_ =	shalt  }
0x65: {  	_ =	shalt  }
0x66: {  	_ =	shalt  }
0x67: {  	_ =	shalt  }
0x68: {  	_ =	shalt  }
0x69: {  	_ =	shalt  }
0x6a: {  	_ =	shalt  }
0x6b: {  	_ =	shalt  }
0x6c: {  	_ =	shalt  }
0x6d: {  	_ =	shalt  }
0x6e: {  	_ =	shalt  }
0x6f: {  	_ =	shalt  }
0x70: {  	_ =	shalt  }
0x71: {  	_ =	shalt  }
0x72: {  	_ =	shalt  }
0x73: {  	_ =	shalt  }
0x74: {  	_ =	shalt  }
0x75: {  	_ =	shalt  }
0x76: {  	_ =	shalt  }
0x77: {  	_ =	shalt  }
0x78: {  	_ =	shalt  }
0x79: {  	_ =	shalt  }
0x7a: {  	_ =	shalt  }
0x7b: {  	_ =	shalt  }
0x7c: {  	_ =	shalt  }
0x7d: {  	_ =	shalt  }
0x7e: {  	_ =	shalt  }
0x7f: {  	_ =	shalt  }
0x80: {  	_ =	shalt  }
0x81: {  	_ =	shalt  }
0x82: {  	_ =	shalt  }
0x83: {  	_ =	shalt  }
0x84: {  	_ =	shalt  }
0x85: {  	_ =	shalt  }
0x86: {  	_ =	shalt  }
0x87: {  	_ =	shalt  }
.Lfunc_end0:
.L_simem_size_0:
called_computation_lowered:
.L_overlay_start_0:
0x88: {  	s2 =	sld [smem:$0x3FD9]  }
0x89: {  	s3 =	sld [smem:$0x3FFE];
	_ =	sdelay $0x1  }
0x8a: {  	s1 =	srdreg.scid  }
0x8b: {  	s0 =	sand.u32 $0x1, s1  }
0x8c: {  	s17 =	sshll.u32 s0, $0xA;
	s2 =	sadd.s32 s3, s2  }
0x8d: {  	s2 =	sadd.s32 s2, s17  }
0x8e: {  	[smem:$0x3FBB] =	sst s2  }
0x8f: {  	_ = 	snop  }
0x90: {  	s2 =	sld [smem:$0x3FD0];
	(tm) =	ssettm $0x1  }
0x91: {  	s18 =	sld [smem:$0x3FFB];
	_ =	sdelay $0x3  }
0x92: {  	_ =	strace s18  }
0x93: {  	s3 =	sld [smem:$0x3FFC];
	_ =	sdelay $0x3  }
0x94: {  	_ =	strace s3  }
0x95: {  	s3 =	sld [smem:$0x3FFD];
	_ =	sdelay $0x3  }
0x96: {  	_ =	strace s3  }
0x97: {  	_ =	strace $0x8FFFFFFF  }
0x98: {  	s19 =	sld [smem:$0x3FDB];
	_ =	sdelay $0x1  }
0x99: {  	s4 =	simm.s32 $_scs_section_size  }
0x9a: {  	s5 =	simm.s32 $_size__tile_overlayer_lowered;
	s6 =	simm.s32 $_tile_overlayer_lowered  }
0x9b: {  	s22 =	simm.s32 $0x1BFF;
	s21 =	sshll.u32 s6, $0x1;
	s3 =	sadd.s32 s4, s19  }
0x9c: {  	s7 =	simm.s32 $0x0;
	s20 =	sshll.u32 s5, $0x1;
	s5 =	sadd.s32 s21, s3  }
0x9d: {  	[timem:s7], [sflag:s22] =	dma.local [hbm:s5], s20  }
0x9e: {  	_ =	swait.ge [sflag:s22], s20  }
0x9f: {  	s4 =	ssub.s32 $0x0, s20;
	[sflag:s22] =	ssyncset.done $0x0  }
0xa0: {  	[sflag:s22] =	ssyncadd.s32 s4;
	_ =	sdelay $0x1  }
0xa1: {  	s23 =	simm.s32 $0x1B8B  }
0xa2: {  	_ =	swait.ge [sflag:s23], $0x1  }
0xa3: {  	[sflag:s23] =	ssyncset.done $0x0  }
0xa4: {  	s25 =	simm.s32 $0x1B8E;
	s24 =	sld [smem:$0x3FFE];
	[sflag:s23] =	ssyncadd.s32 $0xFFFFFFFF  }
0xa5: {  	s26 =	simm.s32 $execute0_lowered;
	[smem:$0x3FD2] =	sst s25  }
0xa6: {  	s5 =	sshll.u32 s26, $0x1;
	_ =	strace $0x80000046;
	[dreg:$0x1] =	wrdreg $0xFFFFFFFF  }
0xa7: {  	s28 =	simm.s32 $_size_execute0_lowered;
	s3 =	sadd.s32 s3, s5;
	[dreg:$0x0] =	wrdreg $0x0  }
0xa8: {  	s5 =	sshll.u32 s28, $0x1;
	[dreg:$0x2] =	wrdreg s3  }
0xa9: {  	[dreg:$0x3] =	wrdreg s5  }
0xaa: {  	[dreg:$0x4] =	wrdreg $0xC0  }
0xab: {  	_ =	task [dreg:s7], $0x5FFFF  }
0xac: {  	[dreg:$0x1] =	wrdreg $0xFFFFFFFF  }
0xad: {  	[dreg:$0x0] =	wrdreg $0x60  }
0xae: {  	[dreg:$0x2] =	wrdreg s24  }
0xaf: {  	[dreg:$0x3] =	wrdreg s2  }
0xb0: {  	[dreg:$0x4] =	wrdreg $0x9  }
0xb1: {  	_ =	task.clear_ibuf [dreg:s7], $0x5FFFF;
	_ =	strace $0x90000046  }
0xb2: {  	s29 =	simm.s32 $0x9;
	_ =	strace $0x80000048  }
0xb3: {  	_ =	swait.ge [sflag:s29], $0x1  }
0xb4: {  	[sflag:s29] =	ssyncadd.s32 $0xFFFFFFFF  }
0xb5: {  	_ =	strace $0x90000048  }
0xb6: {  	_ =	sfence  }
0xb7: {  	s30 =	sld [smem:$0x0];
	_ =	sdelay $0x2  }
0xb8: {  	s31 =	sshll.u32 s1, $0xD;
	s1 =	sshrl.u32 s1, $0x2  }
0xb9: {  	s3 =	sand.u32 $0x4000, s31;
	s1 =	sadd.s32 s1, s30  }
0xba: {  	s0 =	sor.u32 s3, s0;
	s1 =	sshll.u32 s1, $0x11  }
0xbb: {  	s0 =	sor.u32 s1, s0  }
0xbc: {  	s0 =	sadd.s32 $0x8F2B, s0  }
0xbd: {  	[sflag:s0] =	ssyncadd.remote.s32 $0x1  }
0xbe: {  	_ =	sfence.sel $0xFFFF  }
0xbf: {  	[dreg:$0x0] =	wrdreg $0xFFFFFFFF;
	(pc) =	sbr.abs _section_cstart, $3  }
0xc0: {  	[dreg:$0x1] =	wrdreg $0xFFFFFFFF  }
0xc1: {  	_ =	task.clear_ibuf [dreg:s7], $0x2FFFF;
	_ =	strace $0x9FFFFFFF  }
0xc2: {  	(tm) =	ssettm $0x7FFFFFFF  }
0xc3: {  	_ =	shalt  }
tec
execute0_lowered:
.L_overlay_start_1:
0x0: {  	(tag) =	ssettag $0x1  }
0x1: {  	s0 =	rddreg [dreg:$0x0]  }
0x2: {  	s2 =	rddreg [dreg:$0x1]  }
0x3: {  	s1 =	srdreg.scid;
	s4 =	stileid.u32;
	s3 =	simm.s32 $0x0  }
0x4: {  	s20 =	simm.s32 $0x4200;
	s21 =	simm.s32 $0x4A00;
	s22 =	simm.s32 $0x7A00  }
0x5: {  	s28 =	simm.s32 $0x1;
	s29 =	simm.s32 $0xA200;
	s30 =	simm.s32 $0x2  }
0x6: {  	s31 =	simm.s32 $0xCA00;
	s1 =	sand.u32 $0x1, s1;
	s4 =	sshll.u32 s4, $0x1  }
0x7: {  	[smem:$0x7FF] =	sst s3;
	s6 =	sadd.s32 $0xC000, s0;
	s7 =	sadd.s32 $0x2200, s0  }
0x8: {  	s8 =	sadd.s32 $0xA8400, s0;
	s5 =	sor.u32 s1, s4;
	s1 =	ssub.s32 $0x2, s1  }
0x9: {  	_ =	strace $0x80000047;
	s5 =	smul.u32 $0x2710, s5;
	s23 =	sshrl.u32 s1, $0x1  }
0xa: {  	s4 =	sadd.s32 $0x5A200, s0;
	s0 =	ssub.s32 s1, s23;
	s23 =	simm.s32 $0x8200  }
0xb: {  	s9 =	sadd.s32 $0x28, s5;
	s24 =	sshrl.u32 s5, $0x3;
	s14 =	sadd.s32 $0x50, s5  }
0xc: {  	s15 =	sadd.s32 $0x78, s5;
	s0 =	smax.u32 s0, $0x1;
	s10 =	sshrl.u32 s9, $0x3  }
0xd: {  	s11 =	sadd.s32 s7, s24;
	s1 =	sadd.s32 s2, s24;
	[dreg:$0x7] =	wrdreg s0  }
0xe: {  	s0 =	simm.s32 $0x6;
	s24 =	simm.s32 $0x8A00;
	[dreg:$0x3] =	wrdreg s11  }
0xf: {  	v2 =	vlaneseq.u32;
	[dreg:$0x4] =	wrdreg s1;
	s25 =	sadd.s32 s7, s10;
	s26 =	sadd.s32 s2, s10  }
0x10: {  	vm0 =	vmmov $0xffff;
	v1 =	vshrl.u32 v2, $0x3;
	s11 =	simm.s32 $0x4;
	s10 =	simm.s32 $0x0;
	[dreg:$0x5] =	wrdreg s25  }
0x11: {  	v0 =	vand.u32 $0x7, v2;
	v2 =	vor.u32 $0x8, v2;
	v1 =	vmul.u32 $0x8, v1;
	[dreg:$0x6] =	wrdreg s26;
	s25 =	simm.s32 $0x9200;
	s26 =	simm.s32 $0x9A00  }
.LBB2_1:
0x12: {  	[dreg:$0x8] =	wrdreg s10  }
0x13: {  	s1 =	rddreg [dreg:$0x3];
	s18 =	simm.s32 $0x7  }
0x14: {  	[tilespmem:s3], [sflag:$0x7] =	stream.linear.gather [hbm4b:s1+s3], $0x28, $0x38;
	[tilespmem:$0xF200] =	vst v63  }
0x15: {  	_ =	swait.ge [sflag:s18], $0x28  }
0x16: {  	[sflag:s18] =	ssyncset.done $0x0  }
0x17: {  	s12 =	simm.s32 $0x100;
	s19 =	rddreg [dreg:$0x4];
	[sflag:s18] =	ssyncadd.s32 $0xFFFFFFD8  }
0x18: {  	[tilespmem:s12], [sflag:$0x7] =	stream.linear.gather [hbm4b:s19+s3], $0x28, $0x38;
	[tilespmem:$0xF200] =	vst v63  }
0x19: {  	_ =	swait.ge [sflag:s18], $0x28  }
0x1a: {  	[sflag:s18] =	ssyncset.done $0x0  }
0x1b: {  	[sflag:s18] =	ssyncadd.s32 $0xFFFFFFD8  }
0x1c: {  	v3 =	vld [tilespmem:$0x0];
	_ =	sdelay $0x4  }
0x1d: {  	v4 =	vshll.u32 v3, $0x1  }
0x1e: {  	v3 =	vand.u32 $0x7, v3;
	v4 =	vand.u32 $0xFFFFFFF0, v4  }
0x1f: {  	v3 =	vor.u32 v3, v4  }
0x20: {  	v4 =	vperm.xlane v3, v0;
	_ =	sdelay $0x1  }
0x21: {  	v3 =	vperm.xlane v3, v2;
	v4 =	vadd.s32 v1, v4;
	_ =	sdelay $0x1  }
0x22: {  	v3 =	vadd.s32 v1, v3;
	_ =	sdelay $0x1  }
0x23: {  	s10 =	simm.s32 $0x200  }
0x24: {  	[tilespmem:s10], [sflag:$0x1] =	stream.indirect_vreg.gather [hbm4b:s4+s3], $0x80, v4, vm0, $0xb8;
	[tilespmem:$0xF200] =	vst v63  }
0x25: {  	s12 =	simm.s32 $0xA00  }
0x26: {  	[tilespmem:s12], [sflag:$0x1] =	stream.indirect_vreg.gather [hbm4b:s4+s3], $0x80, v3, vm0, $0xb8;
	[tilespmem:$0xF200] =	vst v63  }
0x27: {  	v3 =	vld [tilespmem:$0x10];
	_ =	sdelay $0x4  }
0x28: {  	v59 =	vshll.u32 v3, $0x1  }
0x29: {  	v3 =	vand.u32 $0x7, v3;
	v4 =	vand.u32 $0xFFFFFFF0, v59  }
0x2a: {  	v3 =	vor.u32 v3, v4  }
0x2b: {  	v4 =	vperm.xlane v3, v0;
	_ =	sdelay $0x1  }
0x2c: {  	v3 =	vperm.xlane v3, v2;
	v4 =	vadd.s32 v1, v4;
	_ =	sdelay $0x1  }
0x2d: {  	v3 =	vadd.s32 v1, v3;
	_ =	sdelay $0x1  }
0x2e: {  	s13 =	simm.s32 $0x1200  }
0x2f: {  	[tilespmem:s13], [sflag:$0x1] =	stream.indirect_vreg.gather [hbm4b:s4+s3], $0x80, v4, vm0, $0xb8;
	[tilespmem:$0xF200] =	vst v63  }
0x30: {  	s16 =	simm.s32 $0x1A00  }
0x31: {  	[tilespmem:s16], [sflag:$0x1] =	stream.indirect_vreg.gather [hbm4b:s4+s3], $0x80, v3, vm0, $0xb8;
	[tilespmem:$0xF200] =	vst v63  }
0x32: {  	v3 =	vld.msk [tilespmem:$0x20], $0xff;
	_ =	sdelay $0x4  }
0x33: {  	v60 =	vshll.u32 v3, $0x1  }
0x34: {  	v3 =	vand.u32 $0x7, v3;
	v4 =	vand.u32 $0xFFFFFFF0, v60  }
0x35: {  	v3 =	vor.u32 v3, v4  }
0x36: {  	v3 =	vperm.xlane v3, v0;
	_ =	sdelay $0x1  }
0x37: {  	v3 =	vadd.s32 v1, v3;
	_ =	sdelay $0x3  }
0x38: {  	s17 =	simm.s32 $0x2200  }
0x39: {  	[tilespmem:s17], [sflag:$0x1] =	stream.indirect_vreg.gather [hbm4b:s4+s3], $0x80, v3, vm0, $0xb8;
	[tilespmem:$0xF200] =	vst v63  }
0x3a: {  	v3 =	vld [tilespmem:$0x100];
	_ =	sdelay $0x4  }
0x3b: {  	v61 =	vshll.u32 v3, $0x1  }
0x3c: {  	v3 =	vand.u32 $0x7, v3;
	v4 =	vand.u32 $0xFFFFFFF0, v61  }
0x3d: {  	v3 =	vor.u32 v3, v4  }
0x3e: {  	v4 =	vperm.xlane v3, v0;
	_ =	sdelay $0x1  }
0x3f: {  	v3 =	vperm.xlane v3, v2;
	v4 =	vadd.s32 v1, v4;
	_ =	sdelay $0x1  }
0x40: {  	v3 =	vadd.s32 v1, v3;
	_ =	sdelay $0x1  }
0x41: {  	s18 =	simm.s32 $0x5200  }
0x42: {  	[tilespmem:s18], [sflag:$0x1] =	stream.indirect_vreg.gather [hbm4b:s6+s3], $0x80, v4, vm0, $0xb8;
	[tilespmem:$0xF200] =	vst v63  }
0x43: {  	s19 =	simm.s32 $0x5A00  }
0x44: {  	[tilespmem:s19], [sflag:$0x1] =	stream.indirect_vreg.gather [hbm4b:s6+s3], $0x80, v3, vm0, $0xb8;
	[tilespmem:$0xF200] =	vst v63  }
0x45: {  	v3 =	vld [tilespmem:$0x110];
	_ =	sdelay $0x4  }
0x46: {  	v62 =	vshll.u32 v3, $0x1  }
0x47: {  	v3 =	vand.u32 $0x7, v3;
	v4 =	vand.u32 $0xFFFFFFF0, v62  }
0x48: {  	v3 =	vor.u32 v3, v4  }
0x49: {  	v4 =	vperm.xlane v3, v0;
	_ =	sdelay $0x1  }
0x4a: {  	v3 =	vperm.xlane v3, v2;
	v4 =	vadd.s32 v1, v4;
	_ =	sdelay $0x1  }
0x4b: {  	v3 =	vadd.s32 v1, v3;
	_ =	sdelay $0x1  }
0x4c: {  	s10 =	simm.s32 $0x6200  }
0x4d: {  	[tilespmem:s10], [sflag:$0x1] =	stream.indirect_vreg.gather [hbm4b:s6+s3], $0x80, v4, vm0, $0xb8;
	[tilespmem:$0xF200] =	vst v63  }
0x4e: {  	s12 =	simm.s32 $0x6A00  }
0x4f: {  	[tilespmem:s12], [sflag:$0x1] =	stream.indirect_vreg.gather [hbm4b:s6+s3], $0x80, v3, vm0, $0xb8;
	[tilespmem:$0xF200] =	vst v63  }
0x50: {  	v3 =	vld.msk [tilespmem:$0x120], $0xff;
	_ =	sdelay $0x4  }
0x51: {  	v63 =	vshll.u32 v3, $0x1  }
0x52: {  	v3 =	vand.u32 $0x7, v3;
	v4 =	vand.u32 $0xFFFFFFF0, v63  }
0x53: {  	v3 =	vor.u32 v3, v4  }
0x54: {  	v3 =	vperm.xlane v3, v0;
	_ =	sdelay $0x1  }
0x55: {  	v3 =	vadd.s32 v1, v3;
	_ =	sdelay $0x3  }
0x56: {  	s13 =	simm.s32 $0x7200  }
0x57: {  	[tilespmem:s13], [sflag:$0x1] =	stream.indirect_vreg.gather [hbm4b:s6+s3], $0x80, v3, vm0, $0xb8;
	[tilespmem:$0xF200] =	vst v63  }
0x58: {  	s16 =	rddreg [dreg:$0x5];
	s17 =	simm.s32 $0x80  }
0x59: {  	[tilespmem:s17], [sflag:$0x6] =	stream.linear.gather [hbm4b:s16+s3], $0x28, $0x38;
	[tilespmem:$0xF200] =	vst v63  }
0x5a: {  	s18 =	rddreg [dreg:$0x6];
	s19 =	simm.s32 $0x180;
	s13 =	simm.s32 $0x0  }
0x5b: {  	[tilespmem:s19], [sflag:$0x6] =	stream.linear.gather [hbm4b:s18+s3], $0x28, $0x38;
	[tilespmem:$0xF200] =	vst v63  }
.LBB2_2:
0x5c: {  	_ =	swait.ge [sflag:s0], $0x28  }
0x5d: {  	[sflag:s0] =	ssyncset.done $0x0  }
0x5e: {  	[sflag:s0] =	ssyncadd.s32 $0xFFFFFFD8  }
0x5f: {  	_ =	swait.ge [sflag:s0], $0x28  }
0x60: {  	[sflag:s0] =	ssyncset.done $0x0  }
0x61: {  	[sflag:s0] =	ssyncadd.s32 $0xFFFFFFD8  }
0x62: {  	v3 =	vld [tilespmem:$0x80];
	_ =	sdelay $0x4  }
0x63: {  	v4 =	vshll.u32 v3, $0x1  }
0x64: {  	v3 =	vand.u32 $0x7, v3;
	v4 =	vand.u32 $0xFFFFFFF0, v4  }
0x65: {  	v3 =	vor.u32 v3, v4  }
0x66: {  	v4 =	vperm.xlane v3, v0;
	_ =	sdelay $0x1  }
0x67: {  	v3 =	vperm.xlane v3, v2;
	v4 =	vadd.s32 v1, v4;
	_ =	sdelay $0x1  }
0x68: {  	v3 =	vadd.s32 v1, v3;
	_ =	sdelay $0x1  }
0x69: {  	s1 =	simm.s32 $0x2A00  }
0x6a: {  	[tilespmem:s1], [sflag:$0x2] =	stream.indirect_vreg.gather [hbm4b:s4+s3], $0x80, v4, vm0, $0xb8;
	[tilespmem:$0xF200] =	vst v63  }
0x6b: {  	s12 =	simm.s32 $0x3200  }
0x6c: {  	[tilespmem:s12], [sflag:$0x2] =	stream.indirect_vreg.gather [hbm4b:s4+s3], $0x80, v3, vm0, $0xb8;
	[tilespmem:$0xF200] =	vst v63  }
0x6d: {  	v3 =	vld [tilespmem:$0x90];
	_ =	sdelay $0x4  }
0x6e: {  	v4 =	vshll.u32 v3, $0x1  }
0x6f: {  	v3 =	vand.u32 $0x7, v3;
	v4 =	vand.u32 $0xFFFFFFF0, v4  }
0x70: {  	v3 =	vor.u32 v3, v4  }
0x71: {  	v4 =	vperm.xlane v3, v0;
	_ =	sdelay $0x1  }
0x72: {  	v3 =	vperm.xlane v3, v2;
	v4 =	vadd.s32 v1, v4;
	_ =	sdelay $0x1  }
0x73: {  	v3 =	vadd.s32 v1, v3;
	_ =	sdelay $0x1  }
0x74: {  	s16 =	simm.s32 $0x3A00  }
0x75: {  	[tilespmem:s16], [sflag:$0x2] =	stream.indirect_vreg.gather [hbm4b:s4+s3], $0x80, v4, vm0, $0xb8;
	[tilespmem:$0xF200] =	vst v63  }
0x76: {  	_ = 	snop  }
0x77: {  	[tilespmem:s20], [sflag:$0x2] =	stream.indirect_vreg.gather [hbm4b:s4+s3], $0x80, v3, vm0, $0xb8;
	[tilespmem:$0xF200] =	vst v63  }
0x78: {  	v3 =	vld.msk [tilespmem:$0xA0], $0xff;
	_ =	sdelay $0x4  }
0x79: {  	v4 =	vshll.u32 v3, $0x1  }
0x7a: {  	v3 =	vand.u32 $0x7, v3;
	v4 =	vand.u32 $0xFFFFFFF0, v4  }
0x7b: {  	v3 =	vor.u32 v3, v4  }
0x7c: {  	v3 =	vperm.xlane v3, v0;
	_ =	sdelay $0x1  }
0x7d: {  	v3 =	vadd.s32 v1, v3;
	_ =	sdelay $0x4  }
0x7e: {  	[tilespmem:s21], [sflag:$0x2] =	stream.indirect_vreg.gather [hbm4b:s4+s3], $0x80, v3, vm0, $0xb8;
	[tilespmem:$0xF200] =	vst v63  }
0x7f: {  	v3 =	vld [tilespmem:$0x180];
	_ =	sdelay $0x4  }
0x80: {  	v4 =	vshll.u32 v3, $0x1  }
0x81: {  	v3 =	vand.u32 $0x7, v3;
	v4 =	vand.u32 $0xFFFFFFF0, v4  }
0x82: {  	v3 =	vor.u32 v3, v4  }
0x83: {  	v4 =	vperm.xlane v3, v0;
	_ =	sdelay $0x1  }
0x84: {  	v3 =	vperm.xlane v3, v2;
	v4 =	vadd.s32 v1, v4;
	_ =	sdelay $0x1  }
0x85: {  	v3 =	vadd.s32 v1, v3;
	_ =	sdelay $0x2  }
0x86: {  	[tilespmem:s22], [sflag:$0x2] =	stream.indirect_vreg.gather [hbm4b:s6+s3], $0x80, v4, vm0, $0xb8;
	[tilespmem:$0xF200] =	vst v63  }
0x87: {  	_ = 	snop  }
0x88: {  	[tilespmem:s23], [sflag:$0x2] =	stream.indirect_vreg.gather [hbm4b:s6+s3], $0x80, v3, vm0, $0xb8;
	[tilespmem:$0xF200] =	vst v63  }
0x89: {  	v3 =	vld [tilespmem:$0x190];
	_ =	sdelay $0x4  }
0x8a: {  	v4 =	vshll.u32 v3, $0x1  }
0x8b: {  	v3 =	vand.u32 $0x7, v3;
	v4 =	vand.u32 $0xFFFFFFF0, v4  }
0x8c: {  	v3 =	vor.u32 v3, v4  }
0x8d: {  	v4 =	vperm.xlane v3, v0;
	_ =	sdelay $0x1  }
0x8e: {  	v3 =	vperm.xlane v3, v2;
	v4 =	vadd.s32 v1, v4;
	_ =	sdelay $0x1  }
0x8f: {  	v3 =	vadd.s32 v1, v3;
	_ =	sdelay $0x2  }
0x90: {  	[tilespmem:s24], [sflag:$0x2] =	stream.indirect_vreg.gather [hbm4b:s6+s3], $0x80, v4, vm0, $0xb8;
	[tilespmem:$0xF200] =	vst v63  }
0x91: {  	_ = 	snop  }
0x92: {  	[tilespmem:s25], [sflag:$0x2] =	stream.indirect_vreg.gather [hbm4b:s6+s3], $0x80, v3, vm0, $0xb8;
	[tilespmem:$0xF200] =	vst v63  }
0x93: {  	v3 =	vld.msk [tilespmem:$0x1A0], $0xff;
	_ =	sdelay $0x4  }
0x94: {  	v4 =	vshll.u32 v3, $0x1  }
0x95: {  	v3 =	vand.u32 $0x7, v3;
	v4 =	vand.u32 $0xFFFFFFF0, v4  }
0x96: {  	v3 =	vor.u32 v3, v4  }
0x97: {  	v3 =	vperm.xlane v3, v0;
	_ =	sdelay $0x1  }
0x98: {  	v3 =	vadd.s32 v1, v3;
	_ =	sdelay $0x2  }
0x99: {  	p0 =	seq.s32 s13, $0x0  }
0x9a: {  	s1 =	simm.s32 @!p0 $0x3  }
0x9b: {  	[tilespmem:s26], [sflag:$0x2] =	stream.indirect_vreg.gather [hbm4b:s6+s3], $0x80, v3, vm0, $0xb8;
	[tilespmem:$0xF200] =	vst v63  }
0x9c: {  	_ =	swait.ge @!p0 [sflag:s1], $0x2800  }
0x9d: {  	[sflag:s1] =	ssyncset.done @!p0 $0x0  }
0x9e: {  	[sflag:s1] =	ssyncadd.s32 @!p0 $0xFFFFD800  }
0x9f: {  	_ =	swait.ge [sflag:s28], $0x2800  }
0xa0: {  	s10 =	smul.u32 $0x50, s13;
	[sflag:s28] =	ssyncset.done $0x0  }
0xa1: {  	p0 =	seq.s32 s13, $0x7C;
	[sflag:s28] =	ssyncadd.s32 $0xFFFFD800  }
0xa2: {  	s1 =	sadd.s32 @!p0 s10, s14;
	_ =	swait.ge [sflag:s28], $0x2800  }
0xa3: {  	s1 =	sshrl.u32 @!p0 s1, $0x3;
	[sflag:s28] =	ssyncset.done $0x0  }
0xa4: {  	s16 =	simm.s32 @!p0 $0x0;
	s12 =	sadd.s32 @!p0 s7, s1;
	[sflag:s28] =	ssyncadd.s32 $0xFFFFD800  }
0xa5: {  	[tilespmem:s16], [sflag:$0x5] =	stream.linear.gather @!p0 [hbm4b:s12+s16], $0x28, $0x38;
	[tilespmem:$0xF200] =	vst v63  }
0xa6: {  	s17 =	simm.s32 $0x0;
	s1 =	sadd.s32 @!p0 s2, s1;
	s12 =	simm.s32 @!p0 $0x100  }
0xa7: {  	[tilespmem:s12], [sflag:$0x5] =	stream.linear.gather @!p0 [hbm4b:s1+s16], $0x28, $0x38;
	[tilespmem:$0xF200] =	vst v63  }
0xa8: {  	s18 =	sand.u32 $0x3800, s17;
	s1 =	sand.u32 $0x380, s17  }
0xa9: {  	s17 =	sor.u32 s1, s18  }
0xaa: {  	v3 =	vld [tilespmem:s17+$0x670]  }
0xab: {  	v4 =	vld [tilespmem:s17+$0x5670]  }
0xac: {  	v5 =	vld [tilespmem:s17+$0x200]  }
0xad: {  	v6 =	vld [tilespmem:s17+$0x5200]  }
0xae: {  	v7 =	vld [tilespmem:s17+$0x210]  }
0xaf: {  	v8 =	vld [tilespmem:s17+$0x5210]  }
0xb0: {  	v9 =	vld [tilespmem:s17+$0x220]  }
0xb1: {  	v10 =	vld [tilespmem:s17+$0x230];
	v3 =	vadd.f32 v4, v3  }
0xb2: {  	v4 =	vld [tilespmem:s17+$0x5220]  }
0xb3: {  	v5 =	vadd.f32 v6, v5;
	[tilespmem:s17+$0xA670] =	vst v3;
	v3 =	vld [tilespmem:s17+$0x5230]  }
0xb4: {  	v6 =	vld [tilespmem:s17+$0x240]  }
0xb5: {  	[tilespmem:s17+$0xA200] =	vst v5;
	v5 =	vadd.f32 v8, v7;
	v7 =	vld [tilespmem:s17+$0x5240]  }
0xb6: {  	v8 =	vld [tilespmem:s17+$0x5250]  }
0xb7: {  	[tilespmem:s17+$0xA210] =	vst v5;
	v5 =	vld [tilespmem:s17+$0x250];
	v4 =	vadd.f32 v4, v9  }
0xb8: {  	v9 =	vld [tilespmem:s17+$0x5260];
	v3 =	vadd.f32 v3, v10  }
0xb9: {  	[tilespmem:s17+$0xA220] =	vst v4;
	v4 =	vld [tilespmem:s17+$0x260]  }
0xba: {  	[tilespmem:s17+$0xA230] =	vst v3;
	v3 =	vadd.f32 v7, v6;
	v6 =	vld [tilespmem:s17+$0x270]  }
0xbb: {  	v7 =	vld [tilespmem:s17+$0x5270]  }
0xbc: {  	[tilespmem:s17+$0xA240] =	vst v3;
	v3 =	vadd.f32 v8, v5;
	v5 =	vld [tilespmem:s17+$0x600]  }
0xbd: {  	v8 =	vld [tilespmem:s17+$0x5600]  }
0xbe: {  	[tilespmem:s17+$0xA250] =	vst v3;
	v3 =	vadd.f32 v9, v4;
	v4 =	vld [tilespmem:s17+$0x610]  }
0xbf: {  	v9 =	vld [tilespmem:s17+$0x5610]  }
0xc0: {  	[tilespmem:s17+$0xA260] =	vst v3;
	v3 =	vadd.f32 v7, v6;
	v6 =	vld [tilespmem:s17+$0x620]  }
0xc1: {  	v7 =	vld [tilespmem:s17+$0x5620]  }
0xc2: {  	v10 =	vld [tilespmem:s17+$0x5630]  }
0xc3: {  	[tilespmem:s17+$0xA270] =	vst v3;
	v3 =	vadd.f32 v8, v5;
	v8 =	vld [tilespmem:s17+$0x630]  }
0xc4: {  	v5 =	vld [tilespmem:s17+$0x5640];
	v4 =	vadd.f32 v9, v4  }
0xc5: {  	[tilespmem:s17+$0xA600] =	vst v3;
	v3 =	vld [tilespmem:s17+$0x640]  }
0xc6: {  	[tilespmem:s17+$0xA610] =	vst v4;
	v7 =	vadd.f32 v7, v6;
	v4 =	vld [tilespmem:s17+$0x650]  }
0xc7: {  	s19 =	simm.s32 $0x100;
	s12 =	simm.s32 $0x80;
	v6 =	vld [tilespmem:s17+$0x5650]  }
0xc8: {  	s1 =	sand.u32 $0x3800, s19;
	s18 =	sand.u32 $0x380, s12;
	[tilespmem:s17+$0xA620] =	vst v7;
	v7 =	vld [tilespmem:s17+$0x660];
	v9 =	vadd.f32 v10, v8  }
0xc9: {  	s16 =	sadd.s32 s10, s9;
	s18 =	sor.u32 s18, s1;
	s1 =	simm.s32 $0x200;
	v8 =	vld [tilespmem:s17+$0x5660]  }
.LBB2_3:
0xca: {  	p1 =	sne.s32 s1, $0x2700;
	v10 =	vld [tilespmem:s18+$0x670];
	[tilespmem:s17+$0xA630] =	vst v9;
	v3 =	vadd.f32 v5, v3  }
0xcb: {  	v5 =	vld [tilespmem:s18+$0x5670]  }
0xcc: {  	v9 =	vld [tilespmem:s18+$0x200];
	[tilespmem:s17+$0xA640] =	vst v3;
	v3 =	vadd.f32 v6, v4  }
0xcd: {  	v4 =	vld [tilespmem:s18+$0x5200]  }
0xce: {  	v6 =	vld [tilespmem:s18+$0x210];
	[tilespmem:s17+$0xA650] =	vst v3;
	v3 =	vadd.f32 v8, v7  }
0xcf: {  	v7 =	vld [tilespmem:s18+$0x5210]  }
0xd0: {  	v8 =	vld [tilespmem:s18+$0x220];
	v5 =	vadd.f32 v5, v10;
	[tilespmem:s17+$0xA660] =	vst v3;
	s17 =	smov.u32 s18  }
0xd1: {  	v3 =	vld [tilespmem:s17+$0x5220]  }
0xd2: {  	v4 =	vadd.f32 v4, v9;
	v9 =	vld [tilespmem:s17+$0x230];
	[tilespmem:s17+$0xA670] =	vst v5  }
0xd3: {  	v5 =	vld [tilespmem:s17+$0x5230]  }
0xd4: {  	[tilespmem:s17+$0xA200] =	vst v4;
	v4 =	vadd.f32 v7, v6;
	v6 =	vld [tilespmem:s17+$0x240]  }
0xd5: {  	v7 =	vld [tilespmem:s17+$0x5240]  }
0xd6: {  	[tilespmem:s17+$0xA210] =	vst v4;
	v3 =	vadd.f32 v3, v8;
	v4 =	vld [tilespmem:s17+$0x250]  }
0xd7: {  	v8 =	vld [tilespmem:s17+$0x5250]  }
0xd8: {  	[tilespmem:s17+$0xA220] =	vst v3;
	v3 =	vadd.f32 v5, v9;
	v5 =	vld [tilespmem:s17+$0x260]  }
0xd9: {  	v9 =	vld [tilespmem:s17+$0x5260]  }
0xda: {  	[tilespmem:s17+$0xA230] =	vst v3;
	v3 =	vadd.f32 v7, v6;
	v6 =	vld [tilespmem:s17+$0x270]  }
0xdb: {  	v7 =	vld [tilespmem:s17+$0x5270]  }
0xdc: {  	[tilespmem:s17+$0xA240] =	vst v3;
	v3 =	vadd.f32 v8, v4;
	v4 =	vld [tilespmem:s17+$0x600]  }
0xdd: {  	v8 =	vld [tilespmem:s17+$0x5600]  }
0xde: {  	[tilespmem:s17+$0xA250] =	vst v3;
	v3 =	vadd.f32 v9, v5;
	v5 =	vld [tilespmem:s17+$0x610]  }
0xdf: {  	v9 =	vld [tilespmem:s17+$0x5610]  }
0xe0: {  	[tilespmem:s17+$0xA260] =	vst v3;
	v3 =	vadd.f32 v7, v6;
	v6 =	vld [tilespmem:s17+$0x620]  }
0xe1: {  	v7 =	vld [tilespmem:s17+$0x5620]  }
0xe2: {  	[tilespmem:s17+$0xA270] =	vst v3;
	v3 =	vadd.f32 v8, v4;
	v8 =	vld [tilespmem:s17+$0x630]  }
0xe3: {  	v10 =	vld [tilespmem:s17+$0x5630]  }
0xe4: {  	[tilespmem:s17+$0xA600] =	vst v3;
	v4 =	vadd.f32 v9, v5;
	v3 =	vld [tilespmem:s17+$0x640]  }
.Ltmp0:
0xe5: {  	v5 =	vld [tilespmem:s17+$0x5640];
	(pc) =	sbr.rel @p1 .LBB2_3-.Ltmp0, $4  }
0xe6: {  	[tilespmem:s17+$0xA610] =	vst v4;
	v7 =	vadd.f32 v7, v6;
	v4 =	vld [tilespmem:s17+$0x650]  }
0xe7: {  	s12 =	sadd.s32 $0x80, s12;
	v6 =	vld [tilespmem:s17+$0x5650]  }
0xe8: {  	s19 =	sand.u32 $0x380, s12;
	s18 =	sand.u32 $0x3800, s1;
	[tilespmem:s17+$0xA620] =	vst v7;
	v9 =	vadd.f32 v10, v8;
	v7 =	vld [tilespmem:s17+$0x660]  }
0xe9: {  	s1 =	sadd.s32 $0x100, s1;
	s18 =	sor.u32 s19, s18;
	v8 =	vld [tilespmem:s17+$0x5660]  }
0xea: {  	v10 =	vld [tilespmem:s18+$0x670];
	[tilespmem:s17+$0xA630] =	vst v9;
	v3 =	vadd.f32 v5, v3  }
0xeb: {  	v5 =	vld [tilespmem:s18+$0x5670]  }
0xec: {  	v9 =	vld [tilespmem:s18+$0x200];
	[tilespmem:s17+$0xA640] =	vst v3;
	v3 =	vadd.f32 v6, v4  }
0xed: {  	v4 =	vld [tilespmem:s18+$0x5200]  }
0xee: {  	v6 =	vld [tilespmem:s18+$0x210];
	[tilespmem:s17+$0xA650] =	vst v3;
	v3 =	vadd.f32 v8, v7  }
0xef: {  	v7 =	vld [tilespmem:s18+$0x5210]  }
0xf0: {  	v8 =	vld [tilespmem:s18+$0x220];
	[tilespmem:s17+$0xA660] =	vst v3  }
0xf1: {  	v3 =	vadd.f32 v5, v10;
	v5 =	vld [tilespmem:s18+$0x5220]  }
0xf2: {  	v10 =	vld [tilespmem:s18+$0x230]  }
0xf3: {  	v4 =	vadd.f32 v4, v9;
	[tilespmem:s18+$0xA670] =	vst v3;
	v3 =	vld [tilespmem:s18+$0x5230]  }
0xf4: {  	v9 =	vld [tilespmem:s18+$0x5260]  }
0xf5: {  	[tilespmem:s18+$0xA200] =	vst v4;
	v4 =	vadd.f32 v7, v6;
	v6 =	vld [tilespmem:s18+$0x240]  }
0xf6: {  	v7 =	vld [tilespmem:s18+$0x5240]  }
0xf7: {  	[tilespmem:s18+$0xA210] =	vst v4;
	v4 =	vadd.f32 v5, v8;
	v5 =	vld [tilespmem:s18+$0x250]  }
0xf8: {  	v8 =	vld [tilespmem:s18+$0x5250]  }
0xf9: {  	v3 =	vadd.f32 v3, v10;
	v10 =	vld [tilespmem:s18+$0x5660]  }
0xfa: {  	[tilespmem:s18+$0xA220] =	vst v4;
	v4 =	vld [tilespmem:s18+$0x260]  }
0xfb: {  	[tilespmem:s18+$0xA230] =	vst v3;
	v3 =	vadd.f32 v7, v6;
	v6 =	vld [tilespmem:s18+$0x270]  }
0xfc: {  	v7 =	vld [tilespmem:s18+$0x5270]  }
0xfd: {  	[tilespmem:s18+$0xA240] =	vst v3;
	v3 =	vadd.f32 v8, v5;
	v5 =	vld [tilespmem:s18+$0x600]  }
0xfe: {  	v8 =	vld [tilespmem:s18+$0x5600]  }
0xff: {  	[tilespmem:s18+$0xA250] =	vst v3;
	v3 =	vadd.f32 v9, v4;
	v4 =	vld [tilespmem:s18+$0x610]  }
0x100: {  	v9 =	vld [tilespmem:s18+$0x5610]  }
0x101: {  	[tilespmem:s18+$0xA260] =	vst v3;
	v3 =	vadd.f32 v7, v6;
	v6 =	vld [tilespmem:s18+$0x620]  }
0x102: {  	v7 =	vld [tilespmem:s18+$0x5620]  }
0x103: {  	[tilespmem:s18+$0xA270] =	vst v3;
	v3 =	vadd.f32 v8, v5;
	v5 =	vld [tilespmem:s18+$0x630]  }
0x104: {  	v8 =	vld [tilespmem:s18+$0x5630]  }
0x105: {  	[tilespmem:s18+$0xA600] =	vst v3;
	v3 =	vadd.f32 v9, v4;
	v4 =	vld [tilespmem:s18+$0x640]  }
0x106: {  	v9 =	vld [tilespmem:s18+$0x5640]  }
0x107: {  	[tilespmem:s18+$0xA610] =	vst v3;
	v3 =	vadd.f32 v7, v6;
	v6 =	vld [tilespmem:s18+$0x650]  }
0x108: {  	v7 =	vld [tilespmem:s18+$0x5650]  }
0x109: {  	[tilespmem:s18+$0xA620] =	vst v3;
	v3 =	vld [tilespmem:s18+$0x660];
	_ =	sdelay $0x1  }
0x10a: {  	v5 =	vadd.f32 v8, v5  }
0x10b: {  	v4 =	vadd.f32 v9, v4  }
0x10c: {  	[tilespmem:s18+$0xA630] =	vst v5;
	v5 =	vadd.f32 v7, v6  }
0x10d: {  	s1 =	sadd.s32 s5, s10;
	[tilespmem:s18+$0xA640] =	vst v4;
	v3 =	vadd.f32 v10, v3  }
0x10e: {  	s1 =	sshll.u32 s1, $0x5;
	[tilespmem:s18+$0xA650] =	vst v5  }
0x10f: {  	s1 =	sadd.s32 s8, s1;
	[tilespmem:s18+$0xA660] =	vst v3  }
0x110: {  	[hbm4b:s1+s3] =	stream.linear.scatter [tilespmem:s29], [sflag:$0x3], $0x2800, $0x38;
	[tilespmem:$0xF200] =	vst v63  }
0x111: {  	s1 =	simm.s32 @!p0 $0x5  }
0x112: {  	_ =	swait.ge @!p0 [sflag:s1], $0x28  }
0x113: {  	[sflag:s1] =	ssyncset.done @!p0 $0x0  }
0x114: {  	[sflag:s1] =	ssyncadd.s32 @!p0 $0xFFFFFFD8  }
0x115: {  	_ =	swait.ge @!p0 [sflag:s1], $0x28  }
0x116: {  	[sflag:s1] =	ssyncset.done @!p0 $0x0  }
0x117: {  	[sflag:s1] =	ssyncadd.s32 @!p0 $0xFFFFFFD8  }
0x118: {  	v3 =	vld @!p0 [tilespmem:$0x0];
	_ =	sdelay $0x4  }
0x119: {  	v4 =	vshll.u32 @!p0 v3, $0x1  }
0x11a: {  	v5 =	vlaneseq.u32 @!p0;
	v3 =	vand.u32 @!p0 $0x7, v3;
	v4 =	vand.u32 @!p0 $0xFFFFFFF0, v4  }
0x11b: {  	v6 =	vshrl.u32 @!p0 v5, $0x3;
	v3 =	vor.u32 @!p0 v3, v4;
	v4 =	vand.u32 @!p0 $0x7, v5  }
0x11c: {  	v6 =	vmul.u32 @!p0 $0x8, v6;
	v7 =	vperm.xlane @!p0 v3, v4  }
0x11d: {  	v5 =	vor.u32 @!p0 $0x8, v5  }
0x11e: {  	v3 =	vperm.xlane @!p0 v3, v5;
	v7 =	vadd.s32 @!p0 v6, v7;
	_ =	sdelay $0x1  }
0x11f: {  	v3 =	vadd.s32 @!p0 v6, v3;
	_ =	sdelay $0x1  }
0x120: {  	vm1 =	vmmov @!p0 $0xffff;
	s12 =	simm.s32 @!p0 $0x200;
	s1 =	simm.s32 @!p0 $0x0  }
0x121: {  	[tilespmem:s12], [sflag:$0x1] =	stream.indirect_vreg.gather @!p0 [hbm4b:s4+s1], $0x80, v7, vm1, $0xb8;
	[tilespmem:$0xF200] =	vst v63  }
0x122: {  	s12 =	simm.s32 @!p0 $0xA00  }
0x123: {  	[tilespmem:s12], [sflag:$0x1] =	stream.indirect_vreg.gather @!p0 [hbm4b:s4+s1], $0x80, v3, vm1, $0xb8;
	[tilespmem:$0xF200] =	vst v63  }
0x124: {  	v3 =	vld @!p0 [tilespmem:$0x10];
	_ =	sdelay $0x4  }
0x125: {  	v7 =	vshll.u32 @!p0 v3, $0x1  }
0x126: {  	v3 =	vand.u32 @!p0 $0x7, v3;
	v7 =	vand.u32 @!p0 $0xFFFFFFF0, v7  }
0x127: {  	v3 =	vor.u32 @!p0 v3, v7  }
0x128: {  	v7 =	vperm.xlane @!p0 v3, v4;
	_ =	sdelay $0x1  }
0x129: {  	v3 =	vperm.xlane @!p0 v3, v5;
	v7 =	vadd.s32 @!p0 v6, v7;
	_ =	sdelay $0x1  }
0x12a: {  	v3 =	vadd.s32 @!p0 v6, v3;
	_ =	sdelay $0x1  }
0x12b: {  	s12 =	simm.s32 @!p0 $0x1200  }
0x12c: {  	[tilespmem:s12], [sflag:$0x1] =	stream.indirect_vreg.gather @!p0 [hbm4b:s4+s1], $0x80, v7, vm1, $0xb8;
	[tilespmem:$0xF200] =	vst v63  }
0x12d: {  	s12 =	simm.s32 @!p0 $0x1A00  }
0x12e: {  	[tilespmem:s12], [sflag:$0x1] =	stream.indirect_vreg.gather @!p0 [hbm4b:s4+s1], $0x80, v3, vm1, $0xb8;
	[tilespmem:$0xF200] =	vst v63  }
0x12f: {  	v3 =	vld.msk @!p0 [tilespmem:$0x20], $0xff;
	_ =	sdelay $0x4  }
0x130: {  	v7 =	vshll.u32 @!p0 v3, $0x1  }
0x131: {  	v3 =	vand.u32 @!p0 $0x7, v3;
	v7 =	vand.u32 @!p0 $0xFFFFFFF0, v7  }
0x132: {  	v3 =	vor.u32 @!p0 v3, v7  }
0x133: {  	v3 =	vperm.xlane @!p0 v3, v4;
	_ =	sdelay $0x1  }
0x134: {  	v3 =	vadd.s32 @!p0 v6, v3;
	_ =	sdelay $0x3  }
0x135: {  	s12 =	simm.s32 @!p0 $0x2200  }
0x136: {  	[tilespmem:s12], [sflag:$0x1] =	stream.indirect_vreg.gather @!p0 [hbm4b:s4+s1], $0x80, v3, vm1, $0xb8;
	[tilespmem:$0xF200] =	vst v63  }
0x137: {  	v3 =	vld @!p0 [tilespmem:$0x100];
	_ =	sdelay $0x4  }
0x138: {  	v7 =	vshll.u32 @!p0 v3, $0x1  }
0x139: {  	v3 =	vand.u32 @!p0 $0x7, v3;
	v7 =	vand.u32 @!p0 $0xFFFFFFF0, v7  }
0x13a: {  	v3 =	vor.u32 @!p0 v3, v7  }
0x13b: {  	v7 =	vperm.xlane @!p0 v3, v4;
	_ =	sdelay $0x1  }
0x13c: {  	v3 =	vperm.xlane @!p0 v3, v5;
	v7 =	vadd.s32 @!p0 v6, v7;
	_ =	sdelay $0x1  }
0x13d: {  	v3 =	vadd.s32 @!p0 v6, v3;
	_ =	sdelay $0x1  }
0x13e: {  	s12 =	simm.s32 @!p0 $0x5200  }
0x13f: {  	[tilespmem:s12], [sflag:$0x1] =	stream.indirect_vreg.gather @!p0 [hbm4b:s6+s1], $0x80, v7, vm1, $0xb8;
	[tilespmem:$0xF200] =	vst v63  }
0x140: {  	s12 =	simm.s32 @!p0 $0x5A00  }
0x141: {  	[tilespmem:s12], [sflag:$0x1] =	stream.indirect_vreg.gather @!p0 [hbm4b:s6+s1], $0x80, v3, vm1, $0xb8;
	[tilespmem:$0xF200] =	vst v63  }
0x142: {  	v3 =	vld @!p0 [tilespmem:$0x110];
	_ =	sdelay $0x4  }
0x143: {  	v7 =	vshll.u32 @!p0 v3, $0x1  }
0x144: {  	v3 =	vand.u32 @!p0 $0x7, v3;
	v7 =	vand.u32 @!p0 $0xFFFFFFF0, v7  }
0x145: {  	v3 =	vor.u32 @!p0 v3, v7  }
0x146: {  	v7 =	vperm.xlane @!p0 v3, v4;
	_ =	sdelay $0x1  }
0x147: {  	v3 =	vperm.xlane @!p0 v3, v5;
	v7 =	vadd.s32 @!p0 v6, v7;
	_ =	sdelay $0x1  }
0x148: {  	v3 =	vadd.s32 @!p0 v6, v3;
	_ =	sdelay $0x1  }
0x149: {  	s12 =	simm.s32 @!p0 $0x6200  }
0x14a: {  	[tilespmem:s12], [sflag:$0x1] =	stream.indirect_vreg.gather @!p0 [hbm4b:s6+s1], $0x80, v7, vm1, $0xb8;
	[tilespmem:$0xF200] =	vst v63  }
0x14b: {  	s12 =	simm.s32 @!p0 $0x6A00  }
0x14c: {  	[tilespmem:s12], [sflag:$0x1] =	stream.indirect_vreg.gather @!p0 [hbm4b:s6+s1], $0x80, v3, vm1, $0xb8;
	[tilespmem:$0xF200] =	vst v63  }
0x14d: {  	v3 =	vld.msk @!p0 [tilespmem:$0x120], $0xff;
	_ =	sdelay $0x4  }
0x14e: {  	v5 =	vshll.u32 @!p0 v3, $0x1  }
0x14f: {  	v3 =	vand.u32 @!p0 $0x7, v3;
	v5 =	vand.u32 @!p0 $0xFFFFFFF0, v5  }
0x150: {  	v3 =	vor.u32 @!p0 v3, v5  }
0x151: {  	v3 =	vperm.xlane @!p0 v3, v4;
	_ =	sdelay $0x1  }
0x152: {  	v3 =	vadd.s32 @!p0 v6, v3;
	_ =	sdelay $0x2  }
0x153: {  	p1 =	seq.s32 @!p0 s13, $0x0  }
0x154: {  	p1 =	por p0, !p1;
	s12 =	simm.s32 @!p0 $0x7200  }
0x155: {  	[tilespmem:s12], [sflag:$0x1] =	stream.indirect_vreg.gather @!p0 [hbm4b:s6+s1], $0x80, v3, vm1, $0xb8;
	[tilespmem:$0xF200] =	vst v63  }
0x156: {  	_ =	swait.ge @p1 [sflag:s11], $0x2800  }
0x157: {  	[sflag:s11] =	ssyncset.done @p1 $0x0  }
0x158: {  	[sflag:s11] =	ssyncadd.s32 @p1 $0xFFFFD800  }
0x159: {  	_ =	swait.ge [sflag:s30], $0x2800  }
0x15a: {  	[sflag:s30] =	ssyncset.done $0x0  }
0x15b: {  	[sflag:s30] =	ssyncadd.s32 $0xFFFFD800  }
0x15c: {  	s10 =	sadd.s32 @!p0 s10, s15;
	_ =	swait.ge [sflag:s30], $0x2800  }
0x15d: {  	s10 =	sshrl.u32 @!p0 s10, $0x3;
	[sflag:s30] =	ssyncset.done $0x0  }
0x15e: {  	s17 =	simm.s32 @!p0 $0x80;
	s12 =	sadd.s32 @!p0 s7, s10;
	[sflag:s30] =	ssyncadd.s32 $0xFFFFD800  }
0x15f: {  	[tilespmem:s17], [sflag:$0x6] =	stream.linear.gather @!p0 [hbm4b:s12+s1], $0x28, $0x38;
	[tilespmem:$0xF200] =	vst v63  }
0x160: {  	s10 =	sadd.s32 @!p0 s2, s10;
	s12 =	simm.s32 @!p0 $0x180  }
0x161: {  	[tilespmem:s12], [sflag:$0x6] =	stream.linear.gather @!p0 [hbm4b:s10+s1], $0x28, $0x38;
	[tilespmem:$0xF200] =	vst v63  }
0x162: {  	s12 =	simm.s32 $0x0  }
0x163: {  	s17 =	sand.u32 $0x3800, s12;
	s1 =	sand.u32 $0x380, s12  }
0x164: {  	s10 =	sor.u32 s1, s17  }
0x165: {  	v3 =	vld [tilespmem:s10+$0x2E70]  }
0x166: {  	v4 =	vld [tilespmem:s10+$0x7E70]  }
0x167: {  	v5 =	vld [tilespmem:s10+$0x2A00]  }
0x168: {  	v6 =	vld [tilespmem:s10+$0x7A00]  }
0x169: {  	v7 =	vld [tilespmem:s10+$0x2A10]  }
0x16a: {  	v8 =	vld [tilespmem:s10+$0x7A10]  }
0x16b: {  	v9 =	vld [tilespmem:s10+$0x2A20]  }
0x16c: {  	v10 =	vld [tilespmem:s10+$0x2A30];
	v3 =	vadd.f32 v4, v3  }
0x16d: {  	v4 =	vld [tilespmem:s10+$0x7A20]  }
0x16e: {  	v5 =	vadd.f32 v6, v5;
	[tilespmem:s10+$0xCE70] =	vst v3;
	v3 =	vld [tilespmem:s10+$0x7A30]  }
0x16f: {  	v6 =	vld [tilespmem:s10+$0x2A40]  }
0x170: {  	[tilespmem:s10+$0xCA00] =	vst v5;
	v5 =	vadd.f32 v8, v7;
	v7 =	vld [tilespmem:s10+$0x7A40]  }
0x171: {  	v8 =	vld [tilespmem:s10+$0x7A50]  }
0x172: {  	[tilespmem:s10+$0xCA10] =	vst v5;
	v5 =	vld [tilespmem:s10+$0x2A50];
	v4 =	vadd.f32 v4, v9  }
0x173: {  	v9 =	vld [tilespmem:s10+$0x7A60];
	v3 =	vadd.f32 v3, v10  }
0x174: {  	[tilespmem:s10+$0xCA20] =	vst v4;
	v4 =	vld [tilespmem:s10+$0x2A60]  }
0x175: {  	[tilespmem:s10+$0xCA30] =	vst v3;
	v3 =	vadd.f32 v7, v6;
	v6 =	vld [tilespmem:s10+$0x2A70]  }
0x176: {  	v7 =	vld [tilespmem:s10+$0x7A70]  }
0x177: {  	[tilespmem:s10+$0xCA40] =	vst v3;
	v3 =	vadd.f32 v8, v5;
	v5 =	vld [tilespmem:s10+$0x2E00]  }
0x178: {  	v8 =	vld [tilespmem:s10+$0x7E00]  }
0x179: {  	[tilespmem:s10+$0xCA50] =	vst v3;
	v3 =	vadd.f32 v9, v4;
	v4 =	vld [tilespmem:s10+$0x2E10]  }
0x17a: {  	v9 =	vld [tilespmem:s10+$0x7E10]  }
0x17b: {  	[tilespmem:s10+$0xCA60] =	vst v3;
	v3 =	vadd.f32 v7, v6;
	v6 =	vld [tilespmem:s10+$0x2E20]  }
0x17c: {  	v7 =	vld [tilespmem:s10+$0x7E20]  }
0x17d: {  	v10 =	vld [tilespmem:s10+$0x7E30]  }
0x17e: {  	[tilespmem:s10+$0xCA70] =	vst v3;
	v3 =	vadd.f32 v8, v5;
	v8 =	vld [tilespmem:s10+$0x2E30]  }
0x17f: {  	v5 =	vld [tilespmem:s10+$0x7E40];
	v4 =	vadd.f32 v9, v4  }
0x180: {  	[tilespmem:s10+$0xCE00] =	vst v3;
	v3 =	vld [tilespmem:s10+$0x2E40]  }
0x181: {  	[tilespmem:s10+$0xCE10] =	vst v4;
	v7 =	vadd.f32 v7, v6;
	v4 =	vld [tilespmem:s10+$0x2E50]  }
0x182: {  	s18 =	simm.s32 $0x100;
	s12 =	simm.s32 $0x80;
	v6 =	vld [tilespmem:s10+$0x7E50]  }
0x183: {  	s1 =	sand.u32 $0x3800, s18;
	s19 =	sand.u32 $0x380, s12;
	[tilespmem:s10+$0xCE20] =	vst v7;
	v7 =	vld [tilespmem:s10+$0x2E60];
	v9 =	vadd.f32 v10, v8  }
0x184: {  	s17 =	sor.u32 s19, s1;
	s1 =	simm.s32 $0x200;
	v8 =	vld [tilespmem:s10+$0x7E60]  }
.LBB2_5:
0x185: {  	p0 =	sne.s32 s1, $0x2700;
	v10 =	vld [tilespmem:s17+$0x2E70];
	[tilespmem:s10+$0xCE30] =	vst v9;
	v3 =	vadd.f32 v5, v3  }
0x186: {  	v5 =	vld [tilespmem:s17+$0x7E70]  }
0x187: {  	v9 =	vld [tilespmem:s17+$0x2A00];
	[tilespmem:s10+$0xCE40] =	vst v3;
	v3 =	vadd.f32 v6, v4  }
0x188: {  	v4 =	vld [tilespmem:s17+$0x7A00]  }
0x189: {  	v6 =	vld [tilespmem:s17+$0x2A10];
	[tilespmem:s10+$0xCE50] =	vst v3;
	v3 =	vadd.f32 v8, v7  }
0x18a: {  	v7 =	vld [tilespmem:s17+$0x7A10]  }
0x18b: {  	v8 =	vld [tilespmem:s17+$0x2A20];
	v5 =	vadd.f32 v5, v10;
	[tilespmem:s10+$0xCE60] =	vst v3;
	s10 =	smov.u32 s17  }
0x18c: {  	v3 =	vld [tilespmem:s10+$0x7A20]  }
0x18d: {  	v4 =	vadd.f32 v4, v9;
	v9 =	vld [tilespmem:s10+$0x2A30];
	[tilespmem:s10+$0xCE70] =	vst v5  }
0x18e: {  	v5 =	vld [tilespmem:s10+$0x7A30]  }
0x18f: {  	[tilespmem:s10+$0xCA00] =	vst v4;
	v4 =	vadd.f32 v7, v6;
	v6 =	vld [tilespmem:s10+$0x2A40]  }
0x190: {  	v7 =	vld [tilespmem:s10+$0x7A40]  }
0x191: {  	[tilespmem:s10+$0xCA10] =	vst v4;
	v3 =	vadd.f32 v3, v8;
	v4 =	vld [tilespmem:s10+$0x2A50]  }
0x192: {  	v8 =	vld [tilespmem:s10+$0x7A50]  }
0x193: {  	[tilespmem:s10+$0xCA20] =	vst v3;
	v3 =	vadd.f32 v5, v9;
	v5 =	vld [tilespmem:s10+$0x2A60]  }
0x194: {  	v9 =	vld [tilespmem:s10+$0x7A60]  }
0x195: {  	[tilespmem:s10+$0xCA30] =	vst v3;
	v3 =	vadd.f32 v7, v6;
	v6 =	vld [tilespmem:s10+$0x2A70]  }
0x196: {  	v7 =	vld [tilespmem:s10+$0x7A70]  }
0x197: {  	[tilespmem:s10+$0xCA40] =	vst v3;
	v3 =	vadd.f32 v8, v4;
	v4 =	vld [tilespmem:s10+$0x2E00]  }
0x198: {  	v8 =	vld [tilespmem:s10+$0x7E00]  }
0x199: {  	[tilespmem:s10+$0xCA50] =	vst v3;
	v3 =	vadd.f32 v9, v5;
	v5 =	vld [tilespmem:s10+$0x2E10]  }
0x19a: {  	v9 =	vld [tilespmem:s10+$0x7E10]  }
0x19b: {  	[tilespmem:s10+$0xCA60] =	vst v3;
	v3 =	vadd.f32 v7, v6;
	v6 =	vld [tilespmem:s10+$0x2E20]  }
0x19c: {  	v7 =	vld [tilespmem:s10+$0x7E20]  }
0x19d: {  	[tilespmem:s10+$0xCA70] =	vst v3;
	v3 =	vadd.f32 v8, v4;
	v8 =	vld [tilespmem:s10+$0x2E30]  }
0x19e: {  	v10 =	vld [tilespmem:s10+$0x7E30]  }
0x19f: {  	[tilespmem:s10+$0xCE00] =	vst v3;
	v4 =	vadd.f32 v9, v5;
	v3 =	vld [tilespmem:s10+$0x2E40]  }
.Ltmp1:
0x1a0: {  	v5 =	vld [tilespmem:s10+$0x7E40];
	(pc) =	sbr.rel @p0 .LBB2_5-.Ltmp1, $4  }
0x1a1: {  	[tilespmem:s10+$0xCE10] =	vst v4;
	v7 =	vadd.f32 v7, v6;
	v4 =	vld [tilespmem:s10+$0x2E50]  }
0x1a2: {  	s12 =	sadd.s32 $0x80, s12;
	v6 =	vld [tilespmem:s10+$0x7E50]  }
0x1a3: {  	s18 =	sand.u32 $0x380, s12;
	s17 =	sand.u32 $0x3800, s1;
	[tilespmem:s10+$0xCE20] =	vst v7;
	v9 =	vadd.f32 v10, v8;
	v7 =	vld [tilespmem:s10+$0x2E60]  }
0x1a4: {  	s1 =	sadd.s32 $0x100, s1;
	s17 =	sor.u32 s18, s17;
	v8 =	vld [tilespmem:s10+$0x7E60]  }
0x1a5: {  	v10 =	vld [tilespmem:s17+$0x2E70];
	[tilespmem:s10+$0xCE30] =	vst v9;
	v3 =	vadd.f32 v5, v3  }
0x1a6: {  	v33 =	vld [tilespmem:s17+$0x7E70]  }
0x1a7: {  	v9 =	vld [tilespmem:s17+$0x2A00];
	[tilespmem:s10+$0xCE40] =	vst v3;
	v3 =	vadd.f32 v6, v4  }
0x1a8: {  	v34 =	vld [tilespmem:s17+$0x7A00]  }
0x1a9: {  	v35 =	vld [tilespmem:s17+$0x2A10];
	[tilespmem:s10+$0xCE50] =	vst v3;
	v3 =	vadd.f32 v8, v7  }
0x1aa: {  	v36 =	vld [tilespmem:s17+$0x7A10]  }
0x1ab: {  	v37 =	vld [tilespmem:s17+$0x2A20];
	[tilespmem:s10+$0xCE60] =	vst v3  }
0x1ac: {  	v38 =	vld [tilespmem:s17+$0x7A20]  }
0x1ad: {  	v3 =	vadd.f32 v33, v10;
	v39 =	vld [tilespmem:s17+$0x2A30]  }
0x1ae: {  	v41 =	vld [tilespmem:s17+$0x2A40]  }
0x1af: {  	[tilespmem:s17+$0xCE70] =	vst v3;
	v3 =	vld [tilespmem:s17+$0x7A30]  }
0x1b0: {  	v42 =	vld [tilespmem:s17+$0x7A40]  }
0x1b1: {  	v44 =	vld [tilespmem:s17+$0x2A50]  }
0x1b2: {  	v45 =	vld [tilespmem:s17+$0x7A50]  }
0x1b3: {  	v46 =	vld [tilespmem:s17+$0x2A60]  }
0x1b4: {  	v47 =	vld [tilespmem:s17+$0x7A60];
	v3 =	vadd.f32 v3, v39  }
0x1b5: {  	v48 =	vld [tilespmem:s17+$0x2A70]  }
0x1b6: {  	v49 =	vld [tilespmem:s17+$0x7A70];
	[tilespmem:s17+$0xCA30] =	vst v3;
	v3 =	vadd.f32 v42, v41  }
0x1b7: {  	v50 =	vld [tilespmem:s17+$0x2E00]  }
0x1b8: {  	v51 =	vld [tilespmem:s17+$0x7E00];
	[tilespmem:s17+$0xCA40] =	vst v3;
	v3 =	vadd.f32 v45, v44  }
0x1b9: {  	v52 =	vld [tilespmem:s17+$0x2E10]  }
0x1ba: {  	v53 =	vld [tilespmem:s17+$0x7E10];
	[tilespmem:s17+$0xCA50] =	vst v3;
	v3 =	vadd.f32 v47, v46  }
0x1bb: {  	v54 =	vld [tilespmem:s17+$0x2E20]  }
0x1bc: {  	v55 =	vld [tilespmem:s17+$0x7E20];
	[tilespmem:s17+$0xCA60] =	vst v3;
	v3 =	vadd.f32 v49, v48  }
0x1bd: {  	v56 =	vld [tilespmem:s17+$0x2E30]  }
0x1be: {  	v57 =	vld [tilespmem:s17+$0x7E30];
	[tilespmem:s17+$0xCA70] =	vst v3;
	v3 =	vadd.f32 v51, v50  }
0x1bf: {  	v58 =	vld [tilespmem:s17+$0x2E40]  }
0x1c0: {  	v59 =	vld [tilespmem:s17+$0x7E40];
	[tilespmem:s17+$0xCE00] =	vst v3;
	v3 =	vadd.f32 v53, v52  }
0x1c1: {  	v60 =	vld [tilespmem:s17+$0x2E50]  }
0x1c2: {  	v61 =	vld [tilespmem:s17+$0x7E50];
	[tilespmem:s17+$0xCE10] =	vst v3;
	v3 =	vadd.f32 v55, v54  }
0x1c3: {  	v62 =	vld [tilespmem:s17+$0x7E60];
	v4 =	vadd.f32 v34, v9  }
0x1c4: {  	v40 =	vadd.f32 v36, v35;
	[tilespmem:s17+$0xCE20] =	vst v3;
	v3 =	vld [tilespmem:s17+$0x2E60]  }
0x1c5: {  	[tilespmem:s17+$0xCA00] =	vst v4;
	v43 =	vadd.f32 v38, v37  }
0x1c6: {  	s13 =	sadd.s32 $0x1, s13;
	[tilespmem:s17+$0xCA10] =	vst v40;
	v5 =	vadd.f32 v57, v56  }
0x1c7: {  	p0 =	sne.s32 s13, $0x7D;
	v4 =	vadd.f32 v59, v58;
	[tilespmem:s17+$0xCA20] =	vst v43  }
.Ltmp2:
0x1c8: {  	v63 =	vadd.f32 v61, v60;
	[tilespmem:s17+$0xCE30] =	vst v5;
	(pc) =	sbr.rel @p0 .LBB2_2-.Ltmp2, $4  }
0x1c9: {  	[tilespmem:s17+$0xCE40] =	vst v4;
	v3 =	vadd.f32 v62, v3  }
0x1ca: {  	s1 =	sshll.u32 s16, $0x5;
	[tilespmem:s17+$0xCE50] =	vst v63  }
0x1cb: {  	s1 =	sadd.s32 s8, s1;
	[tilespmem:s17+$0xCE60] =	vst v3  }
0x1cc: {  	[hbm4b:s1+s3] =	stream.linear.scatter [tilespmem:s31], [sflag:$0x4], $0x2800, $0x38;
	[tilespmem:$0xF200] =	vst v63  }
0x1cd: {  	s1 =	simm.s32 $0x3  }
0x1ce: {  	_ =	swait.ge [sflag:s1], $0x2800  }
0x1cf: {  	[sflag:s1] =	ssyncset.done $0x0  }
0x1d0: {  	[sflag:s1] =	ssyncadd.s32 $0xFFFFD800  }
0x1d1: {  	_ =	swait.ge [sflag:s11], $0x2800  }
0x1d2: {  	s10 =	rddreg [dreg:$0x8]  }
0x1d3: {  	s19 =	rddreg [dreg:$0x7];
	s10 =	sadd.s32 $0x1, s10  }
0x1d4: {  	p0 =	sne.s32 s10, s19  }
.Ltmp3:
0x1d5: {  	_ = 	snop;
	(pc) =	sbr.rel @p0 .LBB2_1-.Ltmp3, $3  }
0x1d6: {  	_ =	sdelay $0x1  }
0x1d7: {  	[sflag:s11] =	ssyncset.done $0x0  }
0x1d8: {  	[sflag:s11] =	ssyncadd.s32 $0xFFFFD800  }
0x1d9: {  	_ =	sfence.sel $0x180000  }
0x1da: {  	[bflag:$0x0] =	sbarrier.arrive $0xFFFF  }
0x1db: {  	_ =	strace $0x90000047  }
0x1dc: {  	s0 =	stileid.u32;
	[bflag:$0x2] =	sbarrier.arrive $0xFFFF  }
0x1dd: {  	p0 =	sne.s32 s0, $0x0;
	s0 =	rddreg [dreg:$0x2]  }
0x1de: {  	s0 =	sadd.s32 @!p0 $0x100000, s0  }
0x1df: {  	[sflag:s0] =	ssyncadd.tile.s32 @!p0 $0x1;
	_ =	shalt  }
.Lfunc_end2:
_tile_overlayer_lowered:
.L_overlay_start_2:
0x1e0: {  	(tag) =	ssettag $0x2  }
0x1e1: {  	s0 =	rddreg [dreg:$0x0];
	s2 =	stileid.u32  }
0x1e2: {  	s1 =	rddreg [dreg:$0x1];
	p0 =	sne.s32 s2, $0x0  }
0x1e3: {  	s3 =	rddreg [dreg:$0x2];
	[bflag:$0x3] =	sbarrier.arrive $0xFFFF;
	s2 =	simm.s32 @!p0 $0x1C07  }
0x1e4: {  	[timem:s3], [sflag:s2] =	dma.local @!p0 [hbm:s0], s1  }
0x1e5: {  	s0 =	simm.s32 @!p0 $0x7  }
0x1e6: {  	_ =	swait.ge @!p0 [sflag:s0], s1  }
0x1e7: {  	s1 =	ssub.s32 @!p0 $0x0, s1;
	[sflag:s0] =	ssyncset.done @!p0 $0x0  }
0x1e8: {  	[sflag:s0] =	ssyncadd.s32 @!p0 s1  }
0x1e9: {  	[bflag:$0x3] =	sbarrier.arrive $0xFFFF  }
0x1ea: {  	_ =	shalt  }

</sc_bundles>
